<compile_context>
chip_gen: v7x
topology: tpu7x:2x2x1
jax: 0.10.2.dev20260603
libtpu: 0.0.44.dev20260713+nightly
codegen_flags: <defaults>
</compile_context>

<pallas_src>
import functools

import jax
import jax.numpy as jnp
from jax import lax
from jax.experimental import pallas as pl
from jax.experimental.pallas import tpu as pltpu
from jax.experimental.pallas import tpu_sc as plsc

M = 128
M_SHIFT = 7
L = 16
NCHUNK = 4


def _sc_route_dispatch(x, gi, B, D, G, NB, P):
    info = plsc.get_sparse_core_info()
    NC, NS = info.num_cores, info.num_subcores
    NW = NC * NS
    tpw = B // NW
    nv = tpw // L
    nv_all = B // L
    mesh = plsc.VectorSubcoreMesh(core_axis_name="c", subcore_axis_name="s")

    @functools.partial(
        pl.kernel,
        mesh=mesh,
        out_type=(
            jax.ShapeDtypeStruct((P, D), jnp.float32),
            jax.ShapeDtypeStruct((NB,), jnp.int32),
            jax.ShapeDtypeStruct((B // L, L), jnp.int32),
        ),
        scratch_types=[
            pltpu.VMEM((B,), jnp.int32),
            pltpu.VMEM((tpw, D), jnp.float32),
            pltpu.VMEM((NCHUNK, L), jnp.int32),
            pltpu.VMEM((((NB + L - 1) // L) * L,), jnp.int32),
            pltpu.SemaphoreType.DMA,
            pltpu.SemaphoreType.DMA,
        ],
        compiler_params=pltpu.CompilerParams(needs_layout_passes=False),
    )
    def k(x_hbm, gi_hbm, xs_hbm, bg_hbm, slots_hbm, gi_v, rows_v, slot_v,
          bg_v, sem_x, sem_s):
        wid = lax.axis_index("s") * NC + lax.axis_index("c")
        base = wid * tpw
        cp_x = [
            pltpu.async_copy(
                x_hbm.at[pl.ds(base + c * L, L)],
                rows_v.at[pl.ds(c * L, L)],
                sem_x,
            )
            for c in range(NCHUNK)
        ]
        pltpu.sync_copy(gi_hbm, gi_v)

        zero_s = jnp.int32(0)
        tots = [zero_s] * G
        prevs = [zero_s] * G

        def count_body(i, carry):
            tots, prevs = list(carry[0]), list(carry[1])
            vec = gi_v[pl.ds(i * L, L)]
            before = jnp.where(i < wid * nv, jnp.int32(1), jnp.int32(0))
            for g in range(G):
                pc = jnp.sum((vec == g).astype(jnp.int32))
                tots[g] = tots[g] + pc
                prevs[g] = prevs[g] + pc * before
            return (tuple(tots), tuple(prevs))

        tots, prevs = lax.fori_loop(0, nv_all, count_body,
                                    (tuple(tots), tuple(prevs)))

        nblk = [(tots[g] + (M - 1)) >> M_SHIFT for g in range(G)]
        blk_start = []
        acc = zero_s
        for g in range(G):
            blk_start.append(acc)
            acc = acc + nblk[g]
        blk_cum = [blk_start[g] + nblk[g] for g in range(G)]

        iota = lax.iota(jnp.int32, L)
        zero_v = jnp.zeros((L,), jnp.int32)
        for half in range((NB + L - 1) // L):
            ivec = iota + half * L
            bg = zero_v
            for g in range(G):
                bg = bg + jnp.where(ivec >= blk_cum[g], 1, 0).astype(jnp.int32)
            bg_v[pl.ds(half * L, L)] = jnp.minimum(bg, G - 1)

        @pl.when(wid == 0)
        def _():
            pltpu.sync_copy(bg_v.at[pl.ds(0, NB)], bg_hbm)

        carry = [prevs[g] for g in range(G)]
        for v in range(nv):
            vec = gi_v[pl.ds((wid * nv + v) * L, L)]
            slot = zero_v
            for g in range(G):
                mi = (vec == g).astype(jnp.int32)
                rank = plsc.cumsum(mi) - mi + carry[g]
                slot = slot + mi * (blk_start[g] * M + rank)
                carry[g] = carry[g] + jnp.sum(mi)
            slot_v[v] = slot

        pltpu.sync_copy(slot_v, slots_hbm.at[pl.ds(wid * NCHUNK, NCHUNK)])
        cp_s = []
        for c in range(NCHUNK):
            cp_x[c].wait()
            cp_s.append(
                pltpu.async_copy(
                    rows_v.at[pl.ds(c * L, L)],
                    xs_hbm.at[slot_v.at[c]],
                    sem_s,
                )
            )
        for c in range(NCHUNK):
            cp_s[c].wait()

    return k(x, gi)


def _sc_combine(y_sorted, slots, B, P, D):
    info = plsc.get_sparse_core_info()
    NC, NS = info.num_cores, info.num_subcores
    NW = NC * NS
    tpw = B // NW
    mesh = plsc.VectorSubcoreMesh(core_axis_name="c", subcore_axis_name="s")

    @functools.partial(
        pl.kernel,
        mesh=mesh,
        out_type=jax.ShapeDtypeStruct((B, D), jnp.float32),
        scratch_types=[
            pltpu.VMEM((NCHUNK, L), jnp.int32),
            pltpu.VMEM((tpw, D), jnp.float32),
            pltpu.SemaphoreType.DMA,
            pltpu.SemaphoreType.DMA,
        ],
        compiler_params=pltpu.CompilerParams(needs_layout_passes=False),
    )
    def k(ys_hbm, slots_hbm, y_hbm, slot_v, rows_v, sem_g, sem_w):
        wid = lax.axis_index("s") * NC + lax.axis_index("c")
        base = wid * tpw
        pltpu.sync_copy(slots_hbm.at[pl.ds(wid * NCHUNK, NCHUNK)], slot_v)
        cp_g = [
            pltpu.async_copy(
                ys_hbm.at[slot_v.at[c]],
                rows_v.at[pl.ds(c * L, L)],
                sem_g,
            )
            for c in range(NCHUNK)
        ]
        cp_w = []
        for c in range(NCHUNK):
            cp_g[c].wait()
            cp_w.append(
                pltpu.async_copy(
                    rows_v.at[pl.ds(c * L, L)],
                    y_hbm.at[pl.ds(base + c * L, L)],
                    sem_w,
                )
            )
        for c in range(NCHUNK):
            cp_w[c].wait()

    return k(y_sorted, slots)


def _tc_grouped_matmul(x_sorted, W, b, block_group, NB, D):
    def body(bg_ref, x_ref, w_ref, b_ref, o_ref):
        o_ref[...] = (
            jnp.dot(x_ref[...], w_ref[0], preferred_element_type=jnp.float32)
            + b_ref[0]
        )

    G = W.shape[0]
    grid_spec = pltpu.PrefetchScalarGridSpec(
        num_scalar_prefetch=1,
        grid=(NB,),
        in_specs=[
            pl.BlockSpec((M, D), lambda i, bg: (i, 0)),
            pl.BlockSpec((1, D, D), lambda i, bg: (bg[i], 0, 0)),
            pl.BlockSpec((1, 1, D), lambda i, bg: (bg[i], 0, 0)),
        ],
        out_specs=pl.BlockSpec((M, D), lambda i, bg: (i, 0)),
    )
    return pl.pallas_call(
        body,
        grid_spec=grid_spec,
        out_shape=jax.ShapeDtypeStruct((NB * M, D), jnp.float32),
    )(block_group, x_sorted, W, b.reshape(G, 1, D))


def kernel(x, group_indices, W, b):
    B, D = x.shape
    G = W.shape[0]
    NB = B // M + G
    P = NB * M
    gi = group_indices.astype(jnp.int32)
    x_sorted, block_group, slots = _sc_route_dispatch(x, gi, B, D, G, NB, P)
    y_sorted = _tc_grouped_matmul(x_sorted, W, b, block_group, NB, D)
    return _sc_combine(y_sorted, slots, B, P, D)

# --- scband reference (transcript-rebuilt; emitter-appended) ---
"""Pipeline reference for scband-deep-gemmgrouped-linear-76802605187562 (READ-ONLY COPY).

The authoritative reference and input builder live on the scoring server;
editing this copy changes nothing except your own understanding.
"""

import jax, jax.numpy as jnp
import numpy as np

B, D, G = 2048, 1024, 8

def setup_inputs(seed: int = 0) -> dict:
    key = jax.random.key(seed)
    k1, k2, k3, k4 = jax.random.split(key, 4)
    x = jax.random.normal(k1, (B, D), dtype=jnp.float32)
    group_indices = jax.random.randint(k2, (B,), 0, G)
    # kaiming_normal over fan_in=D for weight of shape (G, out, in)
    W = jax.random.normal(k3, (G, D, D), dtype=jnp.float32) * np.sqrt(2.0 / D)
    bscale = 1.0 / np.sqrt(D)
    b = jax.random.uniform(k4, (G, D), dtype=jnp.float32, minval=0.0, maxval=bscale)
    return {"x": x, "group_indices": group_indices, "W": W, "b": b}

def reference(x, group_indices, W, b):
    # Faithful to the original forward: for each token with group g,
    # out = jnp.matmul(x_tok, W[g]) + b[g], i.e. y[t, j] = sum_k x[t, k] * W[g, k, j]
    # (matmul contracts x's last dim with W[g]'s second-to-last dim; in==out so shapes line up).
    # Implemented densely via one-hot select over groups (grouped-GEMM equivalent math).
    num_groups = W.shape[0]
    onehot = jax.nn.one_hot(group_indices, num_groups, dtype=x.dtype)  # [B, G]
    full = jnp.einsum('bk,gkj->bgj', x, W)                             # [B, G, D]
    y = jnp.einsum('bg,bgj->bj', onehot, full)                         # select assigned group
    y = y + onehot @ b                                                 # per-group bias
    return y.astype(jnp.float32)

if __name__ == "__main__":
    import jax
    _d = setup_inputs()
    print(jax.jit(kernel)(*tuple(_d.values())))

</pallas_src>

<mosaic_0001>
#map = affine_map<(d0, d1) -> (0, 0)>
module attributes {stable_mosaic.version = 14 : i64} {
  func.func @k(%arg0: i32, %arg1: i32, %arg2: memref<3072x1024xf32, #tpu.memory_space<hbm>>, %arg3: memref<128x16xi32, #tpu.memory_space<hbm>>, %arg4: memref<2048x1024xf32, #tpu.memory_space<hbm>>, %arg5: memref<4x16xi32, #tpu.memory_space<vmem>>, %arg6: memref<64x1024xf32, #tpu.memory_space<vmem>>, %arg7: memref<!tpu.dma_semaphore, #tpu.memory_space<semaphore_mem>>, %arg8: memref<!tpu.dma_semaphore, #tpu.memory_space<semaphore_mem>>) attributes {dimension_semantics = [#tpu.dimension_semantics<core_parallel>, #tpu.dimension_semantics<subcore_parallel>], iteration_bounds = array<i64: 2, 16>, scalar_prefetch = 0 : i64, scratch_operands = 4 : i64, tpu.core_type = #tpu.core_type<sc_vector_subcore>, window_params = [{transform_indices = #map}, {transform_indices = #map}, {transform_indices = #map}]} {
    %mul3A = arith.constant 2 : i32
    %mul3A_0 = arith.muli %arg1, %mul3A : i32
    %add3A = arith.addi %mul3A_0, %arg0 : i32
    %mul3A_1 = arith.constant 64 : i32
    %mul3A_2 = arith.muli %add3A, %mul3A_1 : i32
    %mul3A_3 = arith.constant 4 : i32
    %mul3A_4 = arith.muli %add3A, %mul3A_3 : i32
    "tpu.region"() ({
      %run_scoped3A = tpu.sem_alloc : memref<!tpu.dma_semaphore, #tpu.memory_space<semaphore_mem>>
      %dma_start3A_171 = arith.constant 0 : i32
      %dma_start3A_172 = tpu.memref_slice %arg3[%mul3A_4, %dma_start3A_171] : memref<128x16xi32, #tpu.memory_space<hbm>> -> memref<4x16xi32, #tpu.memory_space<hbm>>
      %dma_start3A_173 = arith.constant 0 : i32
      %dma_start3A_174 = tpu.memref_slice %arg3[%mul3A_4, %dma_start3A_173] : memref<128x16xi32, #tpu.memory_space<hbm>> -> memref<4x16xi32, #tpu.memory_space<hbm>>
      tpu.enqueue_dma source(%dma_start3A_174 : memref<4x16xi32, #tpu.memory_space<hbm>>) target(%arg5 : memref<4x16xi32, #tpu.memory_space<vmem>>) target_semaphore(%run_scoped3A : memref<!tpu.dma_semaphore, #tpu.memory_space<semaphore_mem>>)
      %dma_wait3A_175 = arith.constant 0 : i32
      %dma_wait3A_176 = tpu.memref_slice %arg3[%mul3A_4, %dma_wait3A_175] : memref<128x16xi32, #tpu.memory_space<hbm>> -> memref<4x16xi32, #tpu.memory_space<hbm>>
      %dma_wait3A_177 = arith.constant 0 : i32
      %dma_wait3A_178 = tpu.memref_slice %arg3[%mul3A_4, %dma_wait3A_177] : memref<128x16xi32, #tpu.memory_space<hbm>> -> memref<4x16xi32, #tpu.memory_space<hbm>>
      tpu.wait_dma2 semaphore(%run_scoped3A : memref<!tpu.dma_semaphore, #tpu.memory_space<semaphore_mem>>) src(%dma_wait3A_178 : memref<4x16xi32, #tpu.memory_space<hbm>>) dst(%arg5 : memref<4x16xi32, #tpu.memory_space<vmem>>)
      tpu.yield
    }) : () -> ()
    %dma_start3A = arith.constant 0 : i32
    %dma_start3A_5 = arith.constant 0 : i32
    %dma_start3A_6 = arith.constant 0 : i32
    %dma_start3A_7 = tpu.memref_slice %arg6[%dma_start3A_5, %dma_start3A_6] : memref<64x1024xf32, #tpu.memory_space<vmem>> -> memref<16x1024xf32, #tpu.memory_space<vmem>>
    %dma_start3A_8 = arith.constant 0 : i32
    %dma_start3A_9 = tpu.memref_slice %arg5[%dma_start3A, %dma_start3A_8] : memref<4x16xi32, #tpu.memory_space<vmem>> -> memref<1x16xi32, #tpu.memory_space<vmem>>
    %dma_start3A_10 = tpu.memref_squeeze %dma_start3A_9 : memref<1x16xi32, #tpu.memory_space<vmem>> -> memref<16xi32, #tpu.memory_space<vmem>>
    %dma_start3A_11 = arith.constant 0 : i32
    %dma_start3A_12 = arith.constant 0 : i32
    %dma_start3A_13 = tpu.memref_slice %arg2[%dma_start3A_11, %dma_start3A_12] : memref<3072x1024xf32, #tpu.memory_space<hbm>> -> memref<3072x1024xf32, #tpu.memory_space<hbm>>
    tpu.enqueue_indirect_dma source(%dma_start3A_13 : memref<3072x1024xf32, #tpu.memory_space<hbm>>) target(%dma_start3A_7 : memref<16x1024xf32, #tpu.memory_space<vmem>>) offsets(%dma_start3A_10 : memref<16xi32, #tpu.memory_space<vmem>>) semaphore(%arg7 : memref<!tpu.dma_semaphore, #tpu.memory_space<semaphore_mem>>)
    %dma_start3A_14 = arith.constant 1 : i32
    %dma_start3A_15 = arith.constant 16 : i32
    %dma_start3A_16 = arith.constant 0 : i32
    %dma_start3A_17 = tpu.memref_slice %arg6[%dma_start3A_15, %dma_start3A_16] : memref<64x1024xf32, #tpu.memory_space<vmem>> -> memref<16x1024xf32, #tpu.memory_space<vmem>>
    %dma_start3A_18 = arith.constant 0 : i32
    %dma_start3A_19 = tpu.memref_slice %arg5[%dma_start3A_14, %dma_start3A_18] : memref<4x16xi32, #tpu.memory_space<vmem>> -> memref<1x16xi32, #tpu.memory_space<vmem>>
    %dma_start3A_20 = tpu.memref_squeeze %dma_start3A_19 : memref<1x16xi32, #tpu.memory_space<vmem>> -> memref<16xi32, #tpu.memory_space<vmem>>
    %dma_start3A_21 = arith.constant 0 : i32
    %dma_start3A_22 = arith.constant 0 : i32
    %dma_start3A_23 = tpu.memref_slice %arg2[%dma_start3A_21, %dma_start3A_22] : memref<3072x1024xf32, #tpu.memory_space<hbm>> -> memref<3072x1024xf32, #tpu.memory_space<hbm>>
    tpu.enqueue_indirect_dma source(%dma_start3A_23 : memref<3072x1024xf32, #tpu.memory_space<hbm>>) target(%dma_start3A_17 : memref<16x1024xf32, #tpu.memory_space<vmem>>) offsets(%dma_start3A_20 : memref<16xi32, #tpu.memory_space<vmem>>) semaphore(%arg7 : memref<!tpu.dma_semaphore, #tpu.memory_space<semaphore_mem>>)
    %dma_start3A_24 = arith.constant 2 : i32
    %dma_start3A_25 = arith.constant 32 : i32
    %dma_start3A_26 = arith.constant 0 : i32
    %dma_start3A_27 = tpu.memref_slice %arg6[%dma_start3A_25, %dma_start3A_26] : memref<64x1024xf32, #tpu.memory_space<vmem>> -> memref<16x1024xf32, #tpu.memory_space<vmem>>
    %dma_start3A_28 = arith.constant 0 : i32
    %dma_start3A_29 = tpu.memref_slice %arg5[%dma_start3A_24, %dma_start3A_28] : memref<4x16xi32, #tpu.memory_space<vmem>> -> memref<1x16xi32, #tpu.memory_space<vmem>>
    %dma_start3A_30 = tpu.memref_squeeze %dma_start3A_29 : memref<1x16xi32, #tpu.memory_space<vmem>> -> memref<16xi32, #tpu.memory_space<vmem>>
    %dma_start3A_31 = arith.constant 0 : i32
    %dma_start3A_32 = arith.constant 0 : i32
    %dma_start3A_33 = tpu.memref_slice %arg2[%dma_start3A_31, %dma_start3A_32] : memref<3072x1024xf32, #tpu.memory_space<hbm>> -> memref<3072x1024xf32, #tpu.memory_space<hbm>>
    tpu.enqueue_indirect_dma source(%dma_start3A_33 : memref<3072x1024xf32, #tpu.memory_space<hbm>>) target(%dma_start3A_27 : memref<16x1024xf32, #tpu.memory_space<vmem>>) offsets(%dma_start3A_30 : memref<16xi32, #tpu.memory_space<vmem>>) semaphore(%arg7 : memref<!tpu.dma_semaphore, #tpu.memory_space<semaphore_mem>>)
    %dma_start3A_34 = arith.constant 3 : i32
    %dma_start3A_35 = arith.constant 48 : i32
    %dma_start3A_36 = arith.constant 0 : i32
    %dma_start3A_37 = tpu.memref_slice %arg6[%dma_start3A_35, %dma_start3A_36] : memref<64x1024xf32, #tpu.memory_space<vmem>> -> memref<16x1024xf32, #tpu.memory_space<vmem>>
    %dma_start3A_38 = arith.constant 0 : i32
    %dma_start3A_39 = tpu.memref_slice %arg5[%dma_start3A_34, %dma_start3A_38] : memref<4x16xi32, #tpu.memory_space<vmem>> -> memref<1x16xi32, #tpu.memory_space<vmem>>
    %dma_start3A_40 = tpu.memref_squeeze %dma_start3A_39 : memref<1x16xi32, #tpu.memory_space<vmem>> -> memref<16xi32, #tpu.memory_space<vmem>>
    %dma_start3A_41 = arith.constant 0 : i32
    %dma_start3A_42 = arith.constant 0 : i32
    %dma_start3A_43 = tpu.memref_slice %arg2[%dma_start3A_41, %dma_start3A_42] : memref<3072x1024xf32, #tpu.memory_space<hbm>> -> memref<3072x1024xf32, #tpu.memory_space<hbm>>
    tpu.enqueue_indirect_dma source(%dma_start3A_43 : memref<3072x1024xf32, #tpu.memory_space<hbm>>) target(%dma_start3A_37 : memref<16x1024xf32, #tpu.memory_space<vmem>>) offsets(%dma_start3A_40 : memref<16xi32, #tpu.memory_space<vmem>>) semaphore(%arg7 : memref<!tpu.dma_semaphore, #tpu.memory_space<semaphore_mem>>)
    %dma_wait3A = arith.constant 0 : i32
    %dma_wait3A_44 = arith.constant 0 : i32
    %dma_wait3A_45 = arith.constant 0 : i32
    %dma_wait3A_46 = tpu.memref_slice %arg6[%dma_wait3A_44, %dma_wait3A_45] : memref<64x1024xf32, #tpu.memory_space<vmem>> -> memref<16x1024xf32, #tpu.memory_space<vmem>>
    %dma_wait3A_47 = arith.constant 0 : i32
    %dma_wait3A_48 = tpu.memref_slice %arg5[%dma_wait3A, %dma_wait3A_47] : memref<4x16xi32, #tpu.memory_space<vmem>> -> memref<1x16xi32, #tpu.memory_space<vmem>>
    %dma_wait3A_49 = tpu.memref_squeeze %dma_wait3A_48 : memref<1x16xi32, #tpu.memory_space<vmem>> -> memref<16xi32, #tpu.memory_space<vmem>>
    %dma_wait3A_50 = arith.constant 0 : i32
    %dma_wait3A_51 = arith.constant 0 : i32
    %dma_wait3A_52 = tpu.memref_slice %arg2[%dma_wait3A_50, %dma_wait3A_51] : memref<3072x1024xf32, #tpu.memory_space<hbm>> -> memref<3072x1024xf32, #tpu.memory_space<hbm>>
    tpu.wait_indirect_dma semaphore(%arg7 : memref<!tpu.dma_semaphore, #tpu.memory_space<semaphore_mem>>) src(%dma_wait3A_52 : memref<3072x1024xf32, #tpu.memory_space<hbm>>) dst(%dma_wait3A_46 : memref<16x1024xf32, #tpu.memory_space<vmem>>)
    %add3A_53 = arith.constant 0 : i32
    %add3A_54 = arith.addi %mul3A_2, %add3A_53 : i32
    %dma_start3A_55 = arith.constant 0 : i32
    %dma_start3A_56 = arith.constant 0 : i32
    %dma_start3A_57 = tpu.memref_slice %arg6[%dma_start3A_55, %dma_start3A_56] : memref<64x1024xf32, #tpu.memory_space<vmem>> -> memref<16x1024xf32, #tpu.memory_space<vmem>>
    %dma_start3A_58 = arith.constant 0 : i32
    %dma_start3A_59 = tpu.memref_slice %arg4[%add3A_54, %dma_start3A_58] : memref<2048x1024xf32, #tpu.memory_space<hbm>> -> memref<16x1024xf32, #tpu.memory_space<hbm>>
    %dma_start3A_60 = arith.constant 0 : i32
    %dma_start3A_61 = tpu.memref_slice %arg4[%add3A_54, %dma_start3A_60] : memref<2048x1024xf32, #tpu.memory_space<hbm>> -> memref<16x1024xf32, #tpu.memory_space<hbm>>
    %dma_start3A_62 = arith.constant 0 : i32
    %dma_start3A_63 = arith.constant 0 : i32
    %dma_start3A_64 = tpu.memref_slice %arg6[%dma_start3A_62, %dma_start3A_63] : memref<64x1024xf32, #tpu.memory_space<vmem>> -> memref<16x1024xf32, #tpu.memory_space<vmem>>
    tpu.enqueue_dma source(%dma_start3A_64 : memref<16x1024xf32, #tpu.memory_space<vmem>>) target(%dma_start3A_61 : memref<16x1024xf32, #tpu.memory_space<hbm>>) target_semaphore(%arg8 : memref<!tpu.dma_semaphore, #tpu.memory_space<semaphore_mem>>)
    %dma_wait3A_65 = arith.constant 1 : i32
    %dma_wait3A_66 = arith.constant 16 : i32
    %dma_wait3A_67 = arith.constant 0 : i32
    %dma_wait3A_68 = tpu.memref_slice %arg6[%dma_wait3A_66, %dma_wait3A_67] : memref<64x1024xf32, #tpu.memory_space<vmem>> -> memref<16x1024xf32, #tpu.memory_space<vmem>>
    %dma_wait3A_69 = arith.constant 0 : i32
    %dma_wait3A_70 = tpu.memref_slice %arg5[%dma_wait3A_65, %dma_wait3A_69] : memref<4x16xi32, #tpu.memory_space<vmem>> -> memref<1x16xi32, #tpu.memory_space<vmem>>
    %dma_wait3A_71 = tpu.memref_squeeze %dma_wait3A_70 : memref<1x16xi32, #tpu.memory_space<vmem>> -> memref<16xi32, #tpu.memory_space<vmem>>
    %dma_wait3A_72 = arith.constant 0 : i32
    %dma_wait3A_73 = arith.constant 0 : i32
    %dma_wait3A_74 = tpu.memref_slice %arg2[%dma_wait3A_72, %dma_wait3A_73] : memref<3072x1024xf32, #tpu.memory_space<hbm>> -> memref<3072x1024xf32, #tpu.memory_space<hbm>>
    tpu.wait_indirect_dma semaphore(%arg7 : memref<!tpu.dma_semaphore, #tpu.memory_space<semaphore_mem>>) src(%dma_wait3A_74 : memref<3072x1024xf32, #tpu.memory_space<hbm>>) dst(%dma_wait3A_68 : memref<16x1024xf32, #tpu.memory_space<vmem>>)
    %add3A_75 = arith.constant 16 : i32
    %add3A_76 = arith.addi %mul3A_2, %add3A_75 : i32
    %dma_start3A_77 = arith.constant 16 : i32
    %dma_start3A_78 = arith.constant 0 : i32
    %dma_start3A_79 = tpu.memref_slice %arg6[%dma_start3A_77, %dma_start3A_78] : memref<64x1024xf32, #tpu.memory_space<vmem>> -> memref<16x1024xf32, #tpu.memory_space<vmem>>
    %dma_start3A_80 = arith.constant 0 : i32
    %dma_start3A_81 = tpu.memref_slice %arg4[%add3A_76, %dma_start3A_80] : memref<2048x1024xf32, #tpu.memory_space<hbm>> -> memref<16x1024xf32, #tpu.memory_space<hbm>>
    %dma_start3A_82 = arith.constant 0 : i32
    %dma_start3A_83 = tpu.memref_slice %arg4[%add3A_76, %dma_start3A_82] : memref<2048x1024xf32, #tpu.memory_space<hbm>> -> memref<16x1024xf32, #tpu.memory_space<hbm>>
    %dma_start3A_84 = arith.constant 16 : i32
    %dma_start3A_85 = arith.constant 0 : i32
    %dma_start3A_86 = tpu.memref_slice %arg6[%dma_start3A_84, %dma_start3A_85] : memref<64x1024xf32, #tpu.memory_space<vmem>> -> memref<16x1024xf32, #tpu.memory_space<vmem>>
    tpu.enqueue_dma source(%dma_start3A_86 : memref<16x1024xf32, #tpu.memory_space<vmem>>) target(%dma_start3A_83 : memref<16x1024xf32, #tpu.memory_space<hbm>>) target_semaphore(%arg8 : memref<!tpu.dma_semaphore, #tpu.memory_space<semaphore_mem>>)
    %dma_wait3A_87 = arith.constant 2 : i32
    %dma_wait3A_88 = arith.constant 32 : i32
    %dma_wait3A_89 = arith.constant 0 : i32
    %dma_wait3A_90 = tpu.memref_slice %arg6[%dma_wait3A_88, %dma_wait3A_89] : memref<64x1024xf32, #tpu.memory_space<vmem>> -> memref<16x1024xf32, #tpu.memory_space<vmem>>
    %dma_wait3A_91 = arith.constant 0 : i32
    %dma_wait3A_92 = tpu.memref_slice %arg5[%dma_wait3A_87, %dma_wait3A_91] : memref<4x16xi32, #tpu.memory_space<vmem>> -> memref<1x16xi32, #tpu.memory_space<vmem>>
    %dma_wait3A_93 = tpu.memref_squeeze %dma_wait3A_92 : memref<1x16xi32, #tpu.memory_space<vmem>> -> memref<16xi32, #tpu.memory_space<vmem>>
    %dma_wait3A_94 = arith.constant 0 : i32
    %dma_wait3A_95 = arith.constant 0 : i32
    %dma_wait3A_96 = tpu.memref_slice %arg2[%dma_wait3A_94, %dma_wait3A_95] : memref<3072x1024xf32, #tpu.memory_space<hbm>> -> memref<3072x1024xf32, #tpu.memory_space<hbm>>
    tpu.wait_indirect_dma semaphore(%arg7 : memref<!tpu.dma_semaphore, #tpu.memory_space<semaphore_mem>>) src(%dma_wait3A_96 : memref<3072x1024xf32, #tpu.memory_space<hbm>>) dst(%dma_wait3A_90 : memref<16x1024xf32, #tpu.memory_space<vmem>>)
    %add3A_97 = arith.constant 32 : i32
    %add3A_98 = arith.addi %mul3A_2, %add3A_97 : i32
    %dma_start3A_99 = arith.constant 32 : i32
    %dma_start3A_100 = arith.constant 0 : i32
    %dma_start3A_101 = tpu.memref_slice %arg6[%dma_start3A_99, %dma_start3A_100] : memref<64x1024xf32, #tpu.memory_space<vmem>> -> memref<16x1024xf32, #tpu.memory_space<vmem>>
    %dma_start3A_102 = arith.constant 0 : i32
    %dma_start3A_103 = tpu.memref_slice %arg4[%add3A_98, %dma_start3A_102] : memref<2048x1024xf32, #tpu.memory_space<hbm>> -> memref<16x1024xf32, #tpu.memory_space<hbm>>
    %dma_start3A_104 = arith.constant 0 : i32
    %dma_start3A_105 = tpu.memref_slice %arg4[%add3A_98, %dma_start3A_104] : memref<2048x1024xf32, #tpu.memory_space<hbm>> -> memref<16x1024xf32, #tpu.memory_space<hbm>>
    %dma_start3A_106 = arith.constant 32 : i32
    %dma_start3A_107 = arith.constant 0 : i32
    %dma_start3A_108 = tpu.memref_slice %arg6[%dma_start3A_106, %dma_start3A_107] : memref<64x1024xf32, #tpu.memory_space<vmem>> -> memref<16x1024xf32, #tpu.memory_space<vmem>>
    tpu.enqueue_dma source(%dma_start3A_108 : memref<16x1024xf32, #tpu.memory_space<vmem>>) target(%dma_start3A_105 : memref<16x1024xf32, #tpu.memory_space<hbm>>) target_semaphore(%arg8 : memref<!tpu.dma_semaphore, #tpu.memory_space<semaphore_mem>>)
    %dma_wait3A_109 = arith.constant 3 : i32
    %dma_wait3A_110 = arith.constant 48 : i32
    %dma_wait3A_111 = arith.constant 0 : i32
    %dma_wait3A_112 = tpu.memref_slice %arg6[%dma_wait3A_110, %dma_wait3A_111] : memref<64x1024xf32, #tpu.memory_space<vmem>> -> memref<16x1024xf32, #tpu.memory_space<vmem>>
    %dma_wait3A_113 = arith.constant 0 : i32
    %dma_wait3A_114 = tpu.memref_slice %arg5[%dma_wait3A_109, %dma_wait3A_113] : memref<4x16xi32, #tpu.memory_space<vmem>> -> memref<1x16xi32, #tpu.memory_space<vmem>>
    %dma_wait3A_115 = tpu.memref_squeeze %dma_wait3A_114 : memref<1x16xi32, #tpu.memory_space<vmem>> -> memref<16xi32, #tpu.memory_space<vmem>>
    %dma_wait3A_116 = arith.constant 0 : i32
    %dma_wait3A_117 = arith.constant 0 : i32
    %dma_wait3A_118 = tpu.memref_slice %arg2[%dma_wait3A_116, %dma_wait3A_117] : memref<3072x1024xf32, #tpu.memory_space<hbm>> -> memref<3072x1024xf32, #tpu.memory_space<hbm>>
    tpu.wait_indirect_dma semaphore(%arg7 : memref<!tpu.dma_semaphore, #tpu.memory_space<semaphore_mem>>) src(%dma_wait3A_118 : memref<3072x1024xf32, #tpu.memory_space<hbm>>) dst(%dma_wait3A_112 : memref<16x1024xf32, #tpu.memory_space<vmem>>)
    %add3A_119 = arith.constant 48 : i32
    %add3A_120 = arith.addi %mul3A_2, %add3A_119 : i32
    %dma_start3A_121 = arith.constant 48 : i32
    %dma_start3A_122 = arith.constant 0 : i32
    %dma_start3A_123 = tpu.memref_slice %arg6[%dma_start3A_121, %dma_start3A_122] : memref<64x1024xf32, #tpu.memory_space<vmem>> -> memref<16x1024xf32, #tpu.memory_space<vmem>>
    %dma_start3A_124 = arith.constant 0 : i32
    %dma_start3A_125 = tpu.memref_slice %arg4[%add3A_120, %dma_start3A_124] : memref<2048x1024xf32, #tpu.memory_space<hbm>> -> memref<16x1024xf32, #tpu.memory_space<hbm>>
    %dma_start3A_126 = arith.constant 0 : i32
    %dma_start3A_127 = tpu.memref_slice %arg4[%add3A_120, %dma_start3A_126] : memref<2048x1024xf32, #tpu.memory_space<hbm>> -> memref<16x1024xf32, #tpu.memory_space<hbm>>
    %dma_start3A_128 = arith.constant 48 : i32
    %dma_start3A_129 = arith.constant 0 : i32
    %dma_start3A_130 = tpu.memref_slice %arg6[%dma_start3A_128, %dma_start3A_129] : memref<64x1024xf32, #tpu.memory_space<vmem>> -> memref<16x1024xf32, #tpu.memory_space<vmem>>
    tpu.enqueue_dma source(%dma_start3A_130 : memref<16x1024xf32, #tpu.memory_space<vmem>>) target(%dma_start3A_127 : memref<16x1024xf32, #tpu.memory_space<hbm>>) target_semaphore(%arg8 : memref<!tpu.dma_semaphore, #tpu.memory_space<semaphore_mem>>)
    %dma_wait3A_131 = arith.constant 0 : i32
    %dma_wait3A_132 = arith.constant 0 : i32
    %dma_wait3A_133 = tpu.memref_slice %arg6[%dma_wait3A_131, %dma_wait3A_132] : memref<64x1024xf32, #tpu.memory_space<vmem>> -> memref<16x1024xf32, #tpu.memory_space<vmem>>
    %dma_wait3A_134 = arith.constant 0 : i32
    %dma_wait3A_135 = tpu.memref_slice %arg4[%add3A_54, %dma_wait3A_134] : memref<2048x1024xf32, #tpu.memory_space<hbm>> -> memref<16x1024xf32, #tpu.memory_space<hbm>>
    %dma_wait3A_136 = arith.constant 0 : i32
    %dma_wait3A_137 = tpu.memref_slice %arg4[%add3A_54, %dma_wait3A_136] : memref<2048x1024xf32, #tpu.memory_space<hbm>> -> memref<16x1024xf32, #tpu.memory_space<hbm>>
    %dma_wait3A_138 = arith.constant 0 : i32
    %dma_wait3A_139 = arith.constant 0 : i32
    %dma_wait3A_140 = tpu.memref_slice %arg6[%dma_wait3A_138, %dma_wait3A_139] : memref<64x1024xf32, #tpu.memory_space<vmem>> -> memref<16x1024xf32, #tpu.memory_space<vmem>>
    tpu.wait_dma2 semaphore(%arg8 : memref<!tpu.dma_semaphore, #tpu.memory_space<semaphore_mem>>) src(%dma_wait3A_140 : memref<16x1024xf32, #tpu.memory_space<vmem>>) dst(%dma_wait3A_137 : memref<16x1024xf32, #tpu.memory_space<hbm>>)
    %dma_wait3A_141 = arith.constant 16 : i32
    %dma_wait3A_142 = arith.constant 0 : i32
    %dma_wait3A_143 = tpu.memref_slice %arg6[%dma_wait3A_141, %dma_wait3A_142] : memref<64x1024xf32, #tpu.memory_space<vmem>> -> memref<16x1024xf32, #tpu.memory_space<vmem>>
    %dma_wait3A_144 = arith.constant 0 : i32
    %dma_wait3A_145 = tpu.memref_slice %arg4[%add3A_76, %dma_wait3A_144] : memref<2048x1024xf32, #tpu.memory_space<hbm>> -> memref<16x1024xf32, #tpu.memory_space<hbm>>
    %dma_wait3A_146 = arith.constant 0 : i32
    %dma_wait3A_147 = tpu.memref_slice %arg4[%add3A_76, %dma_wait3A_146] : memref<2048x1024xf32, #tpu.memory_space<hbm>> -> memref<16x1024xf32, #tpu.memory_space<hbm>>
    %dma_wait3A_148 = arith.constant 16 : i32
    %dma_wait3A_149 = arith.constant 0 : i32
    %dma_wait3A_150 = tpu.memref_slice %arg6[%dma_wait3A_148, %dma_wait3A_149] : memref<64x1024xf32, #tpu.memory_space<vmem>> -> memref<16x1024xf32, #tpu.memory_space<vmem>>
    tpu.wait_dma2 semaphore(%arg8 : memref<!tpu.dma_semaphore, #tpu.memory_space<semaphore_mem>>) src(%dma_wait3A_150 : memref<16x1024xf32, #tpu.memory_space<vmem>>) dst(%dma_wait3A_147 : memref<16x1024xf32, #tpu.memory_space<hbm>>)
    %dma_wait3A_151 = arith.constant 32 : i32
    %dma_wait3A_152 = arith.constant 0 : i32
    %dma_wait3A_153 = tpu.memref_slice %arg6[%dma_wait3A_151, %dma_wait3A_152] : memref<64x1024xf32, #tpu.memory_space<vmem>> -> memref<16x1024xf32, #tpu.memory_space<vmem>>
    %dma_wait3A_154 = arith.constant 0 : i32
    %dma_wait3A_155 = tpu.memref_slice %arg4[%add3A_98, %dma_wait3A_154] : memref<2048x1024xf32, #tpu.memory_space<hbm>> -> memref<16x1024xf32, #tpu.memory_space<hbm>>
    %dma_wait3A_156 = arith.constant 0 : i32
    %dma_wait3A_157 = tpu.memref_slice %arg4[%add3A_98, %dma_wait3A_156] : memref<2048x1024xf32, #tpu.memory_space<hbm>> -> memref<16x1024xf32, #tpu.memory_space<hbm>>
    %dma_wait3A_158 = arith.constant 32 : i32
    %dma_wait3A_159 = arith.constant 0 : i32
    %dma_wait3A_160 = tpu.memref_slice %arg6[%dma_wait3A_158, %dma_wait3A_159] : memref<64x1024xf32, #tpu.memory_space<vmem>> -> memref<16x1024xf32, #tpu.memory_space<vmem>>
    tpu.wait_dma2 semaphore(%arg8 : memref<!tpu.dma_semaphore, #tpu.memory_space<semaphore_mem>>) src(%dma_wait3A_160 : memref<16x1024xf32, #tpu.memory_space<vmem>>) dst(%dma_wait3A_157 : memref<16x1024xf32, #tpu.memory_space<hbm>>)
    %dma_wait3A_161 = arith.constant 48 : i32
    %dma_wait3A_162 = arith.constant 0 : i32
    %dma_wait3A_163 = tpu.memref_slice %arg6[%dma_wait3A_161, %dma_wait3A_162] : memref<64x1024xf32, #tpu.memory_space<vmem>> -> memref<16x1024xf32, #tpu.memory_space<vmem>>
    %dma_wait3A_164 = arith.constant 0 : i32
    %dma_wait3A_165 = tpu.memref_slice %arg4[%add3A_120, %dma_wait3A_164] : memref<2048x1024xf32, #tpu.memory_space<hbm>> -> memref<16x1024xf32, #tpu.memory_space<hbm>>
    %dma_wait3A_166 = arith.constant 0 : i32
    %dma_wait3A_167 = tpu.memref_slice %arg4[%add3A_120, %dma_wait3A_166] : memref<2048x1024xf32, #tpu.memory_space<hbm>> -> memref<16x1024xf32, #tpu.memory_space<hbm>>
    %dma_wait3A_168 = arith.constant 48 : i32
    %dma_wait3A_169 = arith.constant 0 : i32
    %dma_wait3A_170 = tpu.memref_slice %arg6[%dma_wait3A_168, %dma_wait3A_169] : memref<64x1024xf32, #tpu.memory_space<vmem>> -> memref<16x1024xf32, #tpu.memory_space<vmem>>
    tpu.wait_dma2 semaphore(%arg8 : memref<!tpu.dma_semaphore, #tpu.memory_space<semaphore_mem>>) src(%dma_wait3A_170 : memref<16x1024xf32, #tpu.memory_space<vmem>>) dst(%dma_wait3A_167 : memref<16x1024xf32, #tpu.memory_space<hbm>>)
    return
  }
}

#map = affine_map<(d0, d1) -> (0, 0)>
#map1 = affine_map<(d0, d1) -> (0)>
module attributes {stable_mosaic.version = 14 : i64} {
  func.func @k(%arg0: i32, %arg1: i32, %arg2: memref<2048x1024xf32, #tpu.memory_space<hbm>>, %arg3: memref<2048xi32, #tpu.memory_space<hbm>>, %arg4: memref<3072x1024xf32, #tpu.memory_space<hbm>>, %arg5: memref<24xi32, #tpu.memory_space<hbm>>, %arg6: memref<128x16xi32, #tpu.memory_space<hbm>>, %arg7: memref<2048xi32, #tpu.memory_space<vmem>>, %arg8: memref<64x1024xf32, #tpu.memory_space<vmem>>, %arg9: memref<4x16xi32, #tpu.memory_space<vmem>>, %arg10: memref<32xi32, #tpu.memory_space<vmem>>, %arg11: memref<!tpu.dma_semaphore, #tpu.memory_space<semaphore_mem>>, %arg12: memref<!tpu.dma_semaphore, #tpu.memory_space<semaphore_mem>>) attributes {dimension_semantics = [#tpu.dimension_semantics<core_parallel>, #tpu.dimension_semantics<subcore_parallel>], iteration_bounds = array<i64: 2, 16>, scalar_prefetch = 0 : i64, scratch_operands = 6 : i64, tpu.core_type = #tpu.core_type<sc_vector_subcore>, window_params = [{transform_indices = #map}, {transform_indices = #map1}, {transform_indices = #map}, {transform_indices = #map1}, {transform_indices = #map}]} {
    %mul3A = arith.constant 2 : i32
    %mul3A_0 = arith.muli %arg1, %mul3A : i32
    %add3A = arith.addi %mul3A_0, %arg0 : i32
    %mul3A_1 = arith.constant 64 : i32
    %mul3A_2 = arith.muli %add3A, %mul3A_1 : i32
    %add3A_3 = arith.constant 0 : i32
    %add3A_4 = arith.addi %mul3A_2, %add3A_3 : i32
    %dma_start3A = arith.constant 0 : i32
    %dma_start3A_5 = arith.constant 0 : i32
    %dma_start3A_6 = tpu.memref_slice %arg8[%dma_start3A, %dma_start3A_5] : memref<64x1024xf32, #tpu.memory_space<vmem>> -> memref<16x1024xf32, #tpu.memory_space<vmem>>
    %dma_start3A_7 = arith.constant 0 : i32
    %dma_start3A_8 = tpu.memref_slice %arg2[%add3A_4, %dma_start3A_7] : memref<2048x1024xf32, #tpu.memory_space<hbm>> -> memref<16x1024xf32, #tpu.memory_space<hbm>>
    %dma_start3A_9 = arith.constant 0 : i32
    %dma_start3A_10 = arith.constant 0 : i32
    %dma_start3A_11 = tpu.memref_slice %arg8[%dma_start3A_9, %dma_start3A_10] : memref<64x1024xf32, #tpu.memory_space<vmem>> -> memref<16x1024xf32, #tpu.memory_space<vmem>>
    %dma_start3A_12 = arith.constant 0 : i32
    %dma_start3A_13 = tpu.memref_slice %arg2[%add3A_4, %dma_start3A_12] : memref<2048x1024xf32, #tpu.memory_space<hbm>> -> memref<16x1024xf32, #tpu.memory_space<hbm>>
    tpu.enqueue_dma source(%dma_start3A_13 : memref<16x1024xf32, #tpu.memory_space<hbm>>) target(%dma_start3A_11 : memref<16x1024xf32, #tpu.memory_space<vmem>>) target_semaphore(%arg11 : memref<!tpu.dma_semaphore, #tpu.memory_space<semaphore_mem>>)
    %add3A_14 = arith.constant 16 : i32
    %add3A_15 = arith.addi %mul3A_2, %add3A_14 : i32
    %dma_start3A_16 = arith.constant 16 : i32
    %dma_start3A_17 = arith.constant 0 : i32
    %dma_start3A_18 = tpu.memref_slice %arg8[%dma_start3A_16, %dma_start3A_17] : memref<64x1024xf32, #tpu.memory_space<vmem>> -> memref<16x1024xf32, #tpu.memory_space<vmem>>
    %dma_start3A_19 = arith.constant 0 : i32
    %dma_start3A_20 = tpu.memref_slice %arg2[%add3A_15, %dma_start3A_19] : memref<2048x1024xf32, #tpu.memory_space<hbm>> -> memref<16x1024xf32, #tpu.memory_space<hbm>>
    %dma_start3A_21 = arith.constant 16 : i32
    %dma_start3A_22 = arith.constant 0 : i32
    %dma_start3A_23 = tpu.memref_slice %arg8[%dma_start3A_21, %dma_start3A_22] : memref<64x1024xf32, #tpu.memory_space<vmem>> -> memref<16x1024xf32, #tpu.memory_space<vmem>>
    %dma_start3A_24 = arith.constant 0 : i32
    %dma_start3A_25 = tpu.memref_slice %arg2[%add3A_15, %dma_start3A_24] : memref<2048x1024xf32, #tpu.memory_space<hbm>> -> memref<16x1024xf32, #tpu.memory_space<hbm>>
    tpu.enqueue_dma source(%dma_start3A_25 : memref<16x1024xf32, #tpu.memory_space<hbm>>) target(%dma_start3A_23 : memref<16x1024xf32, #tpu.memory_space<vmem>>) target_semaphore(%arg11 : memref<!tpu.dma_semaphore, #tpu.memory_space<semaphore_mem>>)
    %add3A_26 = arith.constant 32 : i32
    %add3A_27 = arith.addi %mul3A_2, %add3A_26 : i32
    %dma_start3A_28 = arith.constant 32 : i32
    %dma_start3A_29 = arith.constant 0 : i32
    %dma_start3A_30 = tpu.memref_slice %arg8[%dma_start3A_28, %dma_start3A_29] : memref<64x1024xf32, #tpu.memory_space<vmem>> -> memref<16x1024xf32, #tpu.memory_space<vmem>>
    %dma_start3A_31 = arith.constant 0 : i32
    %dma_start3A_32 = tpu.memref_slice %arg2[%add3A_27, %dma_start3A_31] : memref<2048x1024xf32, #tpu.memory_space<hbm>> -> memref<16x1024xf32, #tpu.memory_space<hbm>>
    %dma_start3A_33 = arith.constant 32 : i32
    %dma_start3A_34 = arith.constant 0 : i32
    %dma_start3A_35 = tpu.memref_slice %arg8[%dma_start3A_33, %dma_start3A_34] : memref<64x1024xf32, #tpu.memory_space<vmem>> -> memref<16x1024xf32, #tpu.memory_space<vmem>>
    %dma_start3A_36 = arith.constant 0 : i32
    %dma_start3A_37 = tpu.memref_slice %arg2[%add3A_27, %dma_start3A_36] : memref<2048x1024xf32, #tpu.memory_space<hbm>> -> memref<16x1024xf32, #tpu.memory_space<hbm>>
    tpu.enqueue_dma source(%dma_start3A_37 : memref<16x1024xf32, #tpu.memory_space<hbm>>) target(%dma_start3A_35 : memref<16x1024xf32, #tpu.memory_space<vmem>>) target_semaphore(%arg11 : memref<!tpu.dma_semaphore, #tpu.memory_space<semaphore_mem>>)
    %add3A_38 = arith.constant 48 : i32
    %add3A_39 = arith.addi %mul3A_2, %add3A_38 : i32
    %dma_start3A_40 = arith.constant 48 : i32
    %dma_start3A_41 = arith.constant 0 : i32
    %dma_start3A_42 = tpu.memref_slice %arg8[%dma_start3A_40, %dma_start3A_41] : memref<64x1024xf32, #tpu.memory_space<vmem>> -> memref<16x1024xf32, #tpu.memory_space<vmem>>
    %dma_start3A_43 = arith.constant 0 : i32
    %dma_start3A_44 = tpu.memref_slice %arg2[%add3A_39, %dma_start3A_43] : memref<2048x1024xf32, #tpu.memory_space<hbm>> -> memref<16x1024xf32, #tpu.memory_space<hbm>>
    %dma_start3A_45 = arith.constant 48 : i32
    %dma_start3A_46 = arith.constant 0 : i32
    %dma_start3A_47 = tpu.memref_slice %arg8[%dma_start3A_45, %dma_start3A_46] : memref<64x1024xf32, #tpu.memory_space<vmem>> -> memref<16x1024xf32, #tpu.memory_space<vmem>>
    %dma_start3A_48 = arith.constant 0 : i32
    %dma_start3A_49 = tpu.memref_slice %arg2[%add3A_39, %dma_start3A_48] : memref<2048x1024xf32, #tpu.memory_space<hbm>> -> memref<16x1024xf32, #tpu.memory_space<hbm>>
    tpu.enqueue_dma source(%dma_start3A_49 : memref<16x1024xf32, #tpu.memory_space<hbm>>) target(%dma_start3A_47 : memref<16x1024xf32, #tpu.memory_space<vmem>>) target_semaphore(%arg11 : memref<!tpu.dma_semaphore, #tpu.memory_space<semaphore_mem>>)
    "tpu.region"() ({
      %run_scoped3A = tpu.sem_alloc : memref<!tpu.dma_semaphore, #tpu.memory_space<semaphore_mem>>
      tpu.enqueue_dma source(%arg3 : memref<2048xi32, #tpu.memory_space<hbm>>) target(%arg7 : memref<2048xi32, #tpu.memory_space<vmem>>) target_semaphore(%run_scoped3A : memref<!tpu.dma_semaphore, #tpu.memory_space<semaphore_mem>>)
      tpu.wait_dma2 semaphore(%run_scoped3A : memref<!tpu.dma_semaphore, #tpu.memory_space<semaphore_mem>>) src(%arg3 : memref<2048xi32, #tpu.memory_space<hbm>>) dst(%arg7 : memref<2048xi32, #tpu.memory_space<vmem>>)
      tpu.yield
    }) : () -> ()
    %scan3A = arith.constant 0 : i32
    %scan3A_50 = arith.constant 0 : i32
    %scan3A_51 = arith.constant 0 : i32
    %scan3A_52 = arith.constant 0 : i32
    %scan3A_53 = arith.constant 0 : i32
    %scan3A_54 = arith.constant 0 : i32
    %scan3A_55 = arith.constant 0 : i32
    %scan3A_56 = arith.constant 0 : i32
    %scan3A_57 = arith.constant 0 : i32
    %scan3A_58 = arith.constant 0 : i32
    %scan3A_59 = arith.constant 0 : i32
    %scan3A_60 = arith.constant 0 : i32
    %scan3A_61 = arith.constant 0 : i32
    %scan3A_62 = arith.constant 0 : i32
    %scan3A_63 = arith.constant 0 : i32
    %scan3A_64 = arith.constant 0 : i32
    %scan3A_65 = arith.constant 0 : i32
    %scan3A_66 = arith.constant 128 : i32
    %scan3A_67 = arith.addi %scan3A_65, %scan3A_66 : i32
    %scan3A_68 = arith.constant 1 : i32
    %scan3A_69:16 = scf.for %scan3A_1103 = %scan3A_65 to %scan3A_67 step %scan3A_68 iter_args(%scan3A_1104 = %scan3A, %scan3A_1105 = %scan3A_50, %scan3A_1106 = %scan3A_51, %scan3A_1107 = %scan3A_52, %scan3A_1108 = %scan3A_53, %scan3A_1109 = %scan3A_54, %scan3A_1110 = %scan3A_55, %scan3A_1111 = %scan3A_56, %scan3A_1112 = %scan3A_57, %scan3A_1113 = %scan3A_58, %scan3A_1114 = %scan3A_59, %scan3A_1115 = %scan3A_60, %scan3A_1116 = %scan3A_61, %scan3A_1117 = %scan3A_62, %scan3A_1118 = %scan3A_63, %scan3A_1119 = %scan3A_64) -> (i32, i32, i32, i32, i32, i32, i32, i32, i32, i32, i32, i32, i32, i32, i32, i32)  : i32 {
      %mul3A_1120 = arith.constant 16 : i32
      %mul3A_1121 = arith.muli %scan3A_1103, %mul3A_1120 : i32
      %get3A_1122 = arith.index_cast %mul3A_1121 : i32 to index
      %get3A_1123 = tpu.vector_load %arg7[%get3A_1122] {strides = array<i32>} : memref<2048xi32, #tpu.memory_space<vmem>>, vector<16xi32>,
      %mul3A_1124 = arith.constant 4 : i32
      %mul3A_1125 = arith.muli %add3A, %mul3A_1124 : i32
      %lt3A = arith.cmpi slt, %scan3A_1103, %mul3A_1125 : i32
      %jit3A_1126 = arith.constant 1 : i32
      %jit3A_1127 = arith.constant 0 : i32
      %select_n3A_1128 = arith.select %lt3A, %jit3A_1126, %jit3A_1127 : i32
      %eq3A_1129 = arith.constant 0 : i32
      %eq3A_1130 = vector.broadcast %eq3A_1129 : i32 to vector<16xi32>
      %eq3A_1131 = arith.cmpi eq, %get3A_1123, %eq3A_1130 : vector<16xi32>
      %convert_element_type3A_1132 = arith.extui %eq3A_1131 : vector<16xi1> to vector<16xi32>
      %reduce_sum3A_1133 = arith.constant true
      %reduce_sum3A_1134 = vector.broadcast %reduce_sum3A_1133 : i1 to vector<16xi1>
      %reduce_sum3A_1135 = tpu.scan <sum>, %convert_element_type3A_1132 masked %reduce_sum3A_1134 : vector<16xi32>, vector<16xi1> -> vector<16xi32>
      %reduce_sum3A_1136 = vector.extract %reduce_sum3A_1135[15] : i32 from vector<16xi32>
      %add3A_1137 = arith.addi %scan3A_1104, %reduce_sum3A_1136 : i32
      %mul3A_1138 = arith.muli %reduce_sum3A_1136, %select_n3A_1128 : i32
      %add3A_1139 = arith.addi %scan3A_1112, %mul3A_1138 : i32
      %eq3A_1140 = arith.constant 1 : i32
      %eq3A_1141 = vector.broadcast %eq3A_1140 : i32 to vector<16xi32>
      %eq3A_1142 = arith.cmpi eq, %get3A_1123, %eq3A_1141 : vector<16xi32>
      %convert_element_type3A_1143 = arith.extui %eq3A_1142 : vector<16xi1> to vector<16xi32>
      %reduce_sum3A_1144 = arith.constant true
      %reduce_sum3A_1145 = vector.broadcast %reduce_sum3A_1144 : i1 to vector<16xi1>
      %reduce_sum3A_1146 = tpu.scan <sum>, %convert_element_type3A_1143 masked %reduce_sum3A_1145 : vector<16xi32>, vector<16xi1> -> vector<16xi32>
      %reduce_sum3A_1147 = vector.extract %reduce_sum3A_1146[15] : i32 from vector<16xi32>
      %add3A_1148 = arith.addi %scan3A_1105, %reduce_sum3A_1147 : i32
      %mul3A_1149 = arith.muli %reduce_sum3A_1147, %select_n3A_1128 : i32
      %add3A_1150 = arith.addi %scan3A_1113, %mul3A_1149 : i32
      %eq3A_1151 = arith.constant 2 : i32
      %eq3A_1152 = vector.broadcast %eq3A_1151 : i32 to vector<16xi32>
      %eq3A_1153 = arith.cmpi eq, %get3A_1123, %eq3A_1152 : vector<16xi32>
      %convert_element_type3A_1154 = arith.extui %eq3A_1153 : vector<16xi1> to vector<16xi32>
      %reduce_sum3A_1155 = arith.constant true
      %reduce_sum3A_1156 = vector.broadcast %reduce_sum3A_1155 : i1 to vector<16xi1>
      %reduce_sum3A_1157 = tpu.scan <sum>, %convert_element_type3A_1154 masked %reduce_sum3A_1156 : vector<16xi32>, vector<16xi1> -> vector<16xi32>
      %reduce_sum3A_1158 = vector.extract %reduce_sum3A_1157[15] : i32 from vector<16xi32>
      %add3A_1159 = arith.addi %scan3A_1106, %reduce_sum3A_1158 : i32
      %mul3A_1160 = arith.muli %reduce_sum3A_1158, %select_n3A_1128 : i32
      %add3A_1161 = arith.addi %scan3A_1114, %mul3A_1160 : i32
      %eq3A_1162 = arith.constant 3 : i32
      %eq3A_1163 = vector.broadcast %eq3A_1162 : i32 to vector<16xi32>
      %eq3A_1164 = arith.cmpi eq, %get3A_1123, %eq3A_1163 : vector<16xi32>
      %convert_element_type3A_1165 = arith.extui %eq3A_1164 : vector<16xi1> to vector<16xi32>
      %reduce_sum3A_1166 = arith.constant true
      %reduce_sum3A_1167 = vector.broadcast %reduce_sum3A_1166 : i1 to vector<16xi1>
      %reduce_sum3A_1168 = tpu.scan <sum>, %convert_element_type3A_1165 masked %reduce_sum3A_1167 : vector<16xi32>, vector<16xi1> -> vector<16xi32>
      %reduce_sum3A_1169 = vector.extract %reduce_sum3A_1168[15] : i32 from vector<16xi32>
      %add3A_1170 = arith.addi %scan3A_1107, %reduce_sum3A_1169 : i32
      %mul3A_1171 = arith.muli %reduce_sum3A_1169, %select_n3A_1128 : i32
      %add3A_1172 = arith.addi %scan3A_1115, %mul3A_1171 : i32
      %eq3A_1173 = arith.constant 4 : i32
      %eq3A_1174 = vector.broadcast %eq3A_1173 : i32 to vector<16xi32>
      %eq3A_1175 = arith.cmpi eq, %get3A_1123, %eq3A_1174 : vector<16xi32>
      %convert_element_type3A_1176 = arith.extui %eq3A_1175 : vector<16xi1> to vector<16xi32>
      %reduce_sum3A_1177 = arith.constant true
      %reduce_sum3A_1178 = vector.broadcast %reduce_sum3A_1177 : i1 to vector<16xi1>
      %reduce_sum3A_1179 = tpu.scan <sum>, %convert_element_type3A_1176 masked %reduce_sum3A_1178 : vector<16xi32>, vector<16xi1> -> vector<16xi32>
      %reduce_sum3A_1180 = vector.extract %reduce_sum3A_1179[15] : i32 from vector<16xi32>
      %add3A_1181 = arith.addi %scan3A_1108, %reduce_sum3A_1180 : i32
      %mul3A_1182 = arith.muli %reduce_sum3A_1180, %select_n3A_1128 : i32
      %add3A_1183 = arith.addi %scan3A_1116, %mul3A_1182 : i32
      %eq3A_1184 = arith.constant 5 : i32
      %eq3A_1185 = vector.broadcast %eq3A_1184 : i32 to vector<16xi32>
      %eq3A_1186 = arith.cmpi eq, %get3A_1123, %eq3A_1185 : vector<16xi32>
      %convert_element_type3A_1187 = arith.extui %eq3A_1186 : vector<16xi1> to vector<16xi32>
      %reduce_sum3A_1188 = arith.constant true
      %reduce_sum3A_1189 = vector.broadcast %reduce_sum3A_1188 : i1 to vector<16xi1>
      %reduce_sum3A_1190 = tpu.scan <sum>, %convert_element_type3A_1187 masked %reduce_sum3A_1189 : vector<16xi32>, vector<16xi1> -> vector<16xi32>
      %reduce_sum3A_1191 = vector.extract %reduce_sum3A_1190[15] : i32 from vector<16xi32>
      %add3A_1192 = arith.addi %scan3A_1109, %reduce_sum3A_1191 : i32
      %mul3A_1193 = arith.muli %reduce_sum3A_1191, %select_n3A_1128 : i32
      %add3A_1194 = arith.addi %scan3A_1117, %mul3A_1193 : i32
      %eq3A_1195 = arith.constant 6 : i32
      %eq3A_1196 = vector.broadcast %eq3A_1195 : i32 to vector<16xi32>
      %eq3A_1197 = arith.cmpi eq, %get3A_1123, %eq3A_1196 : vector<16xi32>
      %convert_element_type3A_1198 = arith.extui %eq3A_1197 : vector<16xi1> to vector<16xi32>
      %reduce_sum3A_1199 = arith.constant true
      %reduce_sum3A_1200 = vector.broadcast %reduce_sum3A_1199 : i1 to vector<16xi1>
      %reduce_sum3A_1201 = tpu.scan <sum>, %convert_element_type3A_1198 masked %reduce_sum3A_1200 : vector<16xi32>, vector<16xi1> -> vector<16xi32>
      %reduce_sum3A_1202 = vector.extract %reduce_sum3A_1201[15] : i32 from vector<16xi32>
      %add3A_1203 = arith.addi %scan3A_1110, %reduce_sum3A_1202 : i32
      %mul3A_1204 = arith.muli %reduce_sum3A_1202, %select_n3A_1128 : i32
      %add3A_1205 = arith.addi %scan3A_1118, %mul3A_1204 : i32
      %eq3A_1206 = arith.constant 7 : i32
      %eq3A_1207 = vector.broadcast %eq3A_1206 : i32 to vector<16xi32>
      %eq3A_1208 = arith.cmpi eq, %get3A_1123, %eq3A_1207 : vector<16xi32>
      %convert_element_type3A_1209 = arith.extui %eq3A_1208 : vector<16xi1> to vector<16xi32>
      %reduce_sum3A_1210 = arith.constant true
      %reduce_sum3A_1211 = vector.broadcast %reduce_sum3A_1210 : i1 to vector<16xi1>
      %reduce_sum3A_1212 = tpu.scan <sum>, %convert_element_type3A_1209 masked %reduce_sum3A_1211 : vector<16xi32>, vector<16xi1> -> vector<16xi32>
      %reduce_sum3A_1213 = vector.extract %reduce_sum3A_1212[15] : i32 from vector<16xi32>
      %add3A_1214 = arith.addi %scan3A_1111, %reduce_sum3A_1213 : i32
      %mul3A_1215 = arith.muli %reduce_sum3A_1213, %select_n3A_1128 : i32
      %add3A_1216 = arith.addi %scan3A_1119, %mul3A_1215 : i32
      scf.yield %add3A_1137, %add3A_1148, %add3A_1159, %add3A_1170, %add3A_1181, %add3A_1192, %add3A_1203, %add3A_1214, %add3A_1139, %add3A_1150, %add3A_1161, %add3A_1172, %add3A_1183, %add3A_1194, %add3A_1205, %add3A_1216 : i32, i32, i32, i32, i32, i32, i32, i32, i32, i32, i32, i32, i32, i32, i32, i32
    }
    %scan3A_70 = arith.constant 128 : i32
    %add3A_71 = arith.constant 127 : i32
    %add3A_72 = arith.addi %scan3A_69#0, %add3A_71 : i32
    %shift_right_arithmetic3A = arith.constant 7 : i32
    %shift_right_arithmetic3A_73 = arith.shrsi %add3A_72, %shift_right_arithmetic3A : i32
    %add3A_74 = arith.constant 127 : i32
    %add3A_75 = arith.addi %scan3A_69#1, %add3A_74 : i32
    %shift_right_arithmetic3A_76 = arith.constant 7 : i32
    %shift_right_arithmetic3A_77 = arith.shrsi %add3A_75, %shift_right_arithmetic3A_76 : i32
    %add3A_78 = arith.constant 127 : i32
    %add3A_79 = arith.addi %scan3A_69#2, %add3A_78 : i32
    %shift_right_arithmetic3A_80 = arith.constant 7 : i32
    %shift_right_arithmetic3A_81 = arith.shrsi %add3A_79, %shift_right_arithmetic3A_80 : i32
    %add3A_82 = arith.constant 127 : i32
    %add3A_83 = arith.addi %scan3A_69#3, %add3A_82 : i32
    %shift_right_arithmetic3A_84 = arith.constant 7 : i32
    %shift_right_arithmetic3A_85 = arith.shrsi %add3A_83, %shift_right_arithmetic3A_84 : i32
    %add3A_86 = arith.constant 127 : i32
    %add3A_87 = arith.addi %scan3A_69#4, %add3A_86 : i32
    %shift_right_arithmetic3A_88 = arith.constant 7 : i32
    %shift_right_arithmetic3A_89 = arith.shrsi %add3A_87, %shift_right_arithmetic3A_88 : i32
    %add3A_90 = arith.constant 127 : i32
    %add3A_91 = arith.addi %scan3A_69#5, %add3A_90 : i32
    %shift_right_arithmetic3A_92 = arith.constant 7 : i32
    %shift_right_arithmetic3A_93 = arith.shrsi %add3A_91, %shift_right_arithmetic3A_92 : i32
    %add3A_94 = arith.constant 127 : i32
    %add3A_95 = arith.addi %scan3A_69#6, %add3A_94 : i32
    %shift_right_arithmetic3A_96 = arith.constant 7 : i32
    %shift_right_arithmetic3A_97 = arith.shrsi %add3A_95, %shift_right_arithmetic3A_96 : i32
    %add3A_98 = arith.constant 127 : i32
    %add3A_99 = arith.addi %scan3A_69#7, %add3A_98 : i32
    %shift_right_arithmetic3A_100 = arith.constant 7 : i32
    %shift_right_arithmetic3A_101 = arith.shrsi %add3A_99, %shift_right_arithmetic3A_100 : i32
    %add3A_102 = arith.constant 0 : i32
    %add3A_103 = arith.addi %add3A_102, %shift_right_arithmetic3A_73 : i32
    %add3A_104 = arith.addi %add3A_103, %shift_right_arithmetic3A_77 : i32
    %add3A_105 = arith.addi %add3A_104, %shift_right_arithmetic3A_81 : i32
    %add3A_106 = arith.addi %add3A_105, %shift_right_arithmetic3A_85 : i32
    %add3A_107 = arith.addi %add3A_106, %shift_right_arithmetic3A_89 : i32
    %add3A_108 = arith.addi %add3A_107, %shift_right_arithmetic3A_93 : i32
    %add3A_109 = arith.addi %add3A_108, %shift_right_arithmetic3A_97 : i32
    %add3A_110 = arith.addi %add3A_109, %shift_right_arithmetic3A_101 : i32
    %add3A_111 = arith.constant 0 : i32
    %add3A_112 = arith.addi %add3A_111, %shift_right_arithmetic3A_73 : i32
    %add3A_113 = arith.addi %add3A_103, %shift_right_arithmetic3A_77 : i32
    %add3A_114 = arith.addi %add3A_104, %shift_right_arithmetic3A_81 : i32
    %add3A_115 = arith.addi %add3A_105, %shift_right_arithmetic3A_85 : i32
    %add3A_116 = arith.addi %add3A_106, %shift_right_arithmetic3A_89 : i32
    %add3A_117 = arith.addi %add3A_107, %shift_right_arithmetic3A_93 : i32
    %add3A_118 = arith.addi %add3A_108, %shift_right_arithmetic3A_97 : i32
    %add3A_119 = arith.addi %add3A_109, %shift_right_arithmetic3A_101 : i32
    %iota3A = tpu.iota {dimensions = array<i32: 0>} : vector<16xi32>
    %broadcast_in_dim3A = arith.constant 0 : i32
    %broadcast_in_dim3A_120 = vector.broadcast %broadcast_in_dim3A : i32 to vector<16xi32>
    %add3A_121 = arith.constant 0 : i32
    %add3A_122 = vector.broadcast %add3A_121 : i32 to vector<16xi32>
    %add3A_123 = arith.addi %iota3A, %add3A_122 : vector<16xi32>
    %ge3A = vector.broadcast %add3A_112 : i32 to vector<16xi32>
    %ge3A_124 = arith.cmpi sge, %add3A_123, %ge3A : vector<16xi32>
    %jit3A = arith.constant 1 : i32
    %jit3A_125 = arith.constant 0 : i32
    %broadcast_in_dim3A_126 = vector.broadcast %jit3A : i32 to vector<16xi32>
    %broadcast_in_dim3A_127 = vector.broadcast %jit3A_125 : i32 to vector<16xi32>
    %select_n3A = arith.select %ge3A_124, %broadcast_in_dim3A_126, %broadcast_in_dim3A_127 : vector<16xi1>, vector<16xi32>
    %add3A_128 = arith.addi %broadcast_in_dim3A_120, %select_n3A : vector<16xi32>
    %ge3A_129 = vector.broadcast %add3A_113 : i32 to vector<16xi32>
    %ge3A_130 = arith.cmpi sge, %add3A_123, %ge3A_129 : vector<16xi32>
    %jit3A_131 = arith.constant 1 : i32
    %jit3A_132 = arith.constant 0 : i32
    %broadcast_in_dim3A_133 = vector.broadcast %jit3A_131 : i32 to vector<16xi32>
    %broadcast_in_dim3A_134 = vector.broadcast %jit3A_132 : i32 to vector<16xi32>
    %select_n3A_135 = arith.select %ge3A_130, %broadcast_in_dim3A_133, %broadcast_in_dim3A_134 : vector<16xi1>, vector<16xi32>
    %add3A_136 = arith.addi %add3A_128, %select_n3A_135 : vector<16xi32>
    %ge3A_137 = vector.broadcast %add3A_114 : i32 to vector<16xi32>
    %ge3A_138 = arith.cmpi sge, %add3A_123, %ge3A_137 : vector<16xi32>
    %jit3A_139 = arith.constant 1 : i32
    %jit3A_140 = arith.constant 0 : i32
    %broadcast_in_dim3A_141 = vector.broadcast %jit3A_139 : i32 to vector<16xi32>
    %broadcast_in_dim3A_142 = vector.broadcast %jit3A_140 : i32 to vector<16xi32>
    %select_n3A_143 = arith.select %ge3A_138, %broadcast_in_dim3A_141, %broadcast_in_dim3A_142 : vector<16xi1>, vector<16xi32>
    %add3A_144 = arith.addi %add3A_136, %select_n3A_143 : vector<16xi32>
    %ge3A_145 = vector.broadcast %add3A_115 : i32 to vector<16xi32>
    %ge3A_146 = arith.cmpi sge, %add3A_123, %ge3A_145 : vector<16xi32>
    %jit3A_147 = arith.constant 1 : i32
    %jit3A_148 = arith.constant 0 : i32
    %broadcast_in_dim3A_149 = vector.broadcast %jit3A_147 : i32 to vector<16xi32>
    %broadcast_in_dim3A_150 = vector.broadcast %jit3A_148 : i32 to vector<16xi32>
    %select_n3A_151 = arith.select %ge3A_146, %broadcast_in_dim3A_149, %broadcast_in_dim3A_150 : vector<16xi1>, vector<16xi32>
    %add3A_152 = arith.addi %add3A_144, %select_n3A_151 : vector<16xi32>
    %ge3A_153 = vector.broadcast %add3A_116 : i32 to vector<16xi32>
    %ge3A_154 = arith.cmpi sge, %add3A_123, %ge3A_153 : vector<16xi32>
    %jit3A_155 = arith.constant 1 : i32
    %jit3A_156 = arith.constant 0 : i32
    %broadcast_in_dim3A_157 = vector.broadcast %jit3A_155 : i32 to vector<16xi32>
    %broadcast_in_dim3A_158 = vector.broadcast %jit3A_156 : i32 to vector<16xi32>
    %select_n3A_159 = arith.select %ge3A_154, %broadcast_in_dim3A_157, %broadcast_in_dim3A_158 : vector<16xi1>, vector<16xi32>
    %add3A_160 = arith.addi %add3A_152, %select_n3A_159 : vector<16xi32>
    %ge3A_161 = vector.broadcast %add3A_117 : i32 to vector<16xi32>
    %ge3A_162 = arith.cmpi sge, %add3A_123, %ge3A_161 : vector<16xi32>
    %jit3A_163 = arith.constant 1 : i32
    %jit3A_164 = arith.constant 0 : i32
    %broadcast_in_dim3A_165 = vector.broadcast %jit3A_163 : i32 to vector<16xi32>
    %broadcast_in_dim3A_166 = vector.broadcast %jit3A_164 : i32 to vector<16xi32>
    %select_n3A_167 = arith.select %ge3A_162, %broadcast_in_dim3A_165, %broadcast_in_dim3A_166 : vector<16xi1>, vector<16xi32>
    %add3A_168 = arith.addi %add3A_160, %select_n3A_167 : vector<16xi32>
    %ge3A_169 = vector.broadcast %add3A_118 : i32 to vector<16xi32>
    %ge3A_170 = arith.cmpi sge, %add3A_123, %ge3A_169 : vector<16xi32>
    %jit3A_171 = arith.constant 1 : i32
    %jit3A_172 = arith.constant 0 : i32
    %broadcast_in_dim3A_173 = vector.broadcast %jit3A_171 : i32 to vector<16xi32>
    %broadcast_in_dim3A_174 = vector.broadcast %jit3A_172 : i32 to vector<16xi32>
    %select_n3A_175 = arith.select %ge3A_170, %broadcast_in_dim3A_173, %broadcast_in_dim3A_174 : vector<16xi1>, vector<16xi32>
    %add3A_176 = arith.addi %add3A_168, %select_n3A_175 : vector<16xi32>
    %ge3A_177 = vector.broadcast %add3A_119 : i32 to vector<16xi32>
    %ge3A_178 = arith.cmpi sge, %add3A_123, %ge3A_177 : vector<16xi32>
    %jit3A_179 = arith.constant 1 : i32
    %jit3A_180 = arith.constant 0 : i32
    %broadcast_in_dim3A_181 = vector.broadcast %jit3A_179 : i32 to vector<16xi32>
    %broadcast_in_dim3A_182 = vector.broadcast %jit3A_180 : i32 to vector<16xi32>
    %select_n3A_183 = arith.select %ge3A_178, %broadcast_in_dim3A_181, %broadcast_in_dim3A_182 : vector<16xi1>, vector<16xi32>
    %add3A_184 = arith.addi %add3A_176, %select_n3A_183 : vector<16xi32>
    %min3A = arith.constant 7 : i32
    %min3A_185 = vector.broadcast %min3A : i32 to vector<16xi32>
    %min3A_186 = arith.minsi %add3A_184, %min3A_185 : vector<16xi32>
    %swap3A = arith.constant 0 : index
    %swap3A_187 = tpu.vector_load %arg10[%swap3A] {strides = array<i32>} : memref<32xi32, #tpu.memory_space<vmem>>, vector<16xi32>,
    tpu.vector_store %arg10[%swap3A], %min3A_186 {strides = array<i32>} : memref<32xi32, #tpu.memory_space<vmem>>, vector<16xi32>,
    %add3A_188 = arith.constant 16 : i32
    %add3A_189 = vector.broadcast %add3A_188 : i32 to vector<16xi32>
    %add3A_190 = arith.addi %iota3A, %add3A_189 : vector<16xi32>
    %ge3A_191 = vector.broadcast %add3A_112 : i32 to vector<16xi32>
    %ge3A_192 = arith.cmpi sge, %add3A_190, %ge3A_191 : vector<16xi32>
    %jit3A_193 = arith.constant 1 : i32
    %jit3A_194 = arith.constant 0 : i32
    %broadcast_in_dim3A_195 = vector.broadcast %jit3A_193 : i32 to vector<16xi32>
    %broadcast_in_dim3A_196 = vector.broadcast %jit3A_194 : i32 to vector<16xi32>
    %select_n3A_197 = arith.select %ge3A_192, %broadcast_in_dim3A_195, %broadcast_in_dim3A_196 : vector<16xi1>, vector<16xi32>
    %add3A_198 = arith.addi %broadcast_in_dim3A_120, %select_n3A_197 : vector<16xi32>
    %ge3A_199 = vector.broadcast %add3A_113 : i32 to vector<16xi32>
    %ge3A_200 = arith.cmpi sge, %add3A_190, %ge3A_199 : vector<16xi32>
    %jit3A_201 = arith.constant 1 : i32
    %jit3A_202 = arith.constant 0 : i32
    %broadcast_in_dim3A_203 = vector.broadcast %jit3A_201 : i32 to vector<16xi32>
    %broadcast_in_dim3A_204 = vector.broadcast %jit3A_202 : i32 to vector<16xi32>
    %select_n3A_205 = arith.select %ge3A_200, %broadcast_in_dim3A_203, %broadcast_in_dim3A_204 : vector<16xi1>, vector<16xi32>
    %add3A_206 = arith.addi %add3A_198, %select_n3A_205 : vector<16xi32>
    %ge3A_207 = vector.broadcast %add3A_114 : i32 to vector<16xi32>
    %ge3A_208 = arith.cmpi sge, %add3A_190, %ge3A_207 : vector<16xi32>
    %jit3A_209 = arith.constant 1 : i32
    %jit3A_210 = arith.constant 0 : i32
    %broadcast_in_dim3A_211 = vector.broadcast %jit3A_209 : i32 to vector<16xi32>
    %broadcast_in_dim3A_212 = vector.broadcast %jit3A_210 : i32 to vector<16xi32>
    %select_n3A_213 = arith.select %ge3A_208, %broadcast_in_dim3A_211, %broadcast_in_dim3A_212 : vector<16xi1>, vector<16xi32>
    %add3A_214 = arith.addi %add3A_206, %select_n3A_213 : vector<16xi32>
    %ge3A_215 = vector.broadcast %add3A_115 : i32 to vector<16xi32>
    %ge3A_216 = arith.cmpi sge, %add3A_190, %ge3A_215 : vector<16xi32>
    %jit3A_217 = arith.constant 1 : i32
    %jit3A_218 = arith.constant 0 : i32
    %broadcast_in_dim3A_219 = vector.broadcast %jit3A_217 : i32 to vector<16xi32>
    %broadcast_in_dim3A_220 = vector.broadcast %jit3A_218 : i32 to vector<16xi32>
    %select_n3A_221 = arith.select %ge3A_216, %broadcast_in_dim3A_219, %broadcast_in_dim3A_220 : vector<16xi1>, vector<16xi32>
    %add3A_222 = arith.addi %add3A_214, %select_n3A_221 : vector<16xi32>
    %ge3A_223 = vector.broadcast %add3A_116 : i32 to vector<16xi32>
    %ge3A_224 = arith.cmpi sge, %add3A_190, %ge3A_223 : vector<16xi32>
    %jit3A_225 = arith.constant 1 : i32
    %jit3A_226 = arith.constant 0 : i32
    %broadcast_in_dim3A_227 = vector.broadcast %jit3A_225 : i32 to vector<16xi32>
    %broadcast_in_dim3A_228 = vector.broadcast %jit3A_226 : i32 to vector<16xi32>
    %select_n3A_229 = arith.select %ge3A_224, %broadcast_in_dim3A_227, %broadcast_in_dim3A_228 : vector<16xi1>, vector<16xi32>
    %add3A_230 = arith.addi %add3A_222, %select_n3A_229 : vector<16xi32>
    %ge3A_231 = vector.broadcast %add3A_117 : i32 to vector<16xi32>
    %ge3A_232 = arith.cmpi sge, %add3A_190, %ge3A_231 : vector<16xi32>
    %jit3A_233 = arith.constant 1 : i32
    %jit3A_234 = arith.constant 0 : i32
    %broadcast_in_dim3A_235 = vector.broadcast %jit3A_233 : i32 to vector<16xi32>
    %broadcast_in_dim3A_236 = vector.broadcast %jit3A_234 : i32 to vector<16xi32>
    %select_n3A_237 = arith.select %ge3A_232, %broadcast_in_dim3A_235, %broadcast_in_dim3A_236 : vector<16xi1>, vector<16xi32>
    %add3A_238 = arith.addi %add3A_230, %select_n3A_237 : vector<16xi32>
    %ge3A_239 = vector.broadcast %add3A_118 : i32 to vector<16xi32>
    %ge3A_240 = arith.cmpi sge, %add3A_190, %ge3A_239 : vector<16xi32>
    %jit3A_241 = arith.constant 1 : i32
    %jit3A_242 = arith.constant 0 : i32
    %broadcast_in_dim3A_243 = vector.broadcast %jit3A_241 : i32 to vector<16xi32>
    %broadcast_in_dim3A_244 = vector.broadcast %jit3A_242 : i32 to vector<16xi32>
    %select_n3A_245 = arith.select %ge3A_240, %broadcast_in_dim3A_243, %broadcast_in_dim3A_244 : vector<16xi1>, vector<16xi32>
    %add3A_246 = arith.addi %add3A_238, %select_n3A_245 : vector<16xi32>
    %ge3A_247 = vector.broadcast %add3A_119 : i32 to vector<16xi32>
    %ge3A_248 = arith.cmpi sge, %add3A_190, %ge3A_247 : vector<16xi32>
    %jit3A_249 = arith.constant 1 : i32
    %jit3A_250 = arith.constant 0 : i32
    %broadcast_in_dim3A_251 = vector.broadcast %jit3A_249 : i32 to vector<16xi32>
    %broadcast_in_dim3A_252 = vector.broadcast %jit3A_250 : i32 to vector<16xi32>
    %select_n3A_253 = arith.select %ge3A_248, %broadcast_in_dim3A_251, %broadcast_in_dim3A_252 : vector<16xi1>, vector<16xi32>
    %add3A_254 = arith.addi %add3A_246, %select_n3A_253 : vector<16xi32>
    %min3A_255 = arith.constant 7 : i32
    %min3A_256 = vector.broadcast %min3A_255 : i32 to vector<16xi32>
    %min3A_257 = arith.minsi %add3A_254, %min3A_256 : vector<16xi32>
    %swap3A_258 = arith.constant 16 : index
    %swap3A_259 = tpu.vector_load %arg10[%swap3A_258] {strides = array<i32>} : memref<32xi32, #tpu.memory_space<vmem>>, vector<16xi32>,
    tpu.vector_store %arg10[%swap3A_258], %min3A_257 {strides = array<i32>} : memref<32xi32, #tpu.memory_space<vmem>>, vector<16xi32>,
    %eq3A = arith.constant 0 : i32
    %eq3A_260 = arith.cmpi eq, %add3A, %eq3A : i32
    %convert_element_type3A = arith.extui %eq3A_260 : i1 to i32
    %cond3A = arith.constant 0 : i32
    %cond3A_261 = arith.cmpi ne, %convert_element_type3A, %cond3A : i32
    scf.if %cond3A_261 {
      "tpu.region"() ({
        %run_scoped3A = tpu.sem_alloc : memref<!tpu.dma_semaphore, #tpu.memory_space<semaphore_mem>>
        %dma_start3A_1103 = arith.constant 0 : i32
        %dma_start3A_1104 = tpu.memref_slice %arg10[%dma_start3A_1103] : memref<32xi32, #tpu.memory_space<vmem>> -> memref<24xi32, #tpu.memory_space<vmem>>
        %dma_start3A_1105 = arith.constant 0 : i32
        %dma_start3A_1106 = tpu.memref_slice %arg10[%dma_start3A_1105] : memref<32xi32, #tpu.memory_space<vmem>> -> memref<24xi32, #tpu.memory_space<vmem>>
        tpu.enqueue_dma source(%dma_start3A_1106 : memref<24xi32, #tpu.memory_space<vmem>>) target(%arg5 : memref<24xi32, #tpu.memory_space<hbm>>) target_semaphore(%run_scoped3A : memref<!tpu.dma_semaphore, #tpu.memory_space<semaphore_mem>>)
        %dma_wait3A_1107 = arith.constant 0 : i32
        %dma_wait3A_1108 = tpu.memref_slice %arg10[%dma_wait3A_1107] : memref<32xi32, #tpu.memory_space<vmem>> -> memref<24xi32, #tpu.memory_space<vmem>>
        %dma_wait3A_1109 = arith.constant 0 : i32
        %dma_wait3A_1110 = tpu.memref_slice %arg10[%dma_wait3A_1109] : memref<32xi32, #tpu.memory_space<vmem>> -> memref<24xi32, #tpu.memory_space<vmem>>
        tpu.wait_dma2 semaphore(%run_scoped3A : memref<!tpu.dma_semaphore, #tpu.memory_space<semaphore_mem>>) src(%dma_wait3A_1110 : memref<24xi32, #tpu.memory_space<vmem>>) dst(%arg5 : memref<24xi32, #tpu.memory_space<hbm>>)
        tpu.yield
      }) : () -> ()
    } else {
    }
    %mul3A_262 = arith.constant 4 : i32
    %mul3A_263 = arith.muli %add3A, %mul3A_262 : i32
    %add3A_264 = arith.constant 0 : i32
    %add3A_265 = arith.addi %mul3A_263, %add3A_264 : i32
    %mul3A_266 = arith.constant 16 : i32
    %mul3A_267 = arith.muli %add3A_265, %mul3A_266 : i32
    %get3A = arith.index_cast %mul3A_267 : i32 to index
    %get3A_268 = tpu.vector_load %arg7[%get3A] {strides = array<i32>} : memref<2048xi32, #tpu.memory_space<vmem>>, vector<16xi32>,
    %eq3A_269 = arith.constant 0 : i32
    %eq3A_270 = vector.broadcast %eq3A_269 : i32 to vector<16xi32>
    %eq3A_271 = arith.cmpi eq, %get3A_268, %eq3A_270 : vector<16xi32>
    %convert_element_type3A_272 = arith.extui %eq3A_271 : vector<16xi1> to vector<16xi32>
    %broadcast_in_dim3A_273 = arith.constant true
    %broadcast_in_dim3A_274 = vector.broadcast %broadcast_in_dim3A_273 : i1 to vector<16xi1>
    %masked_cumsum3A = tpu.scan <sum>, %convert_element_type3A_272 masked %broadcast_in_dim3A_274 : vector<16xi32>, vector<16xi1> -> vector<16xi32>
    %sub3A = arith.subi %masked_cumsum3A, %convert_element_type3A_272 : vector<16xi32>
    %add3A_275 = vector.broadcast %scan3A_69#8 : i32 to vector<16xi32>
    %add3A_276 = arith.addi %sub3A, %add3A_275 : vector<16xi32>
    %mul3A_277 = arith.constant 0 : i32
    %mul3A_278 = arith.constant 128 : i32
    %mul3A_279 = arith.muli %mul3A_277, %mul3A_278 : i32
    %add3A_280 = vector.broadcast %mul3A_279 : i32 to vector<16xi32>
    %add3A_281 = arith.addi %add3A_280, %add3A_276 : vector<16xi32>
    %mul3A_282 = arith.muli %convert_element_type3A_272, %add3A_281 : vector<16xi32>
    %add3A_283 = arith.addi %broadcast_in_dim3A_120, %mul3A_282 : vector<16xi32>
    %reduce_sum3A = arith.constant true
    %reduce_sum3A_284 = vector.broadcast %reduce_sum3A : i1 to vector<16xi1>
    %reduce_sum3A_285 = tpu.scan <sum>, %convert_element_type3A_272 masked %reduce_sum3A_284 : vector<16xi32>, vector<16xi1> -> vector<16xi32>
    %reduce_sum3A_286 = vector.extract %reduce_sum3A_285[15] : i32 from vector<16xi32>
    %add3A_287 = arith.addi %scan3A_69#8, %reduce_sum3A_286 : i32
    %eq3A_288 = arith.constant 1 : i32
    %eq3A_289 = vector.broadcast %eq3A_288 : i32 to vector<16xi32>
    %eq3A_290 = arith.cmpi eq, %get3A_268, %eq3A_289 : vector<16xi32>
    %convert_element_type3A_291 = arith.extui %eq3A_290 : vector<16xi1> to vector<16xi32>
    %broadcast_in_dim3A_292 = arith.constant true
    %broadcast_in_dim3A_293 = vector.broadcast %broadcast_in_dim3A_292 : i1 to vector<16xi1>
    %masked_cumsum3A_294 = tpu.scan <sum>, %convert_element_type3A_291 masked %broadcast_in_dim3A_293 : vector<16xi32>, vector<16xi1> -> vector<16xi32>
    %sub3A_295 = arith.subi %masked_cumsum3A_294, %convert_element_type3A_291 : vector<16xi32>
    %add3A_296 = vector.broadcast %scan3A_69#9 : i32 to vector<16xi32>
    %add3A_297 = arith.addi %sub3A_295, %add3A_296 : vector<16xi32>
    %mul3A_298 = arith.constant 128 : i32
    %mul3A_299 = arith.muli %add3A_103, %mul3A_298 : i32
    %add3A_300 = vector.broadcast %mul3A_299 : i32 to vector<16xi32>
    %add3A_301 = arith.addi %add3A_300, %add3A_297 : vector<16xi32>
    %mul3A_302 = arith.muli %convert_element_type3A_291, %add3A_301 : vector<16xi32>
    %add3A_303 = arith.addi %add3A_283, %mul3A_302 : vector<16xi32>
    %reduce_sum3A_304 = arith.constant true
    %reduce_sum3A_305 = vector.broadcast %reduce_sum3A_304 : i1 to vector<16xi1>
    %reduce_sum3A_306 = tpu.scan <sum>, %convert_element_type3A_291 masked %reduce_sum3A_305 : vector<16xi32>, vector<16xi1> -> vector<16xi32>
    %reduce_sum3A_307 = vector.extract %reduce_sum3A_306[15] : i32 from vector<16xi32>
    %add3A_308 = arith.addi %scan3A_69#9, %reduce_sum3A_307 : i32
    %eq3A_309 = arith.constant 2 : i32
    %eq3A_310 = vector.broadcast %eq3A_309 : i32 to vector<16xi32>
    %eq3A_311 = arith.cmpi eq, %get3A_268, %eq3A_310 : vector<16xi32>
    %convert_element_type3A_312 = arith.extui %eq3A_311 : vector<16xi1> to vector<16xi32>
    %broadcast_in_dim3A_313 = arith.constant true
    %broadcast_in_dim3A_314 = vector.broadcast %broadcast_in_dim3A_313 : i1 to vector<16xi1>
    %masked_cumsum3A_315 = tpu.scan <sum>, %convert_element_type3A_312 masked %broadcast_in_dim3A_314 : vector<16xi32>, vector<16xi1> -> vector<16xi32>
    %sub3A_316 = arith.subi %masked_cumsum3A_315, %convert_element_type3A_312 : vector<16xi32>
    %add3A_317 = vector.broadcast %scan3A_69#10 : i32 to vector<16xi32>
    %add3A_318 = arith.addi %sub3A_316, %add3A_317 : vector<16xi32>
    %mul3A_319 = arith.constant 128 : i32
    %mul3A_320 = arith.muli %add3A_104, %mul3A_319 : i32
    %add3A_321 = vector.broadcast %mul3A_320 : i32 to vector<16xi32>
    %add3A_322 = arith.addi %add3A_321, %add3A_318 : vector<16xi32>
    %mul3A_323 = arith.muli %convert_element_type3A_312, %add3A_322 : vector<16xi32>
    %add3A_324 = arith.addi %add3A_303, %mul3A_323 : vector<16xi32>
    %reduce_sum3A_325 = arith.constant true
    %reduce_sum3A_326 = vector.broadcast %reduce_sum3A_325 : i1 to vector<16xi1>
    %reduce_sum3A_327 = tpu.scan <sum>, %convert_element_type3A_312 masked %reduce_sum3A_326 : vector<16xi32>, vector<16xi1> -> vector<16xi32>
    %reduce_sum3A_328 = vector.extract %reduce_sum3A_327[15] : i32 from vector<16xi32>
    %add3A_329 = arith.addi %scan3A_69#10, %reduce_sum3A_328 : i32
    %eq3A_330 = arith.constant 3 : i32
    %eq3A_331 = vector.broadcast %eq3A_330 : i32 to vector<16xi32>
    %eq3A_332 = arith.cmpi eq, %get3A_268, %eq3A_331 : vector<16xi32>
    %convert_element_type3A_333 = arith.extui %eq3A_332 : vector<16xi1> to vector<16xi32>
    %broadcast_in_dim3A_334 = arith.constant true
    %broadcast_in_dim3A_335 = vector.broadcast %broadcast_in_dim3A_334 : i1 to vector<16xi1>
    %masked_cumsum3A_336 = tpu.scan <sum>, %convert_element_type3A_333 masked %broadcast_in_dim3A_335 : vector<16xi32>, vector<16xi1> -> vector<16xi32>
    %sub3A_337 = arith.subi %masked_cumsum3A_336, %convert_element_type3A_333 : vector<16xi32>
    %add3A_338 = vector.broadcast %scan3A_69#11 : i32 to vector<16xi32>
    %add3A_339 = arith.addi %sub3A_337, %add3A_338 : vector<16xi32>
    %mul3A_340 = arith.constant 128 : i32
    %mul3A_341 = arith.muli %add3A_105, %mul3A_340 : i32
    %add3A_342 = vector.broadcast %mul3A_341 : i32 to vector<16xi32>
    %add3A_343 = arith.addi %add3A_342, %add3A_339 : vector<16xi32>
    %mul3A_344 = arith.muli %convert_element_type3A_333, %add3A_343 : vector<16xi32>
    %add3A_345 = arith.addi %add3A_324, %mul3A_344 : vector<16xi32>
    %reduce_sum3A_346 = arith.constant true
    %reduce_sum3A_347 = vector.broadcast %reduce_sum3A_346 : i1 to vector<16xi1>
    %reduce_sum3A_348 = tpu.scan <sum>, %convert_element_type3A_333 masked %reduce_sum3A_347 : vector<16xi32>, vector<16xi1> -> vector<16xi32>
    %reduce_sum3A_349 = vector.extract %reduce_sum3A_348[15] : i32 from vector<16xi32>
    %add3A_350 = arith.addi %scan3A_69#11, %reduce_sum3A_349 : i32
    %eq3A_351 = arith.constant 4 : i32
    %eq3A_352 = vector.broadcast %eq3A_351 : i32 to vector<16xi32>
    %eq3A_353 = arith.cmpi eq, %get3A_268, %eq3A_352 : vector<16xi32>
    %convert_element_type3A_354 = arith.extui %eq3A_353 : vector<16xi1> to vector<16xi32>
    %broadcast_in_dim3A_355 = arith.constant true
    %broadcast_in_dim3A_356 = vector.broadcast %broadcast_in_dim3A_355 : i1 to vector<16xi1>
    %masked_cumsum3A_357 = tpu.scan <sum>, %convert_element_type3A_354 masked %broadcast_in_dim3A_356 : vector<16xi32>, vector<16xi1> -> vector<16xi32>
    %sub3A_358 = arith.subi %masked_cumsum3A_357, %convert_element_type3A_354 : vector<16xi32>
    %add3A_359 = vector.broadcast %scan3A_69#12 : i32 to vector<16xi32>
    %add3A_360 = arith.addi %sub3A_358, %add3A_359 : vector<16xi32>
    %mul3A_361 = arith.constant 128 : i32
    %mul3A_362 = arith.muli %add3A_106, %mul3A_361 : i32
    %add3A_363 = vector.broadcast %mul3A_362 : i32 to vector<16xi32>
    %add3A_364 = arith.addi %add3A_363, %add3A_360 : vector<16xi32>
    %mul3A_365 = arith.muli %convert_element_type3A_354, %add3A_364 : vector<16xi32>
    %add3A_366 = arith.addi %add3A_345, %mul3A_365 : vector<16xi32>
    %reduce_sum3A_367 = arith.constant true
    %reduce_sum3A_368 = vector.broadcast %reduce_sum3A_367 : i1 to vector<16xi1>
    %reduce_sum3A_369 = tpu.scan <sum>, %convert_element_type3A_354 masked %reduce_sum3A_368 : vector<16xi32>, vector<16xi1> -> vector<16xi32>
    %reduce_sum3A_370 = vector.extract %reduce_sum3A_369[15] : i32 from vector<16xi32>
    %add3A_371 = arith.addi %scan3A_69#12, %reduce_sum3A_370 : i32
    %eq3A_372 = arith.constant 5 : i32
    %eq3A_373 = vector.broadcast %eq3A_372 : i32 to vector<16xi32>
    %eq3A_374 = arith.cmpi eq, %get3A_268, %eq3A_373 : vector<16xi32>
    %convert_element_type3A_375 = arith.extui %eq3A_374 : vector<16xi1> to vector<16xi32>
    %broadcast_in_dim3A_376 = arith.constant true
    %broadcast_in_dim3A_377 = vector.broadcast %broadcast_in_dim3A_376 : i1 to vector<16xi1>
    %masked_cumsum3A_378 = tpu.scan <sum>, %convert_element_type3A_375 masked %broadcast_in_dim3A_377 : vector<16xi32>, vector<16xi1> -> vector<16xi32>
    %sub3A_379 = arith.subi %masked_cumsum3A_378, %convert_element_type3A_375 : vector<16xi32>
    %add3A_380 = vector.broadcast %scan3A_69#13 : i32 to vector<16xi32>
    %add3A_381 = arith.addi %sub3A_379, %add3A_380 : vector<16xi32>
    %mul3A_382 = arith.constant 128 : i32
    %mul3A_383 = arith.muli %add3A_107, %mul3A_382 : i32
    %add3A_384 = vector.broadcast %mul3A_383 : i32 to vector<16xi32>
    %add3A_385 = arith.addi %add3A_384, %add3A_381 : vector<16xi32>
    %mul3A_386 = arith.muli %convert_element_type3A_375, %add3A_385 : vector<16xi32>
    %add3A_387 = arith.addi %add3A_366, %mul3A_386 : vector<16xi32>
    %reduce_sum3A_388 = arith.constant true
    %reduce_sum3A_389 = vector.broadcast %reduce_sum3A_388 : i1 to vector<16xi1>
    %reduce_sum3A_390 = tpu.scan <sum>, %convert_element_type3A_375 masked %reduce_sum3A_389 : vector<16xi32>, vector<16xi1> -> vector<16xi32>
    %reduce_sum3A_391 = vector.extract %reduce_sum3A_390[15] : i32 from vector<16xi32>
    %add3A_392 = arith.addi %scan3A_69#13, %reduce_sum3A_391 : i32
    %eq3A_393 = arith.constant 6 : i32
    %eq3A_394 = vector.broadcast %eq3A_393 : i32 to vector<16xi32>
    %eq3A_395 = arith.cmpi eq, %get3A_268, %eq3A_394 : vector<16xi32>
    %convert_element_type3A_396 = arith.extui %eq3A_395 : vector<16xi1> to vector<16xi32>
    %broadcast_in_dim3A_397 = arith.constant true
    %broadcast_in_dim3A_398 = vector.broadcast %broadcast_in_dim3A_397 : i1 to vector<16xi1>
    %masked_cumsum3A_399 = tpu.scan <sum>, %convert_element_type3A_396 masked %broadcast_in_dim3A_398 : vector<16xi32>, vector<16xi1> -> vector<16xi32>
    %sub3A_400 = arith.subi %masked_cumsum3A_399, %convert_element_type3A_396 : vector<16xi32>
    %add3A_401 = vector.broadcast %scan3A_69#14 : i32 to vector<16xi32>
    %add3A_402 = arith.addi %sub3A_400, %add3A_401 : vector<16xi32>
    %mul3A_403 = arith.constant 128 : i32
    %mul3A_404 = arith.muli %add3A_108, %mul3A_403 : i32
    %add3A_405 = vector.broadcast %mul3A_404 : i32 to vector<16xi32>
    %add3A_406 = arith.addi %add3A_405, %add3A_402 : vector<16xi32>
    %mul3A_407 = arith.muli %convert_element_type3A_396, %add3A_406 : vector<16xi32>
    %add3A_408 = arith.addi %add3A_387, %mul3A_407 : vector<16xi32>
    %reduce_sum3A_409 = arith.constant true
    %reduce_sum3A_410 = vector.broadcast %reduce_sum3A_409 : i1 to vector<16xi1>
    %reduce_sum3A_411 = tpu.scan <sum>, %convert_element_type3A_396 masked %reduce_sum3A_410 : vector<16xi32>, vector<16xi1> -> vector<16xi32>
    %reduce_sum3A_412 = vector.extract %reduce_sum3A_411[15] : i32 from vector<16xi32>
    %add3A_413 = arith.addi %scan3A_69#14, %reduce_sum3A_412 : i32
    %eq3A_414 = arith.constant 7 : i32
    %eq3A_415 = vector.broadcast %eq3A_414 : i32 to vector<16xi32>
    %eq3A_416 = arith.cmpi eq, %get3A_268, %eq3A_415 : vector<16xi32>
    %convert_element_type3A_417 = arith.extui %eq3A_416 : vector<16xi1> to vector<16xi32>
    %broadcast_in_dim3A_418 = arith.constant true
    %broadcast_in_dim3A_419 = vector.broadcast %broadcast_in_dim3A_418 : i1 to vector<16xi1>
    %masked_cumsum3A_420 = tpu.scan <sum>, %convert_element_type3A_417 masked %broadcast_in_dim3A_419 : vector<16xi32>, vector<16xi1> -> vector<16xi32>
    %sub3A_421 = arith.subi %masked_cumsum3A_420, %convert_element_type3A_417 : vector<16xi32>
    %add3A_422 = vector.broadcast %scan3A_69#15 : i32 to vector<16xi32>
    %add3A_423 = arith.addi %sub3A_421, %add3A_422 : vector<16xi32>
    %mul3A_424 = arith.constant 128 : i32
    %mul3A_425 = arith.muli %add3A_109, %mul3A_424 : i32
    %add3A_426 = vector.broadcast %mul3A_425 : i32 to vector<16xi32>
    %add3A_427 = arith.addi %add3A_426, %add3A_423 : vector<16xi32>
    %mul3A_428 = arith.muli %convert_element_type3A_417, %add3A_427 : vector<16xi32>
    %add3A_429 = arith.addi %add3A_408, %mul3A_428 : vector<16xi32>
    %reduce_sum3A_430 = arith.constant true
    %reduce_sum3A_431 = vector.broadcast %reduce_sum3A_430 : i1 to vector<16xi1>
    %reduce_sum3A_432 = tpu.scan <sum>, %convert_element_type3A_417 masked %reduce_sum3A_431 : vector<16xi32>, vector<16xi1> -> vector<16xi32>
    %reduce_sum3A_433 = vector.extract %reduce_sum3A_432[15] : i32 from vector<16xi32>
    %add3A_434 = arith.addi %scan3A_69#15, %reduce_sum3A_433 : i32
    %swap3A_435 = arith.constant 0 : i32
    %swap3A_436 = arith.index_cast %swap3A_435 : i32 to index
    %swap3A_437 = arith.constant 0 : index
    %swap3A_438 = tpu.vector_load %arg9[%swap3A_436, %swap3A_437] {strides = array<i32>} : memref<4x16xi32, #tpu.memory_space<vmem>>, vector<16xi32>,
    tpu.vector_store %arg9[%swap3A_436, %swap3A_437], %add3A_429 {strides = array<i32>} : memref<4x16xi32, #tpu.memory_space<vmem>>, vector<16xi32>,
    %mul3A_439 = arith.constant 4 : i32
    %mul3A_440 = arith.muli %add3A, %mul3A_439 : i32
    %add3A_441 = arith.constant 1 : i32
    %add3A_442 = arith.addi %mul3A_440, %add3A_441 : i32
    %mul3A_443 = arith.constant 16 : i32
    %mul3A_444 = arith.muli %add3A_442, %mul3A_443 : i32
    %get3A_445 = arith.index_cast %mul3A_444 : i32 to index
    %get3A_446 = tpu.vector_load %arg7[%get3A_445] {strides = array<i32>} : memref<2048xi32, #tpu.memory_space<vmem>>, vector<16xi32>,
    %eq3A_447 = arith.constant 0 : i32
    %eq3A_448 = vector.broadcast %eq3A_447 : i32 to vector<16xi32>
    %eq3A_449 = arith.cmpi eq, %get3A_446, %eq3A_448 : vector<16xi32>
    %convert_element_type3A_450 = arith.extui %eq3A_449 : vector<16xi1> to vector<16xi32>
    %broadcast_in_dim3A_451 = arith.constant true
    %broadcast_in_dim3A_452 = vector.broadcast %broadcast_in_dim3A_451 : i1 to vector<16xi1>
    %masked_cumsum3A_453 = tpu.scan <sum>, %convert_element_type3A_450 masked %broadcast_in_dim3A_452 : vector<16xi32>, vector<16xi1> -> vector<16xi32>
    %sub3A_454 = arith.subi %masked_cumsum3A_453, %convert_element_type3A_450 : vector<16xi32>
    %add3A_455 = vector.broadcast %add3A_287 : i32 to vector<16xi32>
    %add3A_456 = arith.addi %sub3A_454, %add3A_455 : vector<16xi32>
    %mul3A_457 = arith.constant 0 : i32
    %mul3A_458 = arith.constant 128 : i32
    %mul3A_459 = arith.muli %mul3A_457, %mul3A_458 : i32
    %add3A_460 = vector.broadcast %mul3A_459 : i32 to vector<16xi32>
    %add3A_461 = arith.addi %add3A_460, %add3A_456 : vector<16xi32>
    %mul3A_462 = arith.muli %convert_element_type3A_450, %add3A_461 : vector<16xi32>
    %add3A_463 = arith.addi %broadcast_in_dim3A_120, %mul3A_462 : vector<16xi32>
    %reduce_sum3A_464 = arith.constant true
    %reduce_sum3A_465 = vector.broadcast %reduce_sum3A_464 : i1 to vector<16xi1>
    %reduce_sum3A_466 = tpu.scan <sum>, %convert_element_type3A_450 masked %reduce_sum3A_465 : vector<16xi32>, vector<16xi1> -> vector<16xi32>
    %reduce_sum3A_467 = vector.extract %reduce_sum3A_466[15] : i32 from vector<16xi32>
    %add3A_468 = arith.addi %add3A_287, %reduce_sum3A_467 : i32
    %eq3A_469 = arith.constant 1 : i32
    %eq3A_470 = vector.broadcast %eq3A_469 : i32 to vector<16xi32>
    %eq3A_471 = arith.cmpi eq, %get3A_446, %eq3A_470 : vector<16xi32>
    %convert_element_type3A_472 = arith.extui %eq3A_471 : vector<16xi1> to vector<16xi32>
    %broadcast_in_dim3A_473 = arith.constant true
    %broadcast_in_dim3A_474 = vector.broadcast %broadcast_in_dim3A_473 : i1 to vector<16xi1>
    %masked_cumsum3A_475 = tpu.scan <sum>, %convert_element_type3A_472 masked %broadcast_in_dim3A_474 : vector<16xi32>, vector<16xi1> -> vector<16xi32>
    %sub3A_476 = arith.subi %masked_cumsum3A_475, %convert_element_type3A_472 : vector<16xi32>
    %add3A_477 = vector.broadcast %add3A_308 : i32 to vector<16xi32>
    %add3A_478 = arith.addi %sub3A_476, %add3A_477 : vector<16xi32>
    %mul3A_479 = arith.constant 128 : i32
    %mul3A_480 = arith.muli %add3A_103, %mul3A_479 : i32
    %add3A_481 = vector.broadcast %mul3A_480 : i32 to vector<16xi32>
    %add3A_482 = arith.addi %add3A_481, %add3A_478 : vector<16xi32>
    %mul3A_483 = arith.muli %convert_element_type3A_472, %add3A_482 : vector<16xi32>
    %add3A_484 = arith.addi %add3A_463, %mul3A_483 : vector<16xi32>
    %reduce_sum3A_485 = arith.constant true
    %reduce_sum3A_486 = vector.broadcast %reduce_sum3A_485 : i1 to vector<16xi1>
    %reduce_sum3A_487 = tpu.scan <sum>, %convert_element_type3A_472 masked %reduce_sum3A_486 : vector<16xi32>, vector<16xi1> -> vector<16xi32>
    %reduce_sum3A_488 = vector.extract %reduce_sum3A_487[15] : i32 from vector<16xi32>
    %add3A_489 = arith.addi %add3A_308, %reduce_sum3A_488 : i32
    %eq3A_490 = arith.constant 2 : i32
    %eq3A_491 = vector.broadcast %eq3A_490 : i32 to vector<16xi32>
    %eq3A_492 = arith.cmpi eq, %get3A_446, %eq3A_491 : vector<16xi32>
    %convert_element_type3A_493 = arith.extui %eq3A_492 : vector<16xi1> to vector<16xi32>
    %broadcast_in_dim3A_494 = arith.constant true
    %broadcast_in_dim3A_495 = vector.broadcast %broadcast_in_dim3A_494 : i1 to vector<16xi1>
    %masked_cumsum3A_496 = tpu.scan <sum>, %convert_element_type3A_493 masked %broadcast_in_dim3A_495 : vector<16xi32>, vector<16xi1> -> vector<16xi32>
    %sub3A_497 = arith.subi %masked_cumsum3A_496, %convert_element_type3A_493 : vector<16xi32>
    %add3A_498 = vector.broadcast %add3A_329 : i32 to vector<16xi32>
    %add3A_499 = arith.addi %sub3A_497, %add3A_498 : vector<16xi32>
    %mul3A_500 = arith.constant 128 : i32
    %mul3A_501 = arith.muli %add3A_104, %mul3A_500 : i32
    %add3A_502 = vector.broadcast %mul3A_501 : i32 to vector<16xi32>
    %add3A_503 = arith.addi %add3A_502, %add3A_499 : vector<16xi32>
    %mul3A_504 = arith.muli %convert_element_type3A_493, %add3A_503 : vector<16xi32>
    %add3A_505 = arith.addi %add3A_484, %mul3A_504 : vector<16xi32>
    %reduce_sum3A_506 = arith.constant true
    %reduce_sum3A_507 = vector.broadcast %reduce_sum3A_506 : i1 to vector<16xi1>
    %reduce_sum3A_508 = tpu.scan <sum>, %convert_element_type3A_493 masked %reduce_sum3A_507 : vector<16xi32>, vector<16xi1> -> vector<16xi32>
    %reduce_sum3A_509 = vector.extract %reduce_sum3A_508[15] : i32 from vector<16xi32>
    %add3A_510 = arith.addi %add3A_329, %reduce_sum3A_509 : i32
    %eq3A_511 = arith.constant 3 : i32
    %eq3A_512 = vector.broadcast %eq3A_511 : i32 to vector<16xi32>
    %eq3A_513 = arith.cmpi eq, %get3A_446, %eq3A_512 : vector<16xi32>
    %convert_element_type3A_514 = arith.extui %eq3A_513 : vector<16xi1> to vector<16xi32>
    %broadcast_in_dim3A_515 = arith.constant true
    %broadcast_in_dim3A_516 = vector.broadcast %broadcast_in_dim3A_515 : i1 to vector<16xi1>
    %masked_cumsum3A_517 = tpu.scan <sum>, %convert_element_type3A_514 masked %broadcast_in_dim3A_516 : vector<16xi32>, vector<16xi1> -> vector<16xi32>
    %sub3A_518 = arith.subi %masked_cumsum3A_517, %convert_element_type3A_514 : vector<16xi32>
    %add3A_519 = vector.broadcast %add3A_350 : i32 to vector<16xi32>
    %add3A_520 = arith.addi %sub3A_518, %add3A_519 : vector<16xi32>
    %mul3A_521 = arith.constant 128 : i32
    %mul3A_522 = arith.muli %add3A_105, %mul3A_521 : i32
    %add3A_523 = vector.broadcast %mul3A_522 : i32 to vector<16xi32>
    %add3A_524 = arith.addi %add3A_523, %add3A_520 : vector<16xi32>
    %mul3A_525 = arith.muli %convert_element_type3A_514, %add3A_524 : vector<16xi32>
    %add3A_526 = arith.addi %add3A_505, %mul3A_525 : vector<16xi32>
    %reduce_sum3A_527 = arith.constant true
    %reduce_sum3A_528 = vector.broadcast %reduce_sum3A_527 : i1 to vector<16xi1>
    %reduce_sum3A_529 = tpu.scan <sum>, %convert_element_type3A_514 masked %reduce_sum3A_528 : vector<16xi32>, vector<16xi1> -> vector<16xi32>
    %reduce_sum3A_530 = vector.extract %reduce_sum3A_529[15] : i32 from vector<16xi32>
    %add3A_531 = arith.addi %add3A_350, %reduce_sum3A_530 : i32
    %eq3A_532 = arith.constant 4 : i32
    %eq3A_533 = vector.broadcast %eq3A_532 : i32 to vector<16xi32>
    %eq3A_534 = arith.cmpi eq, %get3A_446, %eq3A_533 : vector<16xi32>
    %convert_element_type3A_535 = arith.extui %eq3A_534 : vector<16xi1> to vector<16xi32>
    %broadcast_in_dim3A_536 = arith.constant true
    %broadcast_in_dim3A_537 = vector.broadcast %broadcast_in_dim3A_536 : i1 to vector<16xi1>
    %masked_cumsum3A_538 = tpu.scan <sum>, %convert_element_type3A_535 masked %broadcast_in_dim3A_537 : vector<16xi32>, vector<16xi1> -> vector<16xi32>
    %sub3A_539 = arith.subi %masked_cumsum3A_538, %convert_element_type3A_535 : vector<16xi32>
    %add3A_540 = vector.broadcast %add3A_371 : i32 to vector<16xi32>
    %add3A_541 = arith.addi %sub3A_539, %add3A_540 : vector<16xi32>
    %mul3A_542 = arith.constant 128 : i32
    %mul3A_543 = arith.muli %add3A_106, %mul3A_542 : i32
    %add3A_544 = vector.broadcast %mul3A_543 : i32 to vector<16xi32>
    %add3A_545 = arith.addi %add3A_544, %add3A_541 : vector<16xi32>
    %mul3A_546 = arith.muli %convert_element_type3A_535, %add3A_545 : vector<16xi32>
    %add3A_547 = arith.addi %add3A_526, %mul3A_546 : vector<16xi32>
    %reduce_sum3A_548 = arith.constant true
    %reduce_sum3A_549 = vector.broadcast %reduce_sum3A_548 : i1 to vector<16xi1>
    %reduce_sum3A_550 = tpu.scan <sum>, %convert_element_type3A_535 masked %reduce_sum3A_549 : vector<16xi32>, vector<16xi1> -> vector<16xi32>
    %reduce_sum3A_551 = vector.extract %reduce_sum3A_550[15] : i32 from vector<16xi32>
    %add3A_552 = arith.addi %add3A_371, %reduce_sum3A_551 : i32
    %eq3A_553 = arith.constant 5 : i32
    %eq3A_554 = vector.broadcast %eq3A_553 : i32 to vector<16xi32>
    %eq3A_555 = arith.cmpi eq, %get3A_446, %eq3A_554 : vector<16xi32>
    %convert_element_type3A_556 = arith.extui %eq3A_555 : vector<16xi1> to vector<16xi32>
    %broadcast_in_dim3A_557 = arith.constant true
    %broadcast_in_dim3A_558 = vector.broadcast %broadcast_in_dim3A_557 : i1 to vector<16xi1>
    %masked_cumsum3A_559 = tpu.scan <sum>, %convert_element_type3A_556 masked %broadcast_in_dim3A_558 : vector<16xi32>, vector<16xi1> -> vector<16xi32>
    %sub3A_560 = arith.subi %masked_cumsum3A_559, %convert_element_type3A_556 : vector<16xi32>
    %add3A_561 = vector.broadcast %add3A_392 : i32 to vector<16xi32>
    %add3A_562 = arith.addi %sub3A_560, %add3A_561 : vector<16xi32>
    %mul3A_563 = arith.constant 128 : i32
    %mul3A_564 = arith.muli %add3A_107, %mul3A_563 : i32
    %add3A_565 = vector.broadcast %mul3A_564 : i32 to vector<16xi32>
    %add3A_566 = arith.addi %add3A_565, %add3A_562 : vector<16xi32>
    %mul3A_567 = arith.muli %convert_element_type3A_556, %add3A_566 : vector<16xi32>
    %add3A_568 = arith.addi %add3A_547, %mul3A_567 : vector<16xi32>
    %reduce_sum3A_569 = arith.constant true
    %reduce_sum3A_570 = vector.broadcast %reduce_sum3A_569 : i1 to vector<16xi1>
    %reduce_sum3A_571 = tpu.scan <sum>, %convert_element_type3A_556 masked %reduce_sum3A_570 : vector<16xi32>, vector<16xi1> -> vector<16xi32>
    %reduce_sum3A_572 = vector.extract %reduce_sum3A_571[15] : i32 from vector<16xi32>
    %add3A_573 = arith.addi %add3A_392, %reduce_sum3A_572 : i32
    %eq3A_574 = arith.constant 6 : i32
    %eq3A_575 = vector.broadcast %eq3A_574 : i32 to vector<16xi32>
    %eq3A_576 = arith.cmpi eq, %get3A_446, %eq3A_575 : vector<16xi32>
    %convert_element_type3A_577 = arith.extui %eq3A_576 : vector<16xi1> to vector<16xi32>
    %broadcast_in_dim3A_578 = arith.constant true
    %broadcast_in_dim3A_579 = vector.broadcast %broadcast_in_dim3A_578 : i1 to vector<16xi1>
    %masked_cumsum3A_580 = tpu.scan <sum>, %convert_element_type3A_577 masked %broadcast_in_dim3A_579 : vector<16xi32>, vector<16xi1> -> vector<16xi32>
    %sub3A_581 = arith.subi %masked_cumsum3A_580, %convert_element_type3A_577 : vector<16xi32>
    %add3A_582 = vector.broadcast %add3A_413 : i32 to vector<16xi32>
    %add3A_583 = arith.addi %sub3A_581, %add3A_582 : vector<16xi32>
    %mul3A_584 = arith.constant 128 : i32
    %mul3A_585 = arith.muli %add3A_108, %mul3A_584 : i32
    %add3A_586 = vector.broadcast %mul3A_585 : i32 to vector<16xi32>
    %add3A_587 = arith.addi %add3A_586, %add3A_583 : vector<16xi32>
    %mul3A_588 = arith.muli %convert_element_type3A_577, %add3A_587 : vector<16xi32>
    %add3A_589 = arith.addi %add3A_568, %mul3A_588 : vector<16xi32>
    %reduce_sum3A_590 = arith.constant true
    %reduce_sum3A_591 = vector.broadcast %reduce_sum3A_590 : i1 to vector<16xi1>
    %reduce_sum3A_592 = tpu.scan <sum>, %convert_element_type3A_577 masked %reduce_sum3A_591 : vector<16xi32>, vector<16xi1> -> vector<16xi32>
    %reduce_sum3A_593 = vector.extract %reduce_sum3A_592[15] : i32 from vector<16xi32>
    %add3A_594 = arith.addi %add3A_413, %reduce_sum3A_593 : i32
    %eq3A_595 = arith.constant 7 : i32
    %eq3A_596 = vector.broadcast %eq3A_595 : i32 to vector<16xi32>
    %eq3A_597 = arith.cmpi eq, %get3A_446, %eq3A_596 : vector<16xi32>
    %convert_element_type3A_598 = arith.extui %eq3A_597 : vector<16xi1> to vector<16xi32>
    %broadcast_in_dim3A_599 = arith.constant true
    %broadcast_in_dim3A_600 = vector.broadcast %broadcast_in_dim3A_599 : i1 to vector<16xi1>
    %masked_cumsum3A_601 = tpu.scan <sum>, %convert_element_type3A_598 masked %broadcast_in_dim3A_600 : vector<16xi32>, vector<16xi1> -> vector<16xi32>
    %sub3A_602 = arith.subi %masked_cumsum3A_601, %convert_element_type3A_598 : vector<16xi32>
    %add3A_603 = vector.broadcast %add3A_434 : i32 to vector<16xi32>
    %add3A_604 = arith.addi %sub3A_602, %add3A_603 : vector<16xi32>
    %mul3A_605 = arith.constant 128 : i32
    %mul3A_606 = arith.muli %add3A_109, %mul3A_605 : i32
    %add3A_607 = vector.broadcast %mul3A_606 : i32 to vector<16xi32>
    %add3A_608 = arith.addi %add3A_607, %add3A_604 : vector<16xi32>
    %mul3A_609 = arith.muli %convert_element_type3A_598, %add3A_608 : vector<16xi32>
    %add3A_610 = arith.addi %add3A_589, %mul3A_609 : vector<16xi32>
    %reduce_sum3A_611 = arith.constant true
    %reduce_sum3A_612 = vector.broadcast %reduce_sum3A_611 : i1 to vector<16xi1>
    %reduce_sum3A_613 = tpu.scan <sum>, %convert_element_type3A_598 masked %reduce_sum3A_612 : vector<16xi32>, vector<16xi1> -> vector<16xi32>
    %reduce_sum3A_614 = vector.extract %reduce_sum3A_613[15] : i32 from vector<16xi32>
    %add3A_615 = arith.addi %add3A_434, %reduce_sum3A_614 : i32
    %swap3A_616 = arith.constant 1 : i32
    %swap3A_617 = arith.index_cast %swap3A_616 : i32 to index
    %swap3A_618 = arith.constant 0 : index
    %swap3A_619 = tpu.vector_load %arg9[%swap3A_617, %swap3A_618] {strides = array<i32>} : memref<4x16xi32, #tpu.memory_space<vmem>>, vector<16xi32>,
    tpu.vector_store %arg9[%swap3A_617, %swap3A_618], %add3A_610 {strides = array<i32>} : memref<4x16xi32, #tpu.memory_space<vmem>>, vector<16xi32>,
    %mul3A_620 = arith.constant 4 : i32
    %mul3A_621 = arith.muli %add3A, %mul3A_620 : i32
    %add3A_622 = arith.constant 2 : i32
    %add3A_623 = arith.addi %mul3A_621, %add3A_622 : i32
    %mul3A_624 = arith.constant 16 : i32
    %mul3A_625 = arith.muli %add3A_623, %mul3A_624 : i32
    %get3A_626 = arith.index_cast %mul3A_625 : i32 to index
    %get3A_627 = tpu.vector_load %arg7[%get3A_626] {strides = array<i32>} : memref<2048xi32, #tpu.memory_space<vmem>>, vector<16xi32>,
    %eq3A_628 = arith.constant 0 : i32
    %eq3A_629 = vector.broadcast %eq3A_628 : i32 to vector<16xi32>
    %eq3A_630 = arith.cmpi eq, %get3A_627, %eq3A_629 : vector<16xi32>
    %convert_element_type3A_631 = arith.extui %eq3A_630 : vector<16xi1> to vector<16xi32>
    %broadcast_in_dim3A_632 = arith.constant true
    %broadcast_in_dim3A_633 = vector.broadcast %broadcast_in_dim3A_632 : i1 to vector<16xi1>
    %masked_cumsum3A_634 = tpu.scan <sum>, %convert_element_type3A_631 masked %broadcast_in_dim3A_633 : vector<16xi32>, vector<16xi1> -> vector<16xi32>
    %sub3A_635 = arith.subi %masked_cumsum3A_634, %convert_element_type3A_631 : vector<16xi32>
    %add3A_636 = vector.broadcast %add3A_468 : i32 to vector<16xi32>
    %add3A_637 = arith.addi %sub3A_635, %add3A_636 : vector<16xi32>
    %mul3A_638 = arith.constant 0 : i32
    %mul3A_639 = arith.constant 128 : i32
    %mul3A_640 = arith.muli %mul3A_638, %mul3A_639 : i32
    %add3A_641 = vector.broadcast %mul3A_640 : i32 to vector<16xi32>
    %add3A_642 = arith.addi %add3A_641, %add3A_637 : vector<16xi32>
    %mul3A_643 = arith.muli %convert_element_type3A_631, %add3A_642 : vector<16xi32>
    %add3A_644 = arith.addi %broadcast_in_dim3A_120, %mul3A_643 : vector<16xi32>
    %reduce_sum3A_645 = arith.constant true
    %reduce_sum3A_646 = vector.broadcast %reduce_sum3A_645 : i1 to vector<16xi1>
    %reduce_sum3A_647 = tpu.scan <sum>, %convert_element_type3A_631 masked %reduce_sum3A_646 : vector<16xi32>, vector<16xi1> -> vector<16xi32>
    %reduce_sum3A_648 = vector.extract %reduce_sum3A_647[15] : i32 from vector<16xi32>
    %add3A_649 = arith.addi %add3A_468, %reduce_sum3A_648 : i32
    %eq3A_650 = arith.constant 1 : i32
    %eq3A_651 = vector.broadcast %eq3A_650 : i32 to vector<16xi32>
    %eq3A_652 = arith.cmpi eq, %get3A_627, %eq3A_651 : vector<16xi32>
    %convert_element_type3A_653 = arith.extui %eq3A_652 : vector<16xi1> to vector<16xi32>
    %broadcast_in_dim3A_654 = arith.constant true
    %broadcast_in_dim3A_655 = vector.broadcast %broadcast_in_dim3A_654 : i1 to vector<16xi1>
    %masked_cumsum3A_656 = tpu.scan <sum>, %convert_element_type3A_653 masked %broadcast_in_dim3A_655 : vector<16xi32>, vector<16xi1> -> vector<16xi32>
    %sub3A_657 = arith.subi %masked_cumsum3A_656, %convert_element_type3A_653 : vector<16xi32>
    %add3A_658 = vector.broadcast %add3A_489 : i32 to vector<16xi32>
    %add3A_659 = arith.addi %sub3A_657, %add3A_658 : vector<16xi32>
    %mul3A_660 = arith.constant 128 : i32
    %mul3A_661 = arith.muli %add3A_103, %mul3A_660 : i32
    %add3A_662 = vector.broadcast %mul3A_661 : i32 to vector<16xi32>
    %add3A_663 = arith.addi %add3A_662, %add3A_659 : vector<16xi32>
    %mul3A_664 = arith.muli %convert_element_type3A_653, %add3A_663 : vector<16xi32>
    %add3A_665 = arith.addi %add3A_644, %mul3A_664 : vector<16xi32>
    %reduce_sum3A_666 = arith.constant true
    %reduce_sum3A_667 = vector.broadcast %reduce_sum3A_666 : i1 to vector<16xi1>
    %reduce_sum3A_668 = tpu.scan <sum>, %convert_element_type3A_653 masked %reduce_sum3A_667 : vector<16xi32>, vector<16xi1> -> vector<16xi32>
    %reduce_sum3A_669 = vector.extract %reduce_sum3A_668[15] : i32 from vector<16xi32>
    %add3A_670 = arith.addi %add3A_489, %reduce_sum3A_669 : i32
    %eq3A_671 = arith.constant 2 : i32
    %eq3A_672 = vector.broadcast %eq3A_671 : i32 to vector<16xi32>
    %eq3A_673 = arith.cmpi eq, %get3A_627, %eq3A_672 : vector<16xi32>
    %convert_element_type3A_674 = arith.extui %eq3A_673 : vector<16xi1> to vector<16xi32>
    %broadcast_in_dim3A_675 = arith.constant true
    %broadcast_in_dim3A_676 = vector.broadcast %broadcast_in_dim3A_675 : i1 to vector<16xi1>
    %masked_cumsum3A_677 = tpu.scan <sum>, %convert_element_type3A_674 masked %broadcast_in_dim3A_676 : vector<16xi32>, vector<16xi1> -> vector<16xi32>
    %sub3A_678 = arith.subi %masked_cumsum3A_677, %convert_element_type3A_674 : vector<16xi32>
    %add3A_679 = vector.broadcast %add3A_510 : i32 to vector<16xi32>
    %add3A_680 = arith.addi %sub3A_678, %add3A_679 : vector<16xi32>
    %mul3A_681 = arith.constant 128 : i32
    %mul3A_682 = arith.muli %add3A_104, %mul3A_681 : i32
    %add3A_683 = vector.broadcast %mul3A_682 : i32 to vector<16xi32>
    %add3A_684 = arith.addi %add3A_683, %add3A_680 : vector<16xi32>
    %mul3A_685 = arith.muli %convert_element_type3A_674, %add3A_684 : vector<16xi32>
    %add3A_686 = arith.addi %add3A_665, %mul3A_685 : vector<16xi32>
    %reduce_sum3A_687 = arith.constant true
    %reduce_sum3A_688 = vector.broadcast %reduce_sum3A_687 : i1 to vector<16xi1>
    %reduce_sum3A_689 = tpu.scan <sum>, %convert_element_type3A_674 masked %reduce_sum3A_688 : vector<16xi32>, vector<16xi1> -> vector<16xi32>
    %reduce_sum3A_690 = vector.extract %reduce_sum3A_689[15] : i32 from vector<16xi32>
    %add3A_691 = arith.addi %add3A_510, %reduce_sum3A_690 : i32
    %eq3A_692 = arith.constant 3 : i32
    %eq3A_693 = vector.broadcast %eq3A_692 : i32 to vector<16xi32>
    %eq3A_694 = arith.cmpi eq, %get3A_627, %eq3A_693 : vector<16xi32>
    %convert_element_type3A_695 = arith.extui %eq3A_694 : vector<16xi1> to vector<16xi32>
    %broadcast_in_dim3A_696 = arith.constant true
    %broadcast_in_dim3A_697 = vector.broadcast %broadcast_in_dim3A_696 : i1 to vector<16xi1>
    %masked_cumsum3A_698 = tpu.scan <sum>, %convert_element_type3A_695 masked %broadcast_in_dim3A_697 : vector<16xi32>, vector<16xi1> -> vector<16xi32>
    %sub3A_699 = arith.subi %masked_cumsum3A_698, %convert_element_type3A_695 : vector<16xi32>
    %add3A_700 = vector.broadcast %add3A_531 : i32 to vector<16xi32>
    %add3A_701 = arith.addi %sub3A_699, %add3A_700 : vector<16xi32>
    %mul3A_702 = arith.constant 128 : i32
    %mul3A_703 = arith.muli %add3A_105, %mul3A_702 : i32
    %add3A_704 = vector.broadcast %mul3A_703 : i32 to vector<16xi32>
    %add3A_705 = arith.addi %add3A_704, %add3A_701 : vector<16xi32>
    %mul3A_706 = arith.muli %convert_element_type3A_695, %add3A_705 : vector<16xi32>
    %add3A_707 = arith.addi %add3A_686, %mul3A_706 : vector<16xi32>
    %reduce_sum3A_708 = arith.constant true
    %reduce_sum3A_709 = vector.broadcast %reduce_sum3A_708 : i1 to vector<16xi1>
    %reduce_sum3A_710 = tpu.scan <sum>, %convert_element_type3A_695 masked %reduce_sum3A_709 : vector<16xi32>, vector<16xi1> -> vector<16xi32>
    %reduce_sum3A_711 = vector.extract %reduce_sum3A_710[15] : i32 from vector<16xi32>
    %add3A_712 = arith.addi %add3A_531, %reduce_sum3A_711 : i32
    %eq3A_713 = arith.constant 4 : i32
    %eq3A_714 = vector.broadcast %eq3A_713 : i32 to vector<16xi32>
    %eq3A_715 = arith.cmpi eq, %get3A_627, %eq3A_714 : vector<16xi32>
    %convert_element_type3A_716 = arith.extui %eq3A_715 : vector<16xi1> to vector<16xi32>
    %broadcast_in_dim3A_717 = arith.constant true
    %broadcast_in_dim3A_718 = vector.broadcast %broadcast_in_dim3A_717 : i1 to vector<16xi1>
    %masked_cumsum3A_719 = tpu.scan <sum>, %convert_element_type3A_716 masked %broadcast_in_dim3A_718 : vector<16xi32>, vector<16xi1> -> vector<16xi32>
    %sub3A_720 = arith.subi %masked_cumsum3A_719, %convert_element_type3A_716 : vector<16xi32>
    %add3A_721 = vector.broadcast %add3A_552 : i32 to vector<16xi32>
    %add3A_722 = arith.addi %sub3A_720, %add3A_721 : vector<16xi32>
    %mul3A_723 = arith.constant 128 : i32
    %mul3A_724 = arith.muli %add3A_106, %mul3A_723 : i32
    %add3A_725 = vector.broadcast %mul3A_724 : i32 to vector<16xi32>
    %add3A_726 = arith.addi %add3A_725, %add3A_722 : vector<16xi32>
    %mul3A_727 = arith.muli %convert_element_type3A_716, %add3A_726 : vector<16xi32>
    %add3A_728 = arith.addi %add3A_707, %mul3A_727 : vector<16xi32>
    %reduce_sum3A_729 = arith.constant true
    %reduce_sum3A_730 = vector.broadcast %reduce_sum3A_729 : i1 to vector<16xi1>
    %reduce_sum3A_731 = tpu.scan <sum>, %convert_element_type3A_716 masked %reduce_sum3A_730 : vector<16xi32>, vector<16xi1> -> vector<16xi32>
    %reduce_sum3A_732 = vector.extract %reduce_sum3A_731[15] : i32 from vector<16xi32>
    %add3A_733 = arith.addi %add3A_552, %reduce_sum3A_732 : i32
    %eq3A_734 = arith.constant 5 : i32
    %eq3A_735 = vector.broadcast %eq3A_734 : i32 to vector<16xi32>
    %eq3A_736 = arith.cmpi eq, %get3A_627, %eq3A_735 : vector<16xi32>
    %convert_element_type3A_737 = arith.extui %eq3A_736 : vector<16xi1> to vector<16xi32>
    %broadcast_in_dim3A_738 = arith.constant true
    %broadcast_in_dim3A_739 = vector.broadcast %broadcast_in_dim3A_738 : i1 to vector<16xi1>
    %masked_cumsum3A_740 = tpu.scan <sum>, %convert_element_type3A_737 masked %broadcast_in_dim3A_739 : vector<16xi32>, vector<16xi1> -> vector<16xi32>
    %sub3A_741 = arith.subi %masked_cumsum3A_740, %convert_element_type3A_737 : vector<16xi32>
    %add3A_742 = vector.broadcast %add3A_573 : i32 to vector<16xi32>
    %add3A_743 = arith.addi %sub3A_741, %add3A_742 : vector<16xi32>
    %mul3A_744 = arith.constant 128 : i32
    %mul3A_745 = arith.muli %add3A_107, %mul3A_744 : i32
    %add3A_746 = vector.broadcast %mul3A_745 : i32 to vector<16xi32>
    %add3A_747 = arith.addi %add3A_746, %add3A_743 : vector<16xi32>
    %mul3A_748 = arith.muli %convert_element_type3A_737, %add3A_747 : vector<16xi32>
    %add3A_749 = arith.addi %add3A_728, %mul3A_748 : vector<16xi32>
    %reduce_sum3A_750 = arith.constant true
    %reduce_sum3A_751 = vector.broadcast %reduce_sum3A_750 : i1 to vector<16xi1>
    %reduce_sum3A_752 = tpu.scan <sum>, %convert_element_type3A_737 masked %reduce_sum3A_751 : vector<16xi32>, vector<16xi1> -> vector<16xi32>
    %reduce_sum3A_753 = vector.extract %reduce_sum3A_752[15] : i32 from vector<16xi32>
    %add3A_754 = arith.addi %add3A_573, %reduce_sum3A_753 : i32
    %eq3A_755 = arith.constant 6 : i32
    %eq3A_756 = vector.broadcast %eq3A_755 : i32 to vector<16xi32>
    %eq3A_757 = arith.cmpi eq, %get3A_627, %eq3A_756 : vector<16xi32>
    %convert_element_type3A_758 = arith.extui %eq3A_757 : vector<16xi1> to vector<16xi32>
    %broadcast_in_dim3A_759 = arith.constant true
    %broadcast_in_dim3A_760 = vector.broadcast %broadcast_in_dim3A_759 : i1 to vector<16xi1>
    %masked_cumsum3A_761 = tpu.scan <sum>, %convert_element_type3A_758 masked %broadcast_in_dim3A_760 : vector<16xi32>, vector<16xi1> -> vector<16xi32>
    %sub3A_762 = arith.subi %masked_cumsum3A_761, %convert_element_type3A_758 : vector<16xi32>
    %add3A_763 = vector.broadcast %add3A_594 : i32 to vector<16xi32>
    %add3A_764 = arith.addi %sub3A_762, %add3A_763 : vector<16xi32>
    %mul3A_765 = arith.constant 128 : i32
    %mul3A_766 = arith.muli %add3A_108, %mul3A_765 : i32
    %add3A_767 = vector.broadcast %mul3A_766 : i32 to vector<16xi32>
    %add3A_768 = arith.addi %add3A_767, %add3A_764 : vector<16xi32>
    %mul3A_769 = arith.muli %convert_element_type3A_758, %add3A_768 : vector<16xi32>
    %add3A_770 = arith.addi %add3A_749, %mul3A_769 : vector<16xi32>
    %reduce_sum3A_771 = arith.constant true
    %reduce_sum3A_772 = vector.broadcast %reduce_sum3A_771 : i1 to vector<16xi1>
    %reduce_sum3A_773 = tpu.scan <sum>, %convert_element_type3A_758 masked %reduce_sum3A_772 : vector<16xi32>, vector<16xi1> -> vector<16xi32>
    %reduce_sum3A_774 = vector.extract %reduce_sum3A_773[15] : i32 from vector<16xi32>
    %add3A_775 = arith.addi %add3A_594, %reduce_sum3A_774 : i32
    %eq3A_776 = arith.constant 7 : i32
    %eq3A_777 = vector.broadcast %eq3A_776 : i32 to vector<16xi32>
    %eq3A_778 = arith.cmpi eq, %get3A_627, %eq3A_777 : vector<16xi32>
    %convert_element_type3A_779 = arith.extui %eq3A_778 : vector<16xi1> to vector<16xi32>
    %broadcast_in_dim3A_780 = arith.constant true
    %broadcast_in_dim3A_781 = vector.broadcast %broadcast_in_dim3A_780 : i1 to vector<16xi1>
    %masked_cumsum3A_782 = tpu.scan <sum>, %convert_element_type3A_779 masked %broadcast_in_dim3A_781 : vector<16xi32>, vector<16xi1> -> vector<16xi32>
    %sub3A_783 = arith.subi %masked_cumsum3A_782, %convert_element_type3A_779 : vector<16xi32>
    %add3A_784 = vector.broadcast %add3A_615 : i32 to vector<16xi32>
    %add3A_785 = arith.addi %sub3A_783, %add3A_784 : vector<16xi32>
    %mul3A_786 = arith.constant 128 : i32
    %mul3A_787 = arith.muli %add3A_109, %mul3A_786 : i32
    %add3A_788 = vector.broadcast %mul3A_787 : i32 to vector<16xi32>
    %add3A_789 = arith.addi %add3A_788, %add3A_785 : vector<16xi32>
    %mul3A_790 = arith.muli %convert_element_type3A_779, %add3A_789 : vector<16xi32>
    %add3A_791 = arith.addi %add3A_770, %mul3A_790 : vector<16xi32>
    %reduce_sum3A_792 = arith.constant true
    %reduce_sum3A_793 = vector.broadcast %reduce_sum3A_792 : i1 to vector<16xi1>
    %reduce_sum3A_794 = tpu.scan <sum>, %convert_element_type3A_779 masked %reduce_sum3A_793 : vector<16xi32>, vector<16xi1> -> vector<16xi32>
    %reduce_sum3A_795 = vector.extract %reduce_sum3A_794[15] : i32 from vector<16xi32>
    %add3A_796 = arith.addi %add3A_615, %reduce_sum3A_795 : i32
    %swap3A_797 = arith.constant 2 : i32
    %swap3A_798 = arith.index_cast %swap3A_797 : i32 to index
    %swap3A_799 = arith.constant 0 : index
    %swap3A_800 = tpu.vector_load %arg9[%swap3A_798, %swap3A_799] {strides = array<i32>} : memref<4x16xi32, #tpu.memory_space<vmem>>, vector<16xi32>,
    tpu.vector_store %arg9[%swap3A_798, %swap3A_799], %add3A_791 {strides = array<i32>} : memref<4x16xi32, #tpu.memory_space<vmem>>, vector<16xi32>,
    %mul3A_801 = arith.constant 4 : i32
    %mul3A_802 = arith.muli %add3A, %mul3A_801 : i32
    %add3A_803 = arith.constant 3 : i32
    %add3A_804 = arith.addi %mul3A_802, %add3A_803 : i32
    %mul3A_805 = arith.constant 16 : i32
    %mul3A_806 = arith.muli %add3A_804, %mul3A_805 : i32
    %get3A_807 = arith.index_cast %mul3A_806 : i32 to index
    %get3A_808 = tpu.vector_load %arg7[%get3A_807] {strides = array<i32>} : memref<2048xi32, #tpu.memory_space<vmem>>, vector<16xi32>,
    %eq3A_809 = arith.constant 0 : i32
    %eq3A_810 = vector.broadcast %eq3A_809 : i32 to vector<16xi32>
    %eq3A_811 = arith.cmpi eq, %get3A_808, %eq3A_810 : vector<16xi32>
    %convert_element_type3A_812 = arith.extui %eq3A_811 : vector<16xi1> to vector<16xi32>
    %broadcast_in_dim3A_813 = arith.constant true
    %broadcast_in_dim3A_814 = vector.broadcast %broadcast_in_dim3A_813 : i1 to vector<16xi1>
    %masked_cumsum3A_815 = tpu.scan <sum>, %convert_element_type3A_812 masked %broadcast_in_dim3A_814 : vector<16xi32>, vector<16xi1> -> vector<16xi32>
    %sub3A_816 = arith.subi %masked_cumsum3A_815, %convert_element_type3A_812 : vector<16xi32>
    %add3A_817 = vector.broadcast %add3A_649 : i32 to vector<16xi32>
    %add3A_818 = arith.addi %sub3A_816, %add3A_817 : vector<16xi32>
    %mul3A_819 = arith.constant 0 : i32
    %mul3A_820 = arith.constant 128 : i32
    %mul3A_821 = arith.muli %mul3A_819, %mul3A_820 : i32
    %add3A_822 = vector.broadcast %mul3A_821 : i32 to vector<16xi32>
    %add3A_823 = arith.addi %add3A_822, %add3A_818 : vector<16xi32>
    %mul3A_824 = arith.muli %convert_element_type3A_812, %add3A_823 : vector<16xi32>
    %add3A_825 = arith.addi %broadcast_in_dim3A_120, %mul3A_824 : vector<16xi32>
    %reduce_sum3A_826 = arith.constant true
    %reduce_sum3A_827 = vector.broadcast %reduce_sum3A_826 : i1 to vector<16xi1>
    %reduce_sum3A_828 = tpu.scan <sum>, %convert_element_type3A_812 masked %reduce_sum3A_827 : vector<16xi32>, vector<16xi1> -> vector<16xi32>
    %reduce_sum3A_829 = vector.extract %reduce_sum3A_828[15] : i32 from vector<16xi32>
    %add3A_830 = arith.addi %add3A_649, %reduce_sum3A_829 : i32
    %eq3A_831 = arith.constant 1 : i32
    %eq3A_832 = vector.broadcast %eq3A_831 : i32 to vector<16xi32>
    %eq3A_833 = arith.cmpi eq, %get3A_808, %eq3A_832 : vector<16xi32>
    %convert_element_type3A_834 = arith.extui %eq3A_833 : vector<16xi1> to vector<16xi32>
    %broadcast_in_dim3A_835 = arith.constant true
    %broadcast_in_dim3A_836 = vector.broadcast %broadcast_in_dim3A_835 : i1 to vector<16xi1>
    %masked_cumsum3A_837 = tpu.scan <sum>, %convert_element_type3A_834 masked %broadcast_in_dim3A_836 : vector<16xi32>, vector<16xi1> -> vector<16xi32>
    %sub3A_838 = arith.subi %masked_cumsum3A_837, %convert_element_type3A_834 : vector<16xi32>
    %add3A_839 = vector.broadcast %add3A_670 : i32 to vector<16xi32>
    %add3A_840 = arith.addi %sub3A_838, %add3A_839 : vector<16xi32>
    %mul3A_841 = arith.constant 128 : i32
    %mul3A_842 = arith.muli %add3A_103, %mul3A_841 : i32
    %add3A_843 = vector.broadcast %mul3A_842 : i32 to vector<16xi32>
    %add3A_844 = arith.addi %add3A_843, %add3A_840 : vector<16xi32>
    %mul3A_845 = arith.muli %convert_element_type3A_834, %add3A_844 : vector<16xi32>
    %add3A_846 = arith.addi %add3A_825, %mul3A_845 : vector<16xi32>
    %reduce_sum3A_847 = arith.constant true
    %reduce_sum3A_848 = vector.broadcast %reduce_sum3A_847 : i1 to vector<16xi1>
    %reduce_sum3A_849 = tpu.scan <sum>, %convert_element_type3A_834 masked %reduce_sum3A_848 : vector<16xi32>, vector<16xi1> -> vector<16xi32>
    %reduce_sum3A_850 = vector.extract %reduce_sum3A_849[15] : i32 from vector<16xi32>
    %add3A_851 = arith.addi %add3A_670, %reduce_sum3A_850 : i32
    %eq3A_852 = arith.constant 2 : i32
    %eq3A_853 = vector.broadcast %eq3A_852 : i32 to vector<16xi32>
    %eq3A_854 = arith.cmpi eq, %get3A_808, %eq3A_853 : vector<16xi32>
    %convert_element_type3A_855 = arith.extui %eq3A_854 : vector<16xi1> to vector<16xi32>
    %broadcast_in_dim3A_856 = arith.constant true
    %broadcast_in_dim3A_857 = vector.broadcast %broadcast_in_dim3A_856 : i1 to vector<16xi1>
    %masked_cumsum3A_858 = tpu.scan <sum>, %convert_element_type3A_855 masked %broadcast_in_dim3A_857 : vector<16xi32>, vector<16xi1> -> vector<16xi32>
    %sub3A_859 = arith.subi %masked_cumsum3A_858, %convert_element_type3A_855 : vector<16xi32>
    %add3A_860 = vector.broadcast %add3A_691 : i32 to vector<16xi32>
    %add3A_861 = arith.addi %sub3A_859, %add3A_860 : vector<16xi32>
    %mul3A_862 = arith.constant 128 : i32
    %mul3A_863 = arith.muli %add3A_104, %mul3A_862 : i32
    %add3A_864 = vector.broadcast %mul3A_863 : i32 to vector<16xi32>
    %add3A_865 = arith.addi %add3A_864, %add3A_861 : vector<16xi32>
    %mul3A_866 = arith.muli %convert_element_type3A_855, %add3A_865 : vector<16xi32>
    %add3A_867 = arith.addi %add3A_846, %mul3A_866 : vector<16xi32>
    %reduce_sum3A_868 = arith.constant true
    %reduce_sum3A_869 = vector.broadcast %reduce_sum3A_868 : i1 to vector<16xi1>
    %reduce_sum3A_870 = tpu.scan <sum>, %convert_element_type3A_855 masked %reduce_sum3A_869 : vector<16xi32>, vector<16xi1> -> vector<16xi32>
    %reduce_sum3A_871 = vector.extract %reduce_sum3A_870[15] : i32 from vector<16xi32>
    %add3A_872 = arith.addi %add3A_691, %reduce_sum3A_871 : i32
    %eq3A_873 = arith.constant 3 : i32
    %eq3A_874 = vector.broadcast %eq3A_873 : i32 to vector<16xi32>
    %eq3A_875 = arith.cmpi eq, %get3A_808, %eq3A_874 : vector<16xi32>
    %convert_element_type3A_876 = arith.extui %eq3A_875 : vector<16xi1> to vector<16xi32>
    %broadcast_in_dim3A_877 = arith.constant true
    %broadcast_in_dim3A_878 = vector.broadcast %broadcast_in_dim3A_877 : i1 to vector<16xi1>
    %masked_cumsum3A_879 = tpu.scan <sum>, %convert_element_type3A_876 masked %broadcast_in_dim3A_878 : vector<16xi32>, vector<16xi1> -> vector<16xi32>
    %sub3A_880 = arith.subi %masked_cumsum3A_879, %convert_element_type3A_876 : vector<16xi32>
    %add3A_881 = vector.broadcast %add3A_712 : i32 to vector<16xi32>
    %add3A_882 = arith.addi %sub3A_880, %add3A_881 : vector<16xi32>
    %mul3A_883 = arith.constant 128 : i32
    %mul3A_884 = arith.muli %add3A_105, %mul3A_883 : i32
    %add3A_885 = vector.broadcast %mul3A_884 : i32 to vector<16xi32>
    %add3A_886 = arith.addi %add3A_885, %add3A_882 : vector<16xi32>
    %mul3A_887 = arith.muli %convert_element_type3A_876, %add3A_886 : vector<16xi32>
    %add3A_888 = arith.addi %add3A_867, %mul3A_887 : vector<16xi32>
    %reduce_sum3A_889 = arith.constant true
    %reduce_sum3A_890 = vector.broadcast %reduce_sum3A_889 : i1 to vector<16xi1>
    %reduce_sum3A_891 = tpu.scan <sum>, %convert_element_type3A_876 masked %reduce_sum3A_890 : vector<16xi32>, vector<16xi1> -> vector<16xi32>
    %reduce_sum3A_892 = vector.extract %reduce_sum3A_891[15] : i32 from vector<16xi32>
    %add3A_893 = arith.addi %add3A_712, %reduce_sum3A_892 : i32
    %eq3A_894 = arith.constant 4 : i32
    %eq3A_895 = vector.broadcast %eq3A_894 : i32 to vector<16xi32>
    %eq3A_896 = arith.cmpi eq, %get3A_808, %eq3A_895 : vector<16xi32>
    %convert_element_type3A_897 = arith.extui %eq3A_896 : vector<16xi1> to vector<16xi32>
    %broadcast_in_dim3A_898 = arith.constant true
    %broadcast_in_dim3A_899 = vector.broadcast %broadcast_in_dim3A_898 : i1 to vector<16xi1>
    %masked_cumsum3A_900 = tpu.scan <sum>, %convert_element_type3A_897 masked %broadcast_in_dim3A_899 : vector<16xi32>, vector<16xi1> -> vector<16xi32>
    %sub3A_901 = arith.subi %masked_cumsum3A_900, %convert_element_type3A_897 : vector<16xi32>
    %add3A_902 = vector.broadcast %add3A_733 : i32 to vector<16xi32>
    %add3A_903 = arith.addi %sub3A_901, %add3A_902 : vector<16xi32>
    %mul3A_904 = arith.constant 128 : i32
    %mul3A_905 = arith.muli %add3A_106, %mul3A_904 : i32
    %add3A_906 = vector.broadcast %mul3A_905 : i32 to vector<16xi32>
    %add3A_907 = arith.addi %add3A_906, %add3A_903 : vector<16xi32>
    %mul3A_908 = arith.muli %convert_element_type3A_897, %add3A_907 : vector<16xi32>
    %add3A_909 = arith.addi %add3A_888, %mul3A_908 : vector<16xi32>
    %reduce_sum3A_910 = arith.constant true
    %reduce_sum3A_911 = vector.broadcast %reduce_sum3A_910 : i1 to vector<16xi1>
    %reduce_sum3A_912 = tpu.scan <sum>, %convert_element_type3A_897 masked %reduce_sum3A_911 : vector<16xi32>, vector<16xi1> -> vector<16xi32>
    %reduce_sum3A_913 = vector.extract %reduce_sum3A_912[15] : i32 from vector<16xi32>
    %add3A_914 = arith.addi %add3A_733, %reduce_sum3A_913 : i32
    %eq3A_915 = arith.constant 5 : i32
    %eq3A_916 = vector.broadcast %eq3A_915 : i32 to vector<16xi32>
    %eq3A_917 = arith.cmpi eq, %get3A_808, %eq3A_916 : vector<16xi32>
    %convert_element_type3A_918 = arith.extui %eq3A_917 : vector<16xi1> to vector<16xi32>
    %broadcast_in_dim3A_919 = arith.constant true
    %broadcast_in_dim3A_920 = vector.broadcast %broadcast_in_dim3A_919 : i1 to vector<16xi1>
    %masked_cumsum3A_921 = tpu.scan <sum>, %convert_element_type3A_918 masked %broadcast_in_dim3A_920 : vector<16xi32>, vector<16xi1> -> vector<16xi32>
    %sub3A_922 = arith.subi %masked_cumsum3A_921, %convert_element_type3A_918 : vector<16xi32>
    %add3A_923 = vector.broadcast %add3A_754 : i32 to vector<16xi32>
    %add3A_924 = arith.addi %sub3A_922, %add3A_923 : vector<16xi32>
    %mul3A_925 = arith.constant 128 : i32
    %mul3A_926 = arith.muli %add3A_107, %mul3A_925 : i32
    %add3A_927 = vector.broadcast %mul3A_926 : i32 to vector<16xi32>
    %add3A_928 = arith.addi %add3A_927, %add3A_924 : vector<16xi32>
    %mul3A_929 = arith.muli %convert_element_type3A_918, %add3A_928 : vector<16xi32>
    %add3A_930 = arith.addi %add3A_909, %mul3A_929 : vector<16xi32>
    %reduce_sum3A_931 = arith.constant true
    %reduce_sum3A_932 = vector.broadcast %reduce_sum3A_931 : i1 to vector<16xi1>
    %reduce_sum3A_933 = tpu.scan <sum>, %convert_element_type3A_918 masked %reduce_sum3A_932 : vector<16xi32>, vector<16xi1> -> vector<16xi32>
    %reduce_sum3A_934 = vector.extract %reduce_sum3A_933[15] : i32 from vector<16xi32>
    %add3A_935 = arith.addi %add3A_754, %reduce_sum3A_934 : i32
    %eq3A_936 = arith.constant 6 : i32
    %eq3A_937 = vector.broadcast %eq3A_936 : i32 to vector<16xi32>
    %eq3A_938 = arith.cmpi eq, %get3A_808, %eq3A_937 : vector<16xi32>
    %convert_element_type3A_939 = arith.extui %eq3A_938 : vector<16xi1> to vector<16xi32>
    %broadcast_in_dim3A_940 = arith.constant true
    %broadcast_in_dim3A_941 = vector.broadcast %broadcast_in_dim3A_940 : i1 to vector<16xi1>
    %masked_cumsum3A_942 = tpu.scan <sum>, %convert_element_type3A_939 masked %broadcast_in_dim3A_941 : vector<16xi32>, vector<16xi1> -> vector<16xi32>
    %sub3A_943 = arith.subi %masked_cumsum3A_942, %convert_element_type3A_939 : vector<16xi32>
    %add3A_944 = vector.broadcast %add3A_775 : i32 to vector<16xi32>
    %add3A_945 = arith.addi %sub3A_943, %add3A_944 : vector<16xi32>
    %mul3A_946 = arith.constant 128 : i32
    %mul3A_947 = arith.muli %add3A_108, %mul3A_946 : i32
    %add3A_948 = vector.broadcast %mul3A_947 : i32 to vector<16xi32>
    %add3A_949 = arith.addi %add3A_948, %add3A_945 : vector<16xi32>
    %mul3A_950 = arith.muli %convert_element_type3A_939, %add3A_949 : vector<16xi32>
    %add3A_951 = arith.addi %add3A_930, %mul3A_950 : vector<16xi32>
    %reduce_sum3A_952 = arith.constant true
    %reduce_sum3A_953 = vector.broadcast %reduce_sum3A_952 : i1 to vector<16xi1>
    %reduce_sum3A_954 = tpu.scan <sum>, %convert_element_type3A_939 masked %reduce_sum3A_953 : vector<16xi32>, vector<16xi1> -> vector<16xi32>
    %reduce_sum3A_955 = vector.extract %reduce_sum3A_954[15] : i32 from vector<16xi32>
    %add3A_956 = arith.addi %add3A_775, %reduce_sum3A_955 : i32
    %eq3A_957 = arith.constant 7 : i32
    %eq3A_958 = vector.broadcast %eq3A_957 : i32 to vector<16xi32>
    %eq3A_959 = arith.cmpi eq, %get3A_808, %eq3A_958 : vector<16xi32>
    %convert_element_type3A_960 = arith.extui %eq3A_959 : vector<16xi1> to vector<16xi32>
    %broadcast_in_dim3A_961 = arith.constant true
    %broadcast_in_dim3A_962 = vector.broadcast %broadcast_in_dim3A_961 : i1 to vector<16xi1>
    %masked_cumsum3A_963 = tpu.scan <sum>, %convert_element_type3A_960 masked %broadcast_in_dim3A_962 : vector<16xi32>, vector<16xi1> -> vector<16xi32>
    %sub3A_964 = arith.subi %masked_cumsum3A_963, %convert_element_type3A_960 : vector<16xi32>
    %add3A_965 = vector.broadcast %add3A_796 : i32 to vector<16xi32>
    %add3A_966 = arith.addi %sub3A_964, %add3A_965 : vector<16xi32>
    %mul3A_967 = arith.constant 128 : i32
    %mul3A_968 = arith.muli %add3A_109, %mul3A_967 : i32
    %add3A_969 = vector.broadcast %mul3A_968 : i32 to vector<16xi32>
    %add3A_970 = arith.addi %add3A_969, %add3A_966 : vector<16xi32>
    %mul3A_971 = arith.muli %convert_element_type3A_960, %add3A_970 : vector<16xi32>
    %add3A_972 = arith.addi %add3A_951, %mul3A_971 : vector<16xi32>
    %reduce_sum3A_973 = arith.constant true
    %reduce_sum3A_974 = vector.broadcast %reduce_sum3A_973 : i1 to vector<16xi1>
    %reduce_sum3A_975 = tpu.scan <sum>, %convert_element_type3A_960 masked %reduce_sum3A_974 : vector<16xi32>, vector<16xi1> -> vector<16xi32>
    %reduce_sum3A_976 = vector.extract %reduce_sum3A_975[15] : i32 from vector<16xi32>
    %add3A_977 = arith.addi %add3A_796, %reduce_sum3A_976 : i32
    %swap3A_978 = arith.constant 3 : i32
    %swap3A_979 = arith.index_cast %swap3A_978 : i32 to index
    %swap3A_980 = arith.constant 0 : index
    %swap3A_981 = tpu.vector_load %arg9[%swap3A_979, %swap3A_980] {strides = array<i32>} : memref<4x16xi32, #tpu.memory_space<vmem>>, vector<16xi32>,
    tpu.vector_store %arg9[%swap3A_979, %swap3A_980], %add3A_972 {strides = array<i32>} : memref<4x16xi32, #tpu.memory_space<vmem>>, vector<16xi32>,
    %mul3A_982 = arith.constant 4 : i32
    %mul3A_983 = arith.muli %add3A, %mul3A_982 : i32
    "tpu.region"() ({
      %run_scoped3A = tpu.sem_alloc : memref<!tpu.dma_semaphore, #tpu.memory_space<semaphore_mem>>
      %dma_start3A_1103 = arith.constant 0 : i32
      %dma_start3A_1104 = tpu.memref_slice %arg6[%mul3A_983, %dma_start3A_1103] : memref<128x16xi32, #tpu.memory_space<hbm>> -> memref<4x16xi32, #tpu.memory_space<hbm>>
      %dma_start3A_1105 = arith.constant 0 : i32
      %dma_start3A_1106 = tpu.memref_slice %arg6[%mul3A_983, %dma_start3A_1105] : memref<128x16xi32, #tpu.memory_space<hbm>> -> memref<4x16xi32, #tpu.memory_space<hbm>>
      tpu.enqueue_dma source(%arg9 : memref<4x16xi32, #tpu.memory_space<vmem>>) target(%dma_start3A_1106 : memref<4x16xi32, #tpu.memory_space<hbm>>) target_semaphore(%run_scoped3A : memref<!tpu.dma_semaphore, #tpu.memory_space<semaphore_mem>>)
      %dma_wait3A_1107 = arith.constant 0 : i32
      %dma_wait3A_1108 = tpu.memref_slice %arg6[%mul3A_983, %dma_wait3A_1107] : memref<128x16xi32, #tpu.memory_space<hbm>> -> memref<4x16xi32, #tpu.memory_space<hbm>>
      %dma_wait3A_1109 = arith.constant 0 : i32
      %dma_wait3A_1110 = tpu.memref_slice %arg6[%mul3A_983, %dma_wait3A_1109] : memref<128x16xi32, #tpu.memory_space<hbm>> -> memref<4x16xi32, #tpu.memory_space<hbm>>
      tpu.wait_dma2 semaphore(%run_scoped3A : memref<!tpu.dma_semaphore, #tpu.memory_space<semaphore_mem>>) src(%arg9 : memref<4x16xi32, #tpu.memory_space<vmem>>) dst(%dma_wait3A_1110 : memref<4x16xi32, #tpu.memory_space<hbm>>)
      tpu.yield
    }) : () -> ()
    %dma_wait3A = arith.constant 0 : i32
    %dma_wait3A_984 = arith.constant 0 : i32
    %dma_wait3A_985 = tpu.memref_slice %arg8[%dma_wait3A, %dma_wait3A_984] : memref<64x1024xf32, #tpu.memory_space<vmem>> -> memref<16x1024xf32, #tpu.memory_space<vmem>>
    %dma_wait3A_986 = arith.constant 0 : i32
    %dma_wait3A_987 = tpu.memref_slice %arg2[%add3A_4, %dma_wait3A_986] : memref<2048x1024xf32, #tpu.memory_space<hbm>> -> memref<16x1024xf32, #tpu.memory_space<hbm>>
    %dma_wait3A_988 = arith.constant 0 : i32
    %dma_wait3A_989 = arith.constant 0 : i32
    %dma_wait3A_990 = tpu.memref_slice %arg8[%dma_wait3A_988, %dma_wait3A_989] : memref<64x1024xf32, #tpu.memory_space<vmem>> -> memref<16x1024xf32, #tpu.memory_space<vmem>>
    %dma_wait3A_991 = arith.constant 0 : i32
    %dma_wait3A_992 = tpu.memref_slice %arg2[%add3A_4, %dma_wait3A_991] : memref<2048x1024xf32, #tpu.memory_space<hbm>> -> memref<16x1024xf32, #tpu.memory_space<hbm>>
    tpu.wait_dma2 semaphore(%arg11 : memref<!tpu.dma_semaphore, #tpu.memory_space<semaphore_mem>>) src(%dma_wait3A_992 : memref<16x1024xf32, #tpu.memory_space<hbm>>) dst(%dma_wait3A_990 : memref<16x1024xf32, #tpu.memory_space<vmem>>)
    %dma_start3A_993 = arith.constant 0 : i32
    %dma_start3A_994 = arith.constant 0 : i32
    %dma_start3A_995 = arith.constant 0 : i32
    %dma_start3A_996 = tpu.memref_slice %arg8[%dma_start3A_994, %dma_start3A_995] : memref<64x1024xf32, #tpu.memory_space<vmem>> -> memref<16x1024xf32, #tpu.memory_space<vmem>>
    %dma_start3A_997 = arith.constant 0 : i32
    %dma_start3A_998 = tpu.memref_slice %arg9[%dma_start3A_993, %dma_start3A_997] : memref<4x16xi32, #tpu.memory_space<vmem>> -> memref<1x16xi32, #tpu.memory_space<vmem>>
    %dma_start3A_999 = tpu.memref_squeeze %dma_start3A_998 : memref<1x16xi32, #tpu.memory_space<vmem>> -> memref<16xi32, #tpu.memory_space<vmem>>
    %dma_start3A_1000 = arith.constant 0 : i32
    %dma_start3A_1001 = arith.constant 0 : i32
    %dma_start3A_1002 = tpu.memref_slice %arg4[%dma_start3A_1000, %dma_start3A_1001] : memref<3072x1024xf32, #tpu.memory_space<hbm>> -> memref<3072x1024xf32, #tpu.memory_space<hbm>>
    tpu.enqueue_indirect_dma source(%dma_start3A_996 : memref<16x1024xf32, #tpu.memory_space<vmem>>) target(%dma_start3A_1002 : memref<3072x1024xf32, #tpu.memory_space<hbm>>) offsets(%dma_start3A_999 : memref<16xi32, #tpu.memory_space<vmem>>) semaphore(%arg12 : memref<!tpu.dma_semaphore, #tpu.memory_space<semaphore_mem>>)
    %dma_wait3A_1003 = arith.constant 16 : i32
    %dma_wait3A_1004 = arith.constant 0 : i32
    %dma_wait3A_1005 = tpu.memref_slice %arg8[%dma_wait3A_1003, %dma_wait3A_1004] : memref<64x1024xf32, #tpu.memory_space<vmem>> -> memref<16x1024xf32, #tpu.memory_space<vmem>>
    %dma_wait3A_1006 = arith.constant 0 : i32
    %dma_wait3A_1007 = tpu.memref_slice %arg2[%add3A_15, %dma_wait3A_1006] : memref<2048x1024xf32, #tpu.memory_space<hbm>> -> memref<16x1024xf32, #tpu.memory_space<hbm>>
    %dma_wait3A_1008 = arith.constant 16 : i32
    %dma_wait3A_1009 = arith.constant 0 : i32
    %dma_wait3A_1010 = tpu.memref_slice %arg8[%dma_wait3A_1008, %dma_wait3A_1009] : memref<64x1024xf32, #tpu.memory_space<vmem>> -> memref<16x1024xf32, #tpu.memory_space<vmem>>
    %dma_wait3A_1011 = arith.constant 0 : i32
    %dma_wait3A_1012 = tpu.memref_slice %arg2[%add3A_15, %dma_wait3A_1011] : memref<2048x1024xf32, #tpu.memory_space<hbm>> -> memref<16x1024xf32, #tpu.memory_space<hbm>>
    tpu.wait_dma2 semaphore(%arg11 : memref<!tpu.dma_semaphore, #tpu.memory_space<semaphore_mem>>) src(%dma_wait3A_1012 : memref<16x1024xf32, #tpu.memory_space<hbm>>) dst(%dma_wait3A_1010 : memref<16x1024xf32, #tpu.memory_space<vmem>>)
    %dma_start3A_1013 = arith.constant 1 : i32
    %dma_start3A_1014 = arith.constant 16 : i32
    %dma_start3A_1015 = arith.constant 0 : i32
    %dma_start3A_1016 = tpu.memref_slice %arg8[%dma_start3A_1014, %dma_start3A_1015] : memref<64x1024xf32, #tpu.memory_space<vmem>> -> memref<16x1024xf32, #tpu.memory_space<vmem>>
    %dma_start3A_1017 = arith.constant 0 : i32
    %dma_start3A_1018 = tpu.memref_slice %arg9[%dma_start3A_1013, %dma_start3A_1017] : memref<4x16xi32, #tpu.memory_space<vmem>> -> memref<1x16xi32, #tpu.memory_space<vmem>>
    %dma_start3A_1019 = tpu.memref_squeeze %dma_start3A_1018 : memref<1x16xi32, #tpu.memory_space<vmem>> -> memref<16xi32, #tpu.memory_space<vmem>>
    %dma_start3A_1020 = arith.constant 0 : i32
    %dma_start3A_1021 = arith.constant 0 : i32
    %dma_start3A_1022 = tpu.memref_slice %arg4[%dma_start3A_1020, %dma_start3A_1021] : memref<3072x1024xf32, #tpu.memory_space<hbm>> -> memref<3072x1024xf32, #tpu.memory_space<hbm>>
    tpu.enqueue_indirect_dma source(%dma_start3A_1016 : memref<16x1024xf32, #tpu.memory_space<vmem>>) target(%dma_start3A_1022 : memref<3072x1024xf32, #tpu.memory_space<hbm>>) offsets(%dma_start3A_1019 : memref<16xi32, #tpu.memory_space<vmem>>) semaphore(%arg12 : memref<!tpu.dma_semaphore, #tpu.memory_space<semaphore_mem>>)
    %dma_wait3A_1023 = arith.constant 32 : i32
    %dma_wait3A_1024 = arith.constant 0 : i32
    %dma_wait3A_1025 = tpu.memref_slice %arg8[%dma_wait3A_1023, %dma_wait3A_1024] : memref<64x1024xf32, #tpu.memory_space<vmem>> -> memref<16x1024xf32, #tpu.memory_space<vmem>>
    %dma_wait3A_1026 = arith.constant 0 : i32
    %dma_wait3A_1027 = tpu.memref_slice %arg2[%add3A_27, %dma_wait3A_1026] : memref<2048x1024xf32, #tpu.memory_space<hbm>> -> memref<16x1024xf32, #tpu.memory_space<hbm>>
    %dma_wait3A_1028 = arith.constant 32 : i32
    %dma_wait3A_1029 = arith.constant 0 : i32
    %dma_wait3A_1030 = tpu.memref_slice %arg8[%dma_wait3A_1028, %dma_wait3A_1029] : memref<64x1024xf32, #tpu.memory_space<vmem>> -> memref<16x1024xf32, #tpu.memory_space<vmem>>
    %dma_wait3A_1031 = arith.constant 0 : i32
    %dma_wait3A_1032 = tpu.memref_slice %arg2[%add3A_27, %dma_wait3A_1031] : memref<2048x1024xf32, #tpu.memory_space<hbm>> -> memref<16x1024xf32, #tpu.memory_space<hbm>>
    tpu.wait_dma2 semaphore(%arg11 : memref<!tpu.dma_semaphore, #tpu.memory_space<semaphore_mem>>) src(%dma_wait3A_1032 : memref<16x1024xf32, #tpu.memory_space<hbm>>) dst(%dma_wait3A_1030 : memref<16x1024xf32, #tpu.memory_space<vmem>>)
    %dma_start3A_1033 = arith.constant 2 : i32
    %dma_start3A_1034 = arith.constant 32 : i32
    %dma_start3A_1035 = arith.constant 0 : i32
    %dma_start3A_1036 = tpu.memref_slice %arg8[%dma_start3A_1034, %dma_start3A_1035] : memref<64x1024xf32, #tpu.memory_space<vmem>> -> memref<16x1024xf32, #tpu.memory_space<vmem>>
    %dma_start3A_1037 = arith.constant 0 : i32
    %dma_start3A_1038 = tpu.memref_slice %arg9[%dma_start3A_1033, %dma_start3A_1037] : memref<4x16xi32, #tpu.memory_space<vmem>> -> memref<1x16xi32, #tpu.memory_space<vmem>>
    %dma_start3A_1039 = tpu.memref_squeeze %dma_start3A_1038 : memref<1x16xi32, #tpu.memory_space<vmem>> -> memref<16xi32, #tpu.memory_space<vmem>>
    %dma_start3A_1040 = arith.constant 0 : i32
    %dma_start3A_1041 = arith.constant 0 : i32
    %dma_start3A_1042 = tpu.memref_slice %arg4[%dma_start3A_1040, %dma_start3A_1041] : memref<3072x1024xf32, #tpu.memory_space<hbm>> -> memref<3072x1024xf32, #tpu.memory_space<hbm>>
    tpu.enqueue_indirect_dma source(%dma_start3A_1036 : memref<16x1024xf32, #tpu.memory_space<vmem>>) target(%dma_start3A_1042 : memref<3072x1024xf32, #tpu.memory_space<hbm>>) offsets(%dma_start3A_1039 : memref<16xi32, #tpu.memory_space<vmem>>) semaphore(%arg12 : memref<!tpu.dma_semaphore, #tpu.memory_space<semaphore_mem>>)
    %dma_wait3A_1043 = arith.constant 48 : i32
    %dma_wait3A_1044 = arith.constant 0 : i32
    %dma_wait3A_1045 = tpu.memref_slice %arg8[%dma_wait3A_1043, %dma_wait3A_1044] : memref<64x1024xf32, #tpu.memory_space<vmem>> -> memref<16x1024xf32, #tpu.memory_space<vmem>>
    %dma_wait3A_1046 = arith.constant 0 : i32
    %dma_wait3A_1047 = tpu.memref_slice %arg2[%add3A_39, %dma_wait3A_1046] : memref<2048x1024xf32, #tpu.memory_space<hbm>> -> memref<16x1024xf32, #tpu.memory_space<hbm>>
    %dma_wait3A_1048 = arith.constant 48 : i32
    %dma_wait3A_1049 = arith.constant 0 : i32
    %dma_wait3A_1050 = tpu.memref_slice %arg8[%dma_wait3A_1048, %dma_wait3A_1049] : memref<64x1024xf32, #tpu.memory_space<vmem>> -> memref<16x1024xf32, #tpu.memory_space<vmem>>
    %dma_wait3A_1051 = arith.constant 0 : i32
    %dma_wait3A_1052 = tpu.memref_slice %arg2[%add3A_39, %dma_wait3A_1051] : memref<2048x1024xf32, #tpu.memory_space<hbm>> -> memref<16x1024xf32, #tpu.memory_space<hbm>>
    tpu.wait_dma2 semaphore(%arg11 : memref<!tpu.dma_semaphore, #tpu.memory_space<semaphore_mem>>) src(%dma_wait3A_1052 : memref<16x1024xf32, #tpu.memory_space<hbm>>) dst(%dma_wait3A_1050 : memref<16x1024xf32, #tpu.memory_space<vmem>>)
    %dma_start3A_1053 = arith.constant 3 : i32
    %dma_start3A_1054 = arith.constant 48 : i32
    %dma_start3A_1055 = arith.constant 0 : i32
    %dma_start3A_1056 = tpu.memref_slice %arg8[%dma_start3A_1054, %dma_start3A_1055] : memref<64x1024xf32, #tpu.memory_space<vmem>> -> memref<16x1024xf32, #tpu.memory_space<vmem>>
    %dma_start3A_1057 = arith.constant 0 : i32
    %dma_start3A_1058 = tpu.memref_slice %arg9[%dma_start3A_1053, %dma_start3A_1057] : memref<4x16xi32, #tpu.memory_space<vmem>> -> memref<1x16xi32, #tpu.memory_space<vmem>>
    %dma_start3A_1059 = tpu.memref_squeeze %dma_start3A_1058 : memref<1x16xi32, #tpu.memory_space<vmem>> -> memref<16xi32, #tpu.memory_space<vmem>>
    %dma_start3A_1060 = arith.constant 0 : i32
    %dma_start3A_1061 = arith.constant 0 : i32
    %dma_start3A_1062 = tpu.memref_slice %arg4[%dma_start3A_1060, %dma_start3A_1061] : memref<3072x1024xf32, #tpu.memory_space<hbm>> -> memref<3072x1024xf32, #tpu.memory_space<hbm>>
    tpu.enqueue_indirect_dma source(%dma_start3A_1056 : memref<16x1024xf32, #tpu.memory_space<vmem>>) target(%dma_start3A_1062 : memref<3072x1024xf32, #tpu.memory_space<hbm>>) offsets(%dma_start3A_1059 : memref<16xi32, #tpu.memory_space<vmem>>) semaphore(%arg12 : memref<!tpu.dma_semaphore, #tpu.memory_space<semaphore_mem>>)
    %dma_wait3A_1063 = arith.constant 0 : i32
    %dma_wait3A_1064 = arith.constant 0 : i32
    %dma_wait3A_1065 = arith.constant 0 : i32
    %dma_wait3A_1066 = tpu.memref_slice %arg8[%dma_wait3A_1064, %dma_wait3A_1065] : memref<64x1024xf32, #tpu.memory_space<vmem>> -> memref<16x1024xf32, #tpu.memory_space<vmem>>
    %dma_wait3A_1067 = arith.constant 0 : i32
    %dma_wait3A_1068 = tpu.memref_slice %arg9[%dma_wait3A_1063, %dma_wait3A_1067] : memref<4x16xi32, #tpu.memory_space<vmem>> -> memref<1x16xi32, #tpu.memory_space<vmem>>
    %dma_wait3A_1069 = tpu.memref_squeeze %dma_wait3A_1068 : memref<1x16xi32, #tpu.memory_space<vmem>> -> memref<16xi32, #tpu.memory_space<vmem>>
    %dma_wait3A_1070 = arith.constant 0 : i32
    %dma_wait3A_1071 = arith.constant 0 : i32
    %dma_wait3A_1072 = tpu.memref_slice %arg4[%dma_wait3A_1070, %dma_wait3A_1071] : memref<3072x1024xf32, #tpu.memory_space<hbm>> -> memref<3072x1024xf32, #tpu.memory_space<hbm>>
    tpu.wait_indirect_dma semaphore(%arg12 : memref<!tpu.dma_semaphore, #tpu.memory_space<semaphore_mem>>) src(%dma_wait3A_1066 : memref<16x1024xf32, #tpu.memory_space<vmem>>) dst(%dma_wait3A_1072 : memref<3072x1024xf32, #tpu.memory_space<hbm>>)
    %dma_wait3A_1073 = arith.constant 1 : i32
    %dma_wait3A_1074 = arith.constant 16 : i32
    %dma_wait3A_1075 = arith.constant 0 : i32
    %dma_wait3A_1076 = tpu.memref_slice %arg8[%dma_wait3A_1074, %dma_wait3A_1075] : memref<64x1024xf32, #tpu.memory_space<vmem>> -> memref<16x1024xf32, #tpu.memory_space<vmem>>
    %dma_wait3A_1077 = arith.constant 0 : i32
    %dma_wait3A_1078 = tpu.memref_slice %arg9[%dma_wait3A_1073, %dma_wait3A_1077] : memref<4x16xi32, #tpu.memory_space<vmem>> -> memref<1x16xi32, #tpu.memory_space<vmem>>
    %dma_wait3A_1079 = tpu.memref_squeeze %dma_wait3A_1078 : memref<1x16xi32, #tpu.memory_space<vmem>> -> memref<16xi32, #tpu.memory_space<vmem>>
    %dma_wait3A_1080 = arith.constant 0 : i32
    %dma_wait3A_1081 = arith.constant 0 : i32
    %dma_wait3A_1082 = tpu.memref_slice %arg4[%dma_wait3A_1080, %dma_wait3A_1081] : memref<3072x1024xf32, #tpu.memory_space<hbm>> -> memref<3072x1024xf32, #tpu.memory_space<hbm>>
    tpu.wait_indirect_dma semaphore(%arg12 : memref<!tpu.dma_semaphore, #tpu.memory_space<semaphore_mem>>) src(%dma_wait3A_1076 : memref<16x1024xf32, #tpu.memory_space<vmem>>) dst(%dma_wait3A_1082 : memref<3072x1024xf32, #tpu.memory_space<hbm>>)
    %dma_wait3A_1083 = arith.constant 2 : i32
    %dma_wait3A_1084 = arith.constant 32 : i32
    %dma_wait3A_1085 = arith.constant 0 : i32
    %dma_wait3A_1086 = tpu.memref_slice %arg8[%dma_wait3A_1084, %dma_wait3A_1085] : memref<64x1024xf32, #tpu.memory_space<vmem>> -> memref<16x1024xf32, #tpu.memory_space<vmem>>
    %dma_wait3A_1087 = arith.constant 0 : i32
    %dma_wait3A_1088 = tpu.memref_slice %arg9[%dma_wait3A_1083, %dma_wait3A_1087] : memref<4x16xi32, #tpu.memory_space<vmem>> -> memref<1x16xi32, #tpu.memory_space<vmem>>
    %dma_wait3A_1089 = tpu.memref_squeeze %dma_wait3A_1088 : memref<1x16xi32, #tpu.memory_space<vmem>> -> memref<16xi32, #tpu.memory_space<vmem>>
    %dma_wait3A_1090 = arith.constant 0 : i32
    %dma_wait3A_1091 = arith.constant 0 : i32
    %dma_wait3A_1092 = tpu.memref_slice %arg4[%dma_wait3A_1090, %dma_wait3A_1091] : memref<3072x1024xf32, #tpu.memory_space<hbm>> -> memref<3072x1024xf32, #tpu.memory_space<hbm>>
    tpu.wait_indirect_dma semaphore(%arg12 : memref<!tpu.dma_semaphore, #tpu.memory_space<semaphore_mem>>) src(%dma_wait3A_1086 : memref<16x1024xf32, #tpu.memory_space<vmem>>) dst(%dma_wait3A_1092 : memref<3072x1024xf32, #tpu.memory_space<hbm>>)
    %dma_wait3A_1093 = arith.constant 3 : i32
    %dma_wait3A_1094 = arith.constant 48 : i32
    %dma_wait3A_1095 = arith.constant 0 : i32
    %dma_wait3A_1096 = tpu.memref_slice %arg8[%dma_wait3A_1094, %dma_wait3A_1095] : memref<64x1024xf32, #tpu.memory_space<vmem>> -> memref<16x1024xf32, #tpu.memory_space<vmem>>
    %dma_wait3A_1097 = arith.constant 0 : i32
    %dma_wait3A_1098 = tpu.memref_slice %arg9[%dma_wait3A_1093, %dma_wait3A_1097] : memref<4x16xi32, #tpu.memory_space<vmem>> -> memref<1x16xi32, #tpu.memory_space<vmem>>
    %dma_wait3A_1099 = tpu.memref_squeeze %dma_wait3A_1098 : memref<1x16xi32, #tpu.memory_space<vmem>> -> memref<16xi32, #tpu.memory_space<vmem>>
    %dma_wait3A_1100 = arith.constant 0 : i32
    %dma_wait3A_1101 = arith.constant 0 : i32
    %dma_wait3A_1102 = tpu.memref_slice %arg4[%dma_wait3A_1100, %dma_wait3A_1101] : memref<3072x1024xf32, #tpu.memory_space<hbm>> -> memref<3072x1024xf32, #tpu.memory_space<hbm>>
    tpu.wait_indirect_dma semaphore(%arg12 : memref<!tpu.dma_semaphore, #tpu.memory_space<semaphore_mem>>) src(%dma_wait3A_1096 : memref<16x1024xf32, #tpu.memory_space<vmem>>) dst(%dma_wait3A_1102 : memref<3072x1024xf32, #tpu.memory_space<hbm>>)
    return
  }
}

module attributes {stable_mosaic.version = 14 : i64} {
  func.func @body(%arg0: i32, %arg1: memref<24xi32, #tpu.memory_space<smem>>, %arg2: memref<128x1024xf32, #tpu.memory_space<vmem>>, %arg3: memref<1x1024x1024xf32, #tpu.memory_space<vmem>>, %arg4: memref<1x1x1024xf32, #tpu.memory_space<vmem>>, %arg5: memref<128x1024xf32, #tpu.memory_space<vmem>>) attributes {dimension_semantics = [#tpu.dimension_semantics<arbitrary>], iteration_bounds = array<i64: 24>, scalar_prefetch = 1 : i64, scratch_operands = 0 : i64, tpu.core_type = #tpu.core_type<tc>, window_params = [{transform_indices = @transform_0, window_bounds = array<i64: 128, 1024>}, {transform_indices = @transform_1, window_bounds = array<i64: 1, 1024, 1024>}, {transform_indices = @transform_2, window_bounds = array<i64: 1, 1, 1024>}, {transform_indices = @transform_3, window_bounds = array<i64: 128, 1024>}]} {
    %get3A = arith.constant 0 : index
    %get3A_0 = arith.constant 0 : index
    %get3A_1 = vector.load %arg2[%get3A, %get3A_0] : memref<128x1024xf32, #tpu.memory_space<vmem>>, vector<128x1024xf32>
    %get3A_2 = arith.constant 0 : index
    %get3A_3 = arith.constant 0 : index
    %get3A_4 = arith.constant 0 : index
    %get3A_5 = vector.load %arg3[%get3A_2, %get3A_3, %get3A_4] : memref<1x1024x1024xf32, #tpu.memory_space<vmem>>, vector<1x1024x1024xf32>
    %get3A_6 = vector.shape_cast %get3A_5 : vector<1x1024x1024xf32> to vector<1024x1024xf32>
    %dot_general3A = arith.constant dense<0.000000e+00> : vector<128x1024xf32>
    %dot_general3A_7 = tpu.matmul %get3A_1, %get3A_6, %dot_general3A {dimension_numbers = #tpu.dot_dimension_numbers<[1], [0], [0], [1], [0, 0, 1, 1], [], []>, transpose_lhs_hint = false} : vector<128x1024xf32>, vector<1024x1024xf32>, vector<128x1024xf32> -> vector<128x1024xf32>
    %get3A_8 = arith.constant 0 : index
    %get3A_9 = arith.constant 0 : index
    %get3A_10 = arith.constant 0 : index
    %get3A_11 = vector.load %arg4[%get3A_8, %get3A_9, %get3A_10] : memref<1x1x1024xf32, #tpu.memory_space<vmem>>, vector<1x1x1024xf32>
    %get3A_12 = vector.shape_cast %get3A_11 : vector<1x1x1024xf32> to vector<1x1024xf32>
    %add3A = vector.broadcast %get3A_12 : vector<1x1024xf32> to vector<128x1024xf32>
    %add3A_13 = arith.addf %dot_general3A_7, %add3A : vector<128x1024xf32>
    %swap3A = arith.constant 0 : index
    %swap3A_14 = arith.constant 0 : index
    %swap3A_15 = vector.load %arg5[%swap3A, %swap3A_14] : memref<128x1024xf32, #tpu.memory_space<vmem>>, vector<128x1024xf32>
    tpu.vector_store %arg5[%swap3A, %swap3A_14], %add3A_13 {strides = array<i32>} : memref<128x1024xf32, #tpu.memory_space<vmem>>, vector<128x1024xf32>,
    return
  }
  func.func @transform_0(%arg0: i32, %arg1: memref<24xi32, #tpu.memory_space<smem>>) -> (i32, i32) {
    %c0_i32 = arith.constant 0 : i32
    %c0_i32_0 = arith.constant 0 : i32
    return %arg0, %c0_i32 : i32, i32
  }
  func.func @transform_1(%arg0: i32, %arg1: memref<24xi32, #tpu.memory_space<smem>>) -> (i32, i32, i32) {
    %get3A = arith.index_cast %arg0 : i32 to index
    %get3A_0 = memref.load %arg1[%get3A] : memref<24xi32, #tpu.memory_space<smem>>
    %c0_i32 = arith.constant 0 : i32
    %c0_i32_1 = arith.constant 0 : i32
    %c0_i32_2 = arith.constant 0 : i32
    return %get3A_0, %c0_i32, %c0_i32_1 : i32, i32, i32
  }
  func.func @transform_2(%arg0: i32, %arg1: memref<24xi32, #tpu.memory_space<smem>>) -> (i32, i32, i32) {
    %get3A = arith.index_cast %arg0 : i32 to index
    %get3A_0 = memref.load %arg1[%get3A] : memref<24xi32, #tpu.memory_space<smem>>
    %c0_i32 = arith.constant 0 : i32
    %c0_i32_1 = arith.constant 0 : i32
    %c0_i32_2 = arith.constant 0 : i32
    return %get3A_0, %c0_i32, %c0_i32_1 : i32, i32, i32
  }
  func.func @transform_3(%arg0: i32, %arg1: memref<24xi32, #tpu.memory_space<smem>>) -> (i32, i32) {
    %c0_i32 = arith.constant 0 : i32
    %c0_i32_0 = arith.constant 0 : i32
    return %arg0, %c0_i32 : i32, i32
  }
}

</mosaic_0001>

<sc_bundles>
// kernel: kernel.5.cloned.1.call-start
scs
__scs_entry_jumppad:
0x0: {  	(pc) =	sbr.rel $0x88, $3  }
0x1: {  	(tag) =	ssettag $0x0;
	lr =	simm.s32 $0x1  }
0x2: {  	[smem:$0x3F9D] =	sst lr;
	_ =	strace $0xD0000000  }
0x3: {  	_ = 	snop  }
0x4: {  	_ = 	snop  }
0x5: {  	_ = 	snop  }
0x6: {  	_ = 	snop  }
0x7: {  	_ = 	snop  }
__scs_overlays_trampoline_lowered:
0x8: {  	[smem:$0x3FAC] =	sst s0  }
0x9: {  	[smem:$0x3FAD] =	sst s1  }
0xa: {  	[smem:$0x3FAE] =	sst s2  }
0xb: {  	[smem:$0x3FAF] =	sst s3  }
0xc: {  	[smem:$0x3FB0] =	sst s4  }
0xd: {  	[smem:$0x3FB1] =	sst s5  }
0xe: {  	[smem:$0x3FB2] =	sst s6  }
0xf: {  	[smem:$0x3FB3] =	sst s7  }
0x10: {  	[smem:$0x3FB4] =	sst s8  }
0x11: {  	[smem:$0x3FB5] =	sst s9;
	s0 =	simm.s32 @!p0 $0x0  }
0x12: {  	s1 =	sld [smem:$0x3F9B];
	s0 =	simm.s32 @p0 $0x1  }
0x13: {  	[smem:$0x3FB6] =	sst s0;
	s0 =	simm.s32 @!p1 $0x0  }
0x14: {  	s2 =	sld [smem:$0x3F9A];
	s0 =	simm.s32 @p1 $0x1  }
0x15: {  	[smem:$0x3FB7] =	sst s0;
	s0 =	simm.s32 @!p2 $0x0  }
0x16: {  	s3 =	sld [smem:$0x3FDB];
	s0 =	simm.s32 @p2 $0x1  }
0x17: {  	s4 =	simm.s32 $0x1BF5;
	[smem:$0x3FB9] =	sst s0  }
0x18: {  	s0 =	sld [smem:$0x3F9C];
	_ =	swait.ge [sflag:s4], $0x0  }
0x19: {  	s7 =	sld [smem:$0x3F9D]  }
0x1a: {  	s8 =	sadd.s32 $0xFFFFE003, lr  }
0x1b: {  	s9 =	sadd.s32 $0xFFFFFEF7, lr;
	s5 =	simm.s32 $0xFFFFFFFF;
	p2 =	slt.u32 s8, $0xFFFFF086  }
0x1c: {  	p1 =	slt.u32 s9, $0xF7A;
	s5 =	simm.s32 @!p2 $0x0  }
0x1d: {  	s5 =	simm.s32 @p1 $0x1;
	p0 =	seq.s32 s7, s2  }
0x1e: {  	s7 =	smul.u32 @!p0 $0xF7A, s2;
	p2 =	seq.s32 @!p0 s5, $0x0  }
0x1f: {  	s9 =	smul.u32 $0xF7A, s1;
	s8 =	simm.s32 @!p0 $0x1BF5;
	p2 =	por !p2, p0  }
0x20: {  	[sflag:s8] =	ssyncset.s32 @!p0 $0xFFFFF086;
	s6 =	sadd.s32 @!p0 s3, s7;
	s7 =	simm.s32 @!p0 $0x108  }
0x21: {  	s3 =	sadd.s32 s3, s9;
	s6 =	sadd.s32 @!p0 $0x88, s6;
	s7 =	simm.s32 @p2 $0x1082  }
0x22: {  	[simem:s7], [sflag:s8] =	dma.local @!p0 [hbm:s6], $0xF7A  }
0x23: {  	s9 =	sor.u32 $0xD0000000, s2;
	s6 =	simm.s32 $0x108;
	_ =	swait.ge @!p0 [sflag:s8], $0x0  }
0x24: {  	s3 =	sadd.s32 $0x88, s3;
	s6 =	simm.s32 @!p1 $0x1082;
	[sflag:s4] =	ssyncset.s32 $0xFFFFF086  }
0x25: {  	[simem:s6], [sflag:s4] =	dma.local [hbm:s3], $0xF7A  }
0x26: {  	[smem:$0x3F9D] =	sst s1;
	(tag) =	ssettag s2;
	_ =	strace s9  }
0x27: {  	s1 =	sld [smem:$0x3FAD]  }
0x28: {  	s2 =	sld [smem:$0x3FAE]  }
0x29: {  	s4 =	sld [smem:$0x3FB0]  }
0x2a: {  	p0 =	seq.s32 s5, $0x0;
	s5 =	sld [smem:$0x3FB1]  }
0x2b: {  	s6 =	sld [smem:$0x3FB2]  }
0x2c: {  	s7 =	sld [smem:$0x3FB3]  }
0x2d: {  	s3 =	simm.s32 $0x108;
	s8 =	sld [smem:$0x3FB4]  }
0x2e: {  	s3 =	simm.s32 @!p0 $0x1082;
	s9 =	sld [smem:$0x3FB5]  }
0x2f: {  	lr =	sadd.s32 s0, s3;
	s0 =	sld [smem:$0x3FAC]  }
0x30: {  	s3 =	sld [smem:$0x3FAF]  }
0x31: {  	[smem:$0x3FB8] =	sst s10  }
0x32: {  	s10 =	sld [smem:$0x3FB6];
	_ =	sdelay $0x3  }
0x33: {  	p0 =	seq.s32 s10, $0x1;
	s10 =	sld [smem:$0x3FB8];
	_ =	sdelay $0x3  }
0x34: {  	[smem:$0x3FB8] =	sst s10  }
0x35: {  	s10 =	sld [smem:$0x3FB7];
	_ =	sdelay $0x3  }
0x36: {  	p1 =	seq.s32 s10, $0x1;
	s10 =	sld [smem:$0x3FB8];
	_ =	sdelay $0x3  }
0x37: {  	[smem:$0x3FB8] =	sst s10  }
0x38: {  	s10 =	sld [smem:$0x3FB9]  }
0x39: {  	_ = 	snop;
	(pc) =	sbr.ind lr, $3  }
0x3a: {  	_ = 	snop  }
0x3b: {  	_ = 	snop  }
0x3c: {  	p2 =	seq.s32 s10, $0x1;
	s10 =	sld [smem:$0x3FB8]  }
0x3d: {  	_ =	shalt  }
0x3e: {  	_ =	shalt  }
0x3f: {  	_ =	shalt  }
0x40: {  	_ =	shalt  }
0x41: {  	_ =	shalt  }
0x42: {  	_ =	shalt  }
0x43: {  	_ =	shalt  }
0x44: {  	_ =	shalt  }
0x45: {  	_ =	shalt  }
0x46: {  	_ =	shalt  }
0x47: {  	_ =	shalt  }
0x48: {  	_ =	shalt  }
0x49: {  	_ =	shalt  }
0x4a: {  	_ =	shalt  }
0x4b: {  	_ =	shalt  }
0x4c: {  	_ =	shalt  }
0x4d: {  	_ =	shalt  }
0x4e: {  	_ =	shalt  }
0x4f: {  	_ =	shalt  }
0x50: {  	_ =	shalt  }
0x51: {  	_ =	shalt  }
0x52: {  	_ =	shalt  }
0x53: {  	_ =	shalt  }
0x54: {  	_ =	shalt  }
0x55: {  	_ =	shalt  }
0x56: {  	_ =	shalt  }
0x57: {  	_ =	shalt  }
0x58: {  	_ =	shalt  }
0x59: {  	_ =	shalt  }
0x5a: {  	_ =	shalt  }
0x5b: {  	_ =	shalt  }
0x5c: {  	_ =	shalt  }
0x5d: {  	_ =	shalt  }
0x5e: {  	_ =	shalt  }
0x5f: {  	_ =	shalt  }
0x60: {  	_ =	shalt  }
0x61: {  	_ =	shalt  }
0x62: {  	_ =	shalt  }
0x63: {  	_ =	shalt  }
0x64: {  	_ =	shalt  }
0x65: {  	_ =	shalt  }
0x66: {  	_ =	shalt  }
0x67: {  	_ =	shalt  }
0x68: {  	_ =	shalt  }
0x69: {  	_ =	shalt  }
0x6a: {  	_ =	shalt  }
0x6b: {  	_ =	shalt  }
0x6c: {  	_ =	shalt  }
0x6d: {  	_ =	shalt  }
0x6e: {  	_ =	shalt  }
0x6f: {  	_ =	shalt  }
0x70: {  	_ =	shalt  }
0x71: {  	_ =	shalt  }
0x72: {  	_ =	shalt  }
0x73: {  	_ =	shalt  }
0x74: {  	_ =	shalt  }
0x75: {  	_ =	shalt  }
0x76: {  	_ =	shalt  }
0x77: {  	_ =	shalt  }
0x78: {  	_ =	shalt  }
0x79: {  	_ =	shalt  }
0x7a: {  	_ =	shalt  }
0x7b: {  	_ =	shalt  }
0x7c: {  	_ =	shalt  }
0x7d: {  	_ =	shalt  }
0x7e: {  	_ =	shalt  }
0x7f: {  	_ =	shalt  }
0x80: {  	_ =	shalt  }
0x81: {  	_ =	shalt  }
0x82: {  	_ =	shalt  }
0x83: {  	_ =	shalt  }
0x84: {  	_ =	shalt  }
0x85: {  	_ =	shalt  }
0x86: {  	_ =	shalt  }
0x87: {  	_ =	shalt  }
.Lfunc_end0:
.L_simem_size_0:
called_computation_lowered:
.L_overlay_start_0:
0x88: {  	s2 =	sld [smem:$0x3FD9]  }
0x89: {  	s3 =	sld [smem:$0x3FFE];
	_ =	sdelay $0x1  }
0x8a: {  	s1 =	srdreg.scid  }
0x8b: {  	s0 =	sand.u32 $0x1, s1  }
0x8c: {  	s17 =	sshll.u32 s0, $0xA;
	s2 =	sadd.s32 s3, s2  }
0x8d: {  	s2 =	sadd.s32 s2, s17  }
0x8e: {  	[smem:$0x3FC4] =	sst s2  }
0x8f: {  	_ = 	snop  }
0x90: {  	s2 =	sld [smem:$0x3FC9]  }
0x91: {  	s18 =	sld [smem:$0x3FC8]  }
0x92: {  	s4 =	sld [smem:$0x3FD0];
	(tm) =	ssettm $0x1  }
0x93: {  	s5 =	sld [smem:$0x3FFB];
	_ =	sdelay $0x3  }
0x94: {  	_ =	strace s5  }
0x95: {  	s5 =	sld [smem:$0x3FFC];
	_ =	sdelay $0x3  }
0x96: {  	_ =	strace s5  }
0x97: {  	s5 =	sld [smem:$0x3FFD];
	_ =	sdelay $0x3  }
0x98: {  	_ =	strace s5  }
0x99: {  	_ =	strace $0x8FFFFFFF  }
0x9a: {  	s19 =	sld [smem:$0x3FDB];
	_ =	sdelay $0x1  }
0x9b: {  	s6 =	simm.s32 $_scs_section_size  }
0x9c: {  	s7 =	simm.s32 $_size__tile_overlayer_lowered;
	s8 =	simm.s32 $_tile_overlayer_lowered  }
0x9d: {  	s22 =	simm.s32 $0x1BFF;
	s21 =	sshll.u32 s8, $0x1;
	s5 =	sadd.s32 s6, s19  }
0x9e: {  	s9 =	simm.s32 $0x0;
	s20 =	sshll.u32 s7, $0x1;
	s7 =	sadd.s32 s21, s5  }
0x9f: {  	[timem:s9], [sflag:s22] =	dma.local [hbm:s7], s20  }
0xa0: {  	_ =	swait.ge [sflag:s22], s20  }
0xa1: {  	s6 =	ssub.s32 $0x0, s20;
	[sflag:s22] =	ssyncset.done $0x0  }
0xa2: {  	[sflag:s22] =	ssyncadd.s32 s6;
	_ =	sdelay $0x1  }
0xa3: {  	s23 =	simm.s32 $0x1B8B  }
0xa4: {  	_ =	swait.ge [sflag:s23], $0x1  }
0xa5: {  	[sflag:s23] =	ssyncset.done $0x0  }
0xa6: {  	s25 =	simm.s32 $0x1B8E;
	s24 =	sld [smem:$0x3FFE];
	[sflag:s23] =	ssyncadd.s32 $0xFFFFFFFF  }
0xa7: {  	s26 =	simm.s32 $execute0_lowered;
	[smem:$0x3FD2] =	sst s25  }
0xa8: {  	s7 =	sshll.u32 s26, $0x1;
	_ =	strace $0x80000046;
	[dreg:$0x1] =	wrdreg $0xFFFFFFFF  }
0xa9: {  	s28 =	simm.s32 $_size_execute0_lowered;
	s5 =	sadd.s32 s5, s7;
	[dreg:$0x0] =	wrdreg $0x0  }
0xaa: {  	s7 =	sshll.u32 s28, $0x1;
	[dreg:$0x2] =	wrdreg s5  }
0xab: {  	[dreg:$0x3] =	wrdreg s7  }
0xac: {  	[dreg:$0x4] =	wrdreg $0xC0  }
0xad: {  	_ =	task [dreg:s9], $0x5FFFF  }
0xae: {  	[dreg:$0x1] =	wrdreg $0xFFFFFFFF  }
0xaf: {  	[dreg:$0x0] =	wrdreg $0x60  }
0xb0: {  	[dreg:$0x2] =	wrdreg s2  }
0xb1: {  	[dreg:$0x3] =	wrdreg s18  }
0xb2: {  	[dreg:$0x4] =	wrdreg s24  }
0xb3: {  	[dreg:$0x5] =	wrdreg s4  }
0xb4: {  	[dreg:$0x6] =	wrdreg $0x9  }
0xb5: {  	_ =	task.clear_ibuf [dreg:s9], $0x7FFFF;
	_ =	strace $0x90000046  }
0xb6: {  	s29 =	simm.s32 $0x9;
	_ =	strace $0x80000048  }
0xb7: {  	_ =	swait.ge [sflag:s29], $0x1  }
0xb8: {  	[sflag:s29] =	ssyncadd.s32 $0xFFFFFFFF  }
0xb9: {  	_ =	strace $0x90000048  }
0xba: {  	_ =	sfence  }
0xbb: {  	s30 =	sld [smem:$0x0];
	_ =	sdelay $0x2  }
0xbc: {  	s31 =	sshll.u32 s1, $0xD;
	s1 =	sshrl.u32 s1, $0x2  }
0xbd: {  	s3 =	sand.u32 $0x4000, s31;
	s1 =	sadd.s32 s1, s30  }
0xbe: {  	s0 =	sor.u32 s3, s0;
	s1 =	sshll.u32 s1, $0x11  }
0xbf: {  	s0 =	sor.u32 s1, s0  }
0xc0: {  	s0 =	sadd.s32 $0x8F2B, s0  }
0xc1: {  	[sflag:s0] =	ssyncadd.remote.s32 $0x1  }
0xc2: {  	_ =	sfence.sel $0xFFFF  }
0xc3: {  	[dreg:$0x0] =	wrdreg $0xFFFFFFFF;
	(pc) =	sbr.abs _section_cstart, $3  }
0xc4: {  	[dreg:$0x1] =	wrdreg $0xFFFFFFFF  }
0xc5: {  	_ =	task.clear_ibuf [dreg:s9], $0x2FFFF;
	_ =	strace $0x9FFFFFFF  }
0xc6: {  	(tm) =	ssettm $0x7FFFFFFF  }
0xc7: {  	_ =	shalt  }
tec
execute0_lowered:
.L_overlay_start_1:
0x0: {  	(tag) =	ssettag $0x1  }
0x1: {  	s0 =	rddreg [dreg:$0x0]  }
0x2: {  	s1 =	rddreg [dreg:$0x2];
	s8 =	simm.s32 $0x0;
	s2 =	srdreg.scid  }
0x3: {  	s7 =	stileid.u32;
	s9 =	simm.s32 $0x3;
	[smem:$0x7FF] =	sst s8  }
0x4: {  	s2 =	sand.u32 $0x1, s2;
	s3 =	sshll.u32 s7, $0x1;
	s4 =	sadd.s32 $0x1200, s1  }
0x5: {  	s24 =	sshll.u32 s7, $0x7;
	s28 =	sadd.s32 $0x1300, s1;
	s29 =	sadd.s32 $0x1400, s1  }
0x6: {  	s30 =	sadd.s32 $0x1500, s1;
	_ =	strace $0x80000047;
	[dreg:$0x7] =	wrdreg s4  }
0x7: {  	s7 =	simm.s32 $0xC800;
	s21 =	ssub.s32 $0x2, s2;
	[dreg:$0xe] =	wrdreg s28  }
0x8: {  	s3 =	sor.u32 s2, s3;
	s2 =	sshll.u32 s2, $0x6;
	[dreg:$0xf] =	wrdreg s29  }
0x9: {  	[dreg:$0x10] =	wrdreg s30;
	s5 =	sshrl.u32 s21, $0x1;
	s25 =	sshll.u32 s3, $0x2  }
0xa: {  	s6 =	sshll.u32 s3, $0xD;
	s26 =	sshll.u32 s3, $0x6;
	[dreg:$0x5] =	wrdreg s25  }
0xb: {  	s2 =	sadd.s32 s2, s1;
	s22 =	sadd.s32 s0, s6;
	[dreg:$0xc] =	wrdreg s26  }
0xc: {  	p0 =	sne.s32 s3, $0x0;
	s0 =	sadd.s32 $0x800, s22;
	[dreg:$0x8] =	wrdreg s22  }
0xd: {  	s4 =	ssub.s32 s21, s5;
	s23 =	sadd.s32 $0x1000, s22;
	[dreg:$0x9] =	wrdreg s0  }
0xe: {  	s6 =	simm.s32 $0x8800;
	s5 =	sadd.s32 $0x1800, s22;
	[dreg:$0xa] =	wrdreg s23  }
0xf: {  	v5 =	vlaneseq.u32;
	v0 =	vimm.s32 $0x0;
	vm0 =	vmmov $0xffff;
	s31 =	smax.u32 s4, $0x1;
	[dreg:$0xb] =	wrdreg s5;
	s0 =	sadd.s32 s24, s2  }
0x10: {  	v1 =	vadd.s32 $0x1, v5;
	v2 =	vadd.s32 $0x11, v5;
	v4 =	vshrl.u32 v5, $0x3;
	s4 =	simm.s32 $0x800;
	[dreg:$0x11] =	wrdreg s31;
	s0 =	sadd.s32 $0x61200, s0  }
0x11: {  	v3 =	vand.u32 $0x7, v5;
	v5 =	vor.u32 $0x8, v5;
	v4 =	vmul.u32 $0x8, v4;
	s5 =	simm.s32 $0x4800;
	s2 =	simm.s32 $0x0;
	[dreg:$0xd] =	wrdreg s0  }
.LBB2_1:
0x12: {  	[dreg:$0x12] =	wrdreg s2  }
0x13: {  	s0 =	rddreg [dreg:$0x8]  }
0x14: {  	[tilespmem:s4], [sflag:$0x1] =	stream.linear.gather [hbm4b:s0+s8], $0x4000, $0x38;
	[tilespmem:$0x10A80] =	vst v63  }
0x15: {  	s19 =	rddreg [dreg:$0x9]  }
0x16: {  	[tilespmem:s5], [sflag:$0x1] =	stream.linear.gather [hbm4b:s19+s8], $0x4000, $0x38;
	[tilespmem:$0x10A80] =	vst v63  }
0x17: {  	s20 =	rddreg [dreg:$0xa]  }
0x18: {  	[tilespmem:s6], [sflag:$0x1] =	stream.linear.gather [hbm4b:s20+s8], $0x4000, $0x38;
	[tilespmem:$0x10A80] =	vst v63  }
0x19: {  	s21 =	rddreg [dreg:$0xb]  }
0x1a: {  	[tilespmem:s7], [sflag:$0x1] =	stream.linear.gather [hbm4b:s21+s8], $0x4000, $0x38;
	[tilespmem:$0x10A80] =	vst v63  }
0x1b: {  	s22 =	rddreg [dreg:$0x1]  }
0x1c: {  	[tilespmem:s8], [sflag:$0x3] =	stream.linear.gather [hbm4b:s22+s8], $0x800, $0x38;
	[tilespmem:$0x10A80] =	vst v63  }
0x1d: {  	_ =	swait.ge [sflag:s9], $0x800  }
0x1e: {  	[sflag:s9] =	ssyncset.done $0x0  }
0x1f: {  	[sflag:s9] =	ssyncadd.s32 $0xFFFFF800  }
0x20: {  	v6 =	vld [tilespmem:s8+$0x0];
	_ =	sdelay $0x4  }
0x21: {  	vm1 =	veq.s32 v6, $0x7  }
0x22: {  	vm2 =	veq.s32 v6, $0x0;
	v7 =	vsel vm1, $0x1, v0  }
0x23: {  	vm1 =	veq.s32 v6, $0x1;
	(xrf0) =	vadd.scan.msk.s32 $0xffff, v7;
	v7 =	vsel vm2, $0x1, v0  }
0x24: {  	v8 =	vsel vm1, $0x1, v0;
	(xrf0) =	vadd.scan.msk.s32 $0xffff, v7  }
0x25: {  	vm1 =	veq.s32 v6, $0x2;
	(xrf0) =	vadd.scan.msk.s32 $0xffff, v8  }
0x26: {  	v7 =	vsel vm1, $0x1, v0;
	_ =	sdelay $0x2  }
0x27: {  	(xrf0) =	vadd.scan.msk.s32 $0xffff, v7;
	v7, _, _ =	vpop (xrf0)  }
0x28: {  	vm2 =	veq.s32 v6, $0x3;
	(v2sf) =	vpush v7, $0xF;
	v7, _, _ =	vpop (xrf0)  }
0x29: {  	s23 =	simm.s32 $0x10;
	v8 =	vsel vm2, $0x1, v0;
	(v2sf) =	vpush v7, $0xF;
	v7, _, _ =	vpop (xrf0)  }
0x2a: {  	vm1 =	veq.s32 v6, $0x4;
	(xrf0) =	vadd.scan.msk.s32 $0xffff, v8;
	(v2sf) =	vpush v7, $0xF;
	v7 =	vld [tilespmem:s23+$0x0]  }
0x2b: {  	v9 =	vsel vm1, $0x1, v0  }
0x2c: {  	(xrf0) =	vadd.scan.msk.s32 $0xffff, v9  }
0x2d: {  	vm2 =	veq.s32 v6, $0x5  }
0x2e: {  	vm1 =	veq.s32 v6, $0x6;
	v6 =	vsel vm2, $0x1, v0;
	v8, _, _ =	vpop (xrf0)  }
0x2f: {  	(xrf0) =	vadd.scan.msk.s32 $0xffff, v6;
	(v2sf) =	vpush v8, $0xF;
	v8 =	vsel vm1, $0x1, v0;
	vm1 =	veq.s32 v7, $0x7  }
0x30: {  	v10, _, _ =	vpop (xrf0);
	(xrf0) =	vadd.scan.msk.s32 $0xffff, v8;
	v6 =	vsel vm1, $0x1, v0  }
0x31: {  	(v2sf) =	vpush v10, $0xF;
	vm2 =	veq.s32 v7, $0x1;
	vm1 =	veq.s32 v7, $0x0;
	(xrf0) =	vadd.scan.msk.s32 $0xffff, v6  }
0x32: {  	s24 =	simm.s32 $0x20;
	v9, _, _ =	vpop (xrf0);
	v8 =	vsel vm2, $0x1, v0;
	v6 =	vsel vm1, $0x1, v0;
	vm1 =	veq.s32 v7, $0x2  }
0x33: {  	(v2sf) =	vpush v9, $0xF;
	(xrf0) =	vadd.scan.msk.s32 $0xffff, v6;
	v6 =	vld [tilespmem:s24+$0x0];
	v10 =	vsel vm1, $0x1, v0  }
0x34: {  	vm2 =	veq.s32 v7, $0x3;
	(xrf0) =	vadd.scan.msk.s32 $0xffff, v8  }
0x35: {  	s17 =	simm.s32 $0x1;
	s31 =	simm.s32 $0x2;
	v11 =	vsel vm2, $0x1, v0;
	vm2 =	veq.s32 v7, $0x5;
	vm1 =	veq.s32 v7, $0x4;
	v8, _, _ =	vpop (xrf0);
	(xrf0) =	vadd.scan.msk.s32 $0xffff, v10  }
0x36: {  	s1 =	simm.s32 $0x3;
	s2 =	simm.s32 $0x0;
	s29 =	simm.s32 $0x0;
	v12 =	vsel vm1, $0x1, v0;
	vm1 =	veq.s32 v7, $0x6;
	v7 =	vsel vm2, $0x1, v0;
	v10, _, _ =	vpop (xrf0);
	(xrf0) =	vadd.scan.msk.s32 $0xffff, v11  }
0x37: {  	s28 =	simm.s32 $0x0;
	s12 =	simm.s32 $0x0;
	(xrf0) =	vadd.scan.msk.s32 $0xffff, v12;
	s26 =	spop (v2sf);
	v9, _, _ =	vpop (xrf0);
	(v2sf) =	vpush v8, $0xF  }
0x38: {  	s13 =	simm.s32 $0x0;
	s4 =	simm.s32 $0x30;
	v8 =	vsel vm1, $0x1, v0;
	(xrf0) =	vadd.scan.msk.s32 $0xffff, v7;
	vm1 =	veq.s32 v6, $0x7;
	s30 =	spop (v2sf);
	(v2sf) =	vpush v9, $0xF  }
0x39: {  	s6 =	simm.s32 $0x4;
	[dreg:$0x6] =	wrdreg s1;
	v7, _, _ =	vpop (xrf0);
	(xrf0) =	vadd.scan.msk.s32 $0xffff, v8;
	v8 =	vsel vm1, $0x1, v0;
	vm1 =	veq.s32 v6, $0x0;
	s5 =	spop (v2sf);
	(v2sf) =	vpush v10, $0xF  }
0x3a: {  	s21 =	simm.s32 $0x0;
	s22 =	simm.s32 $0x0;
	s25 =	rddreg [dreg:$0x5];
	(v2sf) =	vpush v7, $0xF;
	v7, _, _ =	vpop (xrf0);
	(xrf0) =	vadd.scan.msk.s32 $0xffff, v8;
	v8 =	vsel vm1, $0x1, v0  }
0x3b: {  	s19 =	rddreg [dreg:$0x5];
	p1 =	sgt.u32 s25, $0x0;
	s25 =	simm.s32 $0x0;
	vm2 =	veq.s32 v6, $0x1;
	(v2sf) =	vpush v7, $0xF;
	v7, _, _ =	vpop (xrf0)  }
0x3c: {  	s23 =	simm.s32 $0x0;
	vm3 =	veq.s32 v6, $0x3;
	s0 =	smov.u32 s26;
	s9 =	sadd.s32 $0x0, s26;
	v10 =	vsel vm2, $0x1, v0;
	vm1 =	veq.s32 v6, $0x2;
	v9, _, _ =	vpop (xrf0);
	(xrf0) =	vadd.scan.msk.s32 $0xffff, v8  }
0x3d: {  	s3 =	smov.u32 s30;
	s0 =	simm.s32 @!p1 $0x0;
	s20 =	sadd.s32 $0x0, s30;
	v11 =	vsel vm1, $0x1, v0;
	(v2sf) =	vpush v7, $0xF;
	v8, _, _ =	vpop (xrf0);
	(xrf0) =	vadd.scan.msk.s32 $0xffff, v10;
	v10 =	vsel vm3, $0x1, v0  }
0x3e: {  	vm2 =	veq.s32 v6, $0x4;
	s3 =	simm.s32 @!p1 $0x0;
	s7 =	sadd.s32 $0x0, s5;
	s1 =	sadd.s32 $0x0, s0;
	vm1 =	veq.s32 v6, $0x5;
	(v2sf) =	vpush v9, $0xF;
	v63, _, _ =	vpop (xrf0);
	(xrf0) =	vadd.scan.msk.s32 $0xffff, v11  }
0x3f: {  	s5 =	simm.s32 @!p1 $0x0;
	s24 =	spop (v2sf);
	s0 =	sadd.s32 $0x0, s3;
	vm3 =	veq.s32 v6, $0x6;
	v11 =	vsel vm2, $0x1, v0;
	(v2sf) =	vpush v8, $0xF;
	v7, _, _ =	vpop (xrf0);
	(xrf0) =	vadd.scan.msk.s32 $0xffff, v10  }
0x40: {  	s3 =	sadd.s32 $0x0, s5;
	s16 =	spop (v2sf);
	s5 =	simm.s32 $0x0;
	v9 =	vsel vm1, $0x1, v0;
	v6 =	vld [tilespmem:s4+$0x0];
	v8 =	vsel vm3, $0x1, v0;
	(v2sf) =	vpush v63, $0xF;
	(xrf0) =	vadd.scan.msk.s32 $0xffff, v11;
	v10, _, _ =	vpop (xrf0)  }
.LBB2_2:
0x41: {  	p2 =	sne.s32 s6, $0x7F;
	s11 =	smov.u32 s24  }
0x42: {  	s10 =	spop (v2sf);
	s14 =	rddreg [dreg:$0x6];
	s30 =	smov.u32 s6  }
0x43: {  	p3 =	por p1, p1;
	s15 =	smov.u32 s16;
	s12 =	sadd.s32 s12, s24  }
0x44: {  	s5 =	sadd.s32 s5, s16;
	s4 =	sadd.s32 $0x10, s4;
	s6 =	sadd.s32 $0x1, s6  }
0x45: {  	s11 =	simm.s32 @!p1 $0x0;
	s8 =	smov.u32 s14;
	[dreg:$0x6] =	wrdreg s30  }
0x46: {  	s15 =	simm.s32 @!p3 $0x0;
	p1 =	slt.u32 s17, s19;
	s17 =	smov.u32 s10  }
0x47: {  	(xrf0) =	vadd.scan.msk.s32 $0xffff, v9;
	s25 =	sadd.s32 s25, s10;
	s21 =	sadd.s32 s21, s11;
	s11 =	spop (v2sf)  }
0x48: {  	(v2sf) =	vpush v10, $0xF;
	v9, _, _ =	vpop (xrf0);
	(xrf0) =	vadd.scan.msk.s32 $0xffff, v8;
	s17 =	simm.s32 @!p3 $0x0;
	s23 =	sadd.s32 s23, s15;
	s19 =	smov.u32 s11  }
0x49: {  	(v2sf) =	vpush v7, $0xF;
	v7, _, _ =	vpop (xrf0);
	s2 =	sadd.s32 s2, s17;
	s22 =	sadd.s32 s22, s11;
	s14 =	spop (v2sf)  }
0x4a: {  	(v2sf) =	vpush v9, $0xF;
	v10, _, _ =	vpop (xrf0);
	vm3 =	veq.s32 v6, $0x7;
	s19 =	simm.s32 @!p3 $0x0;
	s18 =	smov.u32 s14;
	s15 =	spop (v2sf)  }
0x4b: {  	vm1 =	veq.s32 v6, $0x0;
	vm2 =	veq.s32 v6, $0x1;
	v11, _, _ =	vpop (xrf0);
	v8 =	vsel vm3, $0x1, v0;
	s29 =	sadd.s32 s29, s19;
	s9 =	sadd.s32 s9, s14;
	s18 =	simm.s32 @!p1 $0x0  }
0x4c: {  	vm4 =	veq.s32 v6, $0x2;
	vm5 =	veq.s32 v6, $0x3;
	vm6 =	veq.s32 v6, $0x5;
	v12, _, _ =	vpop (xrf0);
	s19 =	rddreg [dreg:$0x5];
	(xrf0) =	vadd.scan.msk.s32 $0xffff, v8;
	s1 =	sadd.s32 s1, s18;
	s18 =	spop (v2sf)  }
0x4d: {  	vm7 =	veq.s32 v6, $0x6;
	vm3 =	veq.s32 v6, $0x4;
	v6 =	vsel vm1, $0x1, v0;
	v13, _, _ =	vpop (xrf0);
	s13 =	sadd.s32 s13, s15;
	s26 =	smov.u32 s18;
	s30 =	spop (v2sf)  }
.Ltmp0:
0x4e: {  	(v2sf) =	vpush v7, $0xF;
	v14 =	vsel vm2, $0x1, v0;
	v7, _, _ =	vpop (xrf0);
	(xrf0) =	vadd.scan.msk.s32 $0xffff, v6;
	s20 =	sadd.s32 s20, s18;
	s26 =	simm.s32 @!p1 $0x0;
	(pc) =	sbr.rel @p2 .LBB2_2-.Ltmp0, $4  }
0x4f: {  	v15 =	vsel vm4, $0x1, v0;
	(xrf0) =	vadd.scan.msk.s32 $0xffff, v14;
	s17 =	smov.u32 s30;
	s7 =	sadd.s32 s7, s30;
	(v2sf) =	vpush v10, $0xF;
	s24 =	spop (v2sf)  }
0x50: {  	v16 =	vsel vm5, $0x1, v0;
	(xrf0) =	vadd.scan.msk.s32 $0xffff, v15;
	s0 =	sadd.s32 s0, s26;
	s17 =	simm.s32 @!p1 $0x0;
	s26 =	smov.u32 s15;
	(v2sf) =	vpush v11, $0xF  }
0x51: {  	v17 =	vsel vm3, $0x1, v0;
	(xrf0) =	vadd.scan.msk.s32 $0xffff, v16;
	s16 =	spop (v2sf);
	s26 =	simm.s32 @!p3 $0x0;
	s3 =	sadd.s32 s3, s17;
	(v2sf) =	vpush v12, $0xF  }
0x52: {  	v9 =	vsel vm6, $0x1, v0;
	v8 =	vsel vm7, $0x1, v0;
	v6 =	vld [tilespmem:s4+$0x0];
	(xrf0) =	vadd.scan.msk.s32 $0xffff, v17;
	v10, _, _ =	vpop (xrf0);
	s17 =	smov.u32 s31;
	s31 =	smov.u32 s8;
	s28 =	sadd.s32 s28, s26;
	(v2sf) =	vpush v13, $0xF  }
0x53: {  	_ = 	snop  }
0x54: {  	(v2sf) =	vpush v10, $0xF  }
0x55: {  	s4 =	spop (v2sf);
	v32, _, _ =	vpop (xrf0);
	(v2sf) =	vpush v7, $0xF  }
0x56: {  	(xrf0) =	vadd.scan.msk.s32 $0xffff, v9;
	[dreg:$0x1d] =	wrdreg s4;
	s14 =	spop (v2sf);
	v7, _, _ =	vpop (xrf0);
	(v2sf) =	vpush v32, $0xF  }
0x57: {  	[dreg:$0x1c] =	wrdreg s14;
	(v2sf) =	vpush v7, $0xF;
	vm1 =	veq.s32 v6, $0x7;
	s18 =	spop (v2sf)  }
0x58: {  	(xrf0) =	vadd.scan.msk.s32 $0xffff, v8;
	v33 =	vsel vm1, $0x1, v0;
	[dreg:$0x1f] =	wrdreg s18;
	s15 =	spop (v2sf)  }
0x59: {  	v34, _, _ =	vpop (xrf0);
	vm1 =	veq.s32 v6, $0x0;
	(xrf0) =	vadd.scan.msk.s32 $0xffff, v33;
	[dreg:$0x15] =	wrdreg s15;
	s10 =	spop (v2sf)  }
0x5a: {  	vm2 =	veq.s32 v6, $0x1;
	v7, _, _ =	vpop (xrf0);
	(v2sf) =	vpush v34, $0xF;
	v35 =	vsel vm1, $0x1, v0;
	[smem:$0x7F5] =	sst s10  }
0x5b: {  	v36 =	vsel vm2, $0x1, v0;
	v37, _, _ =	vpop (xrf0);
	(v2sf) =	vpush v7, $0xF;
	vm1 =	veq.s32 v6, $0x2;
	(xrf0) =	vadd.scan.msk.s32 $0xffff, v35;
	s20 =	sadd.s32 s20, s10;
	s10 =	sadd.s32 s12, s24;
	s12 =	rddreg [dreg:$0x1d]  }
0x5c: {  	vm2 =	veq.s32 v6, $0x3;
	v38, _, _ =	vpop (xrf0);
	(v2sf) =	vpush v37, $0xF;
	v11 =	vsel vm1, $0x1, v0;
	(xrf0) =	vadd.scan.msk.s32 $0xffff, v36;
	[smem:$0x7F3] =	sst s10  }
0x5d: {  	v39 =	vsel vm2, $0x1, v0;
	(v2sf) =	vpush v38, $0xF;
	s25 =	sadd.s32 s25, s12;
	s12 =	sadd.s32 s22, s14;
	s22 =	rddreg [dreg:$0x1f];
	(xrf0) =	vadd.scan.msk.s32 $0xffff, v11  }
0x5e: {  	s15 =	sadd.s32 s13, s15;
	v7, _, _ =	vpop (xrf0);
	vm1 =	veq.s32 v6, $0x4;
	s13 =	sld [smem:$0x7F3];
	(xrf0) =	vadd.scan.msk.s32 $0xffff, v39;
	s6 =	spop (v2sf)  }
0x5f: {  	v41 =	vsel vm1, $0x1, v0;
	[smem:$0x7F6] =	sst s6;
	s26 =	spop (v2sf);
	v40, _, _ =	vpop (xrf0)  }
0x60: {  	(xrf0) =	vadd.scan.msk.s32 $0xffff, v41;
	[dreg:$0x1e] =	wrdreg s26;
	s30 =	spop (v2sf);
	(v2sf) =	vpush v40, $0xF  }
0x61: {  	vm1 =	veq.s32 v6, $0x5;
	v42, _, _ =	vpop (xrf0);
	[smem:$0x7F7] =	sst s30;
	s8 =	spop (v2sf);
	(v2sf) =	vpush v7, $0xF  }
0x62: {  	v7 =	vsel vm1, $0x1, v0;
	v43, _, _ =	vpop (xrf0);
	vm1 =	veq.s32 v6, $0x6;
	[smem:$0x7F8] =	sst s8;
	s26 =	spop (v2sf);
	(v2sf) =	vpush v42, $0xF  }
0x63: {  	(xrf0) =	vadd.scan.msk.s32 $0xffff, v7;
	v6, _, _ =	vpop (xrf0);
	v7 =	vsel vm1, $0x1, v0;
	[dreg:$0x18] =	wrdreg s26;
	s30 =	spop (v2sf);
	(v2sf) =	vpush v43, $0xF  }
0x64: {  	v44, _, _ =	vpop (xrf0);
	(xrf0) =	vadd.scan.msk.s32 $0xffff, v7;
	[dreg:$0x14] =	wrdreg s30;
	s11 =	spop (v2sf);
	(v2sf) =	vpush v6, $0xF  }
0x65: {  	[dreg:$0x16] =	wrdreg s11;
	s8 =	spop (v2sf);
	(v2sf) =	vpush v44, $0xF  }
0x66: {  	s18 =	sadd.s32 s7, s6;
	v6, _, _ =	vpop (xrf0);
	[dreg:$0x1a] =	wrdreg s8;
	s4 =	spop (v2sf)  }
0x67: {  	s8 =	sadd.s32 s20, s8;
	(v2sf) =	vpush v6, $0xF;
	s20 =	sadd.s32 s18, s4;
	s18 =	sld [smem:$0x7F7]  }
0x68: {  	s5 =	sadd.s32 s5, s16;
	s14 =	sadd.s32 s9, s22;
	[smem:$0x7F9] =	sst s4  }
0x69: {  	s12 =	sadd.s32 s12, s26;
	s10 =	spop (v2sf);
	s4 =	rddreg [dreg:$0x1e];
	v6, _, _ =	vpop (xrf0)  }
0x6a: {  	s7 =	spop (v2sf);
	(v2sf) =	vpush v6, $0xF;
	v6, _, _ =	vpop (xrf0);
	s18 =	sadd.s32 s5, s18;
	s5 =	sld [smem:$0x7F8]  }
0x6b: {  	s26 =	sadd.s32 s14, s30;
	[smem:$0x7FA] =	sst s10;
	s6 =	spop (v2sf);
	(v2sf) =	vpush v6, $0xF  }
0x6c: {  	s30 =	sadd.s32 s15, s11;
	[smem:$0x7FB] =	sst s6;
	s22 =	spop (v2sf)  }
0x6d: {  	s9 =	sadd.s32 s13, s4;
	[dreg:$0x17] =	wrdreg s22;
	s4 =	sadd.s32 s25, s5  }
0x6e: {  	s9 =	sadd.s32 s9, s10;
	s10 =	smov.u32 s7;
	[smem:$0x7F4] =	sst s4  }
0x6f: {  	s15 =	sadd.s32 s18, s7;
	s25 =	sld [smem:$0x7F4];
	s13 =	spop (v2sf)  }
0x70: {  	s12 =	sadd.s32 s12, s22;
	s5 =	spop (v2sf);
	s26 =	sadd.s32 s26, s13  }
0x71: {  	[dreg:$0x13] =	wrdreg s5;
	s14 =	spop (v2sf);
	s30 =	sadd.s32 s30, s5  }
0x72: {  	s7 =	sadd.s32 s25, s6;
	[smem:$0x7FD] =	sst s14;
	s11 =	spop (v2sf)  }
0x73: {  	s4 =	sadd.s32 s8, s14;
	s20 =	sadd.s32 s20, s11;
	s5 =	spop (v2sf)  }
0x74: {  	s4 =	sadd.s32 $0x7F, s4;
	s18 =	spop (v2sf);
	s8 =	sadd.s32 s9, s5  }
0x75: {  	[smem:$0x7FC] =	sst s4;
	s20 =	sadd.s32 $0x7F, s20;
	s9 =	sshra.s32 s4, $0x7  }
0x76: {  	s22 =	sadd.s32 s15, s18;
	s25 =	sshra.s32 s20, $0x7;
	s6 =	spop (v2sf)  }
0x77: {  	s8 =	sadd.s32 $0x7F, s8;
	v6 =	vmov s9;
	s14 =	sadd.s32 s9, s25;
	s15 =	sadd.s32 $0x7F, s22  }
0x78: {  	s20 =	sadd.s32 s7, s6;
	s9 =	sshra.s32 s8, $0x7;
	vm1 =	vlt.s32 v6, v1;
	s8 =	sshra.s32 s15, $0x7;
	v7 =	vmov s14  }
0x79: {  	s15 =	sadd.s32 s9, s14;
	s4 =	sadd.s32 $0x7F, s20;
	v45 =	vsel vm1, $0x1, v0;
	s25 =	spop (v2sf);
	vm1 =	vlt.s32 v7, v1  }
0x7a: {  	s8 =	sadd.s32 s8, s15;
	v46 =	vmov s15;
	vm2 =	vlt.s32 v7, v2;
	s12 =	sadd.s32 s12, s25;
	s22 =	spop (v2sf);
	v47 =	vsel vm1, $0x1, v0  }
0x7b: {  	s4 =	sshra.s32 s4, $0x7;
	vm1 =	vlt.s32 v46, v1;
	v48 =	vmov s8;
	v7 =	vsel vm2, $0x1, v0;
	s20 =	sadd.s32 s30, s22;
	s12 =	sadd.s32 $0x7F, s12  }
0x7c: {  	s7 =	sadd.s32 s4, s8;
	v8 =	vadd.s32 v45, v47;
	v49 =	vsel vm1, $0x1, v0;
	vm1 =	vlt.s32 v48, v1;
	s12 =	sshra.s32 s12, $0x7;
	s30 =	sadd.s32 $0x7F, s20  }
0x7d: {  	s4 =	sadd.s32 $0x7F, s26;
	v12 =	vmov s7;
	v8 =	vadd.s32 v49, v8;
	v50 =	vsel vm1, $0x1, v0;
	s9 =	sshra.s32 s30, $0x7;
	s12 =	sadd.s32 s12, s7  }
0x7e: {  	[dreg:$0x1b] =	wrdreg s13;
	s4 =	sshra.s32 s4, $0x7;
	vm1 =	vlt.s32 v12, v1;
	v8 =	vadd.s32 v50, v8;
	s13 =	sadd.s32 s9, s12;
	v51 =	vmov s12  }
0x7f: {  	v13 =	vsel vm1, $0x1, v0;
	vm1 =	vlt.s32 v51, v1;
	v14 =	vmov s13;
	s4 =	sadd.s32 s4, s13  }
0x80: {  	v52 =	vsel vm1, $0x1, v0;
	vm1 =	vlt.s32 v14, v1;
	v15 =	vmov s4  }
0x81: {  	v8 =	vadd.s32 v13, v8;
	v53 =	vsel vm1, $0x1, v0;
	vm1 =	vlt.s32 v15, v1  }
0x82: {  	v8 =	vadd.s32 v52, v8;
	v54 =	vsel vm1, $0x1, v0;
	vm1 =	vlt.s32 v6, v2  }
0x83: {  	v8 =	vadd.s32 v53, v8;
	v6 =	vsel vm1, $0x1, v0;
	vm1 =	vlt.s32 v46, v2  }
0x84: {  	v6 =	vadd.s32 v6, v7;
	v7 =	vsel vm1, $0x1, v0;
	vm1 =	vlt.s32 v48, v2  }
0x85: {  	v6 =	vadd.s32 v7, v6;
	v7 =	vsel vm1, $0x1, v0;
	vm1 =	vlt.s32 v12, v2  }
0x86: {  	p4 =	slt.u32 s17, s19;
	s17 =	rddreg [dreg:$0x5];
	v6 =	vadd.s32 v7, v6;
	v7 =	vsel vm1, $0x1, v0;
	vm1 =	vlt.s32 v51, v2  }
0x87: {  	p2 =	slt.u32 s31, s17;
	s17 =	rddreg [dreg:$0x1f];
	s24 =	simm.s32 @!p1 $0x0;
	v6 =	vadd.s32 v7, v6;
	v7 =	vsel vm1, $0x1, v0;
	vm1 =	vlt.s32 v14, v2  }
0x88: {  	s31 =	sadd.s32 s21, s24;
	s21 =	rddreg [dreg:$0x1d];
	v6 =	vadd.s32 v7, v6;
	v7 =	vsel vm1, $0x1, v0;
	vm1 =	vlt.s32 v15, v2  }
0x89: {  	s19 =	simm.s32 @!p0 $0x0;
	p3 =	por p1, p1;
	s26 =	rddreg [dreg:$0x3];
	v8 =	vadd.s32 v54, v8;
	v6 =	vadd.s32 v7, v6;
	v7 =	vsel vm1, $0x1, v0  }
0x8a: {  	s16 =	simm.s32 @!p3 $0x0;
	s17 =	simm.s32 @!p4 $0x0;
	s20 =	rddreg [dreg:$0x5];
	v8 =	vmin.u32 v8, $0x7;
	v6 =	vadd.s32 v7, v6  }
0x8b: {  	s9 =	sadd.s32 s23, s16;
	s16 =	sadd.s32 s1, s17;
	s1 =	sld [smem:$0x7F5];
	[tilespmem:$0x10A00] =	vst v8;
	v6 =	vmin.u32 v6, $0x7  }
0x8c: {  	s30 =	simm.s32 @!p0 $0x10A00;
	s23 =	simm.s32 @!p0 $0x3;
	[dreg:$0x19] =	wrdreg s13;
	[tilespmem:$0x10A10] =	vst v6  }
0x8d: {  	[hbm4b:s26+s19] =	stream.linear.scatter @!p0 [tilespmem:s30], [sflag:$0x3], $0x18, $0x38;
	[tilespmem:$0x10A80] =	vst v63  }
0x8e: {  	s21 =	simm.s32 @!p3 $0x0;
	s30 =	rddreg [dreg:$0x6];
	_ =	swait.ge @!p0 [sflag:s23], $0x18  }
0x8f: {  	s2 =	sadd.s32 s2, s21;
	s21 =	sld [smem:$0x7F6]  }
0x90: {  	s1 =	simm.s32 @!p4 $0x0  }
0x91: {  	p6 =	por p4, p4;
	s13 =	sadd.s32 s0, s1;
	s0 =	rddreg [dreg:$0x1e]  }
0x92: {  	p5 =	por p2, p2;
	s4 =	sld [smem:$0x7FA];
	s21 =	simm.s32 @!p4 $0x0  }
0x93: {  	s10 =	simm.s32 @!p5 $0x0;
	s24 =	sadd.s32 s3, s21;
	s3 =	sld [smem:$0x7F7]  }
0x94: {  	p1 =	slt.u32 s30, s20;
	[sflag:s23] =	ssyncset.done @!p0 $0x0;
	s20 =	sld [smem:$0x7FB]  }
0x95: {  	s11 =	simm.s32 @!p1 $0x0;
	[sflag:s23] =	ssyncadd.s32 @!p0 $0xFFFFFFE8;
	s23 =	rddreg [dreg:$0xc]  }
0x96: {  	s5 =	simm.s32 @!p1 $0x0;
	s21 =	sld [smem:$0x7F8];
	s3 =	simm.s32 @!p6 $0x0  }
0x97: {  	s0 =	simm.s32 @!p4 $0x0;
	v6 =	vld [tilespmem:s23+$0x0];
	s3 =	sadd.s32 s9, s3;
	s9 =	sld [smem:$0x7F9]  }
0x98: {  	s26 =	sld [smem:$0x7FC];
	s0 =	sadd.s32 s31, s0;
	s4 =	simm.s32 @!p2 $0x0  }
0x99: {  	s20 =	simm.s32 @!p5 $0x0;
	p4 =	por p1, p1;
	s21 =	simm.s32 @!p6 $0x0  }
0x9a: {  	s0 =	sadd.s32 s0, s4;
	s2 =	sadd.s32 s2, s21;
	s9 =	simm.s32 @!p2 $0x0  }
0x9b: {  	s6 =	simm.s32 @!p4 $0x0;
	s2 =	sadd.s32 s2, s20;
	s1 =	sadd.s32 s24, s9  }
0x9c: {  	vm1 =	veq.s32 v6, $0x0;
	vm5 =	veq.s32 v6, $0x1;
	s4 =	sadd.s32 s2, s6;
	s2 =	sand.u32 $0xFFFFFF80, s26;
	s20 =	sadd.s32 s1, s11  }
0x9d: {  	s17 =	sshll.u32 s12, $0x7;
	s19 =	sadd.s32 s0, s5;
	vm2 =	veq.s32 v6, $0x2;
	v7 =	vsel vm1, $0x1, v0;
	v55 =	vsel vm5, $0xFFFFFFFF, v0;
	s0 =	sadd.s32 s2, s20  }
0x9e: {  	s18 =	simm.s32 @!p4 $0x0;
	s5 =	rddreg [dreg:$0x1c];
	vm4 =	veq.s32 v6, $0x4;
	(xrf0) =	vadd.scan.msk.s32 $0xffff, v7;
	v7 =	vsel vm5, $0x1, v0;
	v8 =	vadd.s32 s0, v55;
	s0 =	sshll.u32 s8, $0x7  }
0x9f: {  	s25 =	simm.s32 @!p4 $0x0;
	s5 =	simm.s32 @!p3 $0x0;
	vm3 =	veq.s32 v6, $0x3;
	v58 =	vsel vm4, $0xFFFFFFFF, v0;
	(xrf0) =	vadd.scan.msk.s32 $0xffff, v7;
	v7 =	vsel vm2, $0x1, v0;
	s8 =	sadd.s32 s0, s4  }
0xa0: {  	s22 =	simm.s32 @!p4 $0x0;
	s5 =	sadd.s32 s29, s5;
	(xrf0) =	vadd.scan.msk.s32 $0xffff, v7;
	v7 =	vsel vm3, $0x1, v0;
	v59 =	vadd.s32 s8, v58;
	s8 =	sld [smem:$0x7FD]  }
0xa1: {  	s21 =	sshll.u32 s7, $0x7;
	s3 =	sadd.s32 s3, s10;
	(xrf0) =	vadd.scan.msk.s32 $0xffff, v7;
	v7 =	vsel vm4, $0x1, v0;
	s9 =	rddreg [dreg:$0x1a]  }
0xa2: {  	vm6 =	veq.s32 v6, $0x5;
	vm7 =	veq.s32 v6, $0x6;
	s6 =	rddreg [dreg:$0x15];
	s11 =	sadd.s32 s3, s18;
	s9 =	simm.s32 @!p2 $0x0;
	(xrf0) =	vadd.scan.msk.s32 $0xffff, v7  }
0xa3: {  	vm8 =	veq.s32 v6, $0x7;
	v56 =	vsel vm2, $0xFFFFFFFF, v0;
	v57 =	vsel vm3, $0xFFFFFFFF, v0;
	s3 =	sshll.u32 s14, $0x7;
	s9 =	sadd.s32 s13, s9;
	s8 =	simm.s32 @!p1 $0x0  }
0xa4: {  	v60 =	vsel vm1, $0xFFFFFFFF, v0;
	v62 =	vsel vm6, $0x1, v0;
	v19 =	vsel vm7, $0x1, v0;
	s1 =	sshll.u32 s15, $0x7;
	s30 =	sadd.s32 s3, s19;
	v61, _, _ =	vpop (xrf0);
	s8 =	sadd.s32 s9, s8  }
0xa5: {  	v21 =	vsel vm8, $0x1, v0;
	s10 =	rddreg [dreg:$0x16];
	s6 =	simm.s32 @!p3 $0x0;
	s31 =	sadd.s32 s1, s11;
	v9 =	vadd.s32 s30, v56;
	v63, _, _ =	vpop (xrf0);
	v11 =	vadd.s32 s8, v60  }
0xa6: {  	s10 =	simm.s32 @!p6 $0x0;
	s6 =	sadd.s32 s28, s6;
	s14 =	rddreg [dreg:$0x18];
	v7 =	vadd.s32 s31, v57;
	v8 =	vadd.s32 v63, v8;
	v20, _, _ =	vpop (xrf0);
	v6 =	vadd.s32 v61, v11  }
0xa7: {  	s6 =	sadd.s32 s6, s10;
	s14 =	simm.s32 @!p6 $0x0;
	s13 =	rddreg [dreg:$0x14];
	(xrf0) =	vadd.scan.msk.s32 $0xffff, v62;
	v8 =	vnsel vm5, $0x0, v8;
	v9 =	vadd.s32 v20, v9;
	v22, _, _ =	vpop (xrf0);
	v6 =	vnsel vm1, $0x0, v6  }
0xa8: {  	s5 =	sadd.s32 s5, s14;
	s14 =	rddreg [dreg:$0x17];
	s13 =	simm.s32 @!p2 $0x0;
	(xrf0) =	vadd.scan.msk.s32 $0xffff, v19;
	v23 =	vnsel vm2, $0x0, v9;
	v7 =	vadd.s32 v22, v7;
	v24, _, _ =	vpop (xrf0);
	v6 =	vadd.s32 v6, v8  }
0xa9: {  	s14 =	simm.s32 @!p5 $0x0;
	s13 =	sadd.s32 s16, s13;
	(xrf0) =	vadd.scan.msk.s32 $0xffff, v21;
	v7 =	vnsel vm3, $0x0, v7;
	v25 =	vadd.s32 v24, v59;
	s9 =	rddreg [dreg:$0x13];
	v6 =	vadd.s32 v23, v6  }
0xaa: {  	s16 =	rddreg [dreg:$0x19];
	s5 =	sadd.s32 s5, s14;
	s9 =	simm.s32 @!p5 $0x0;
	v6 =	vadd.s32 v7, v6;
	v7 =	vnsel vm4, $0x0, v25  }
0xab: {  	s5 =	sadd.s32 s5, s25;
	s6 =	sadd.s32 s6, s9;
	s9 =	rddreg [dreg:$0x1b]  }
0xac: {  	v26 =	vsel vm6, $0xFFFFFFFF, v0;
	s14 =	sadd.s32 s21, s5;
	s9 =	simm.s32 @!p1 $0x0;
	s6 =	sadd.s32 s6, s22  }
0xad: {  	v27 =	vsel vm7, $0xFFFFFFFF, v0;
	s16 =	sshll.u32 s16, $0x7;
	s7 =	sadd.s32 s13, s9;
	v8 =	vadd.s32 s14, v26;
	s15 =	sadd.s32 s17, s6;
	v6 =	vadd.s32 v7, v6;
	v7, _, _ =	vpop (xrf0)  }
0xae: {  	v16 =	vsel vm8, $0xFFFFFFFF, v0;
	v10 =	vadd.s32 s15, v27;
	s18 =	sadd.s32 s16, s7;
	v8 =	vadd.s32 v7, v8;
	v28, _, _ =	vpop (xrf0)  }
0xaf: {  	v16 =	vadd.s32 s18, v16;
	v8 =	vnsel vm6, $0x0, v8;
	v10 =	vadd.s32 v28, v10;
	v17, _, _ =	vpop (xrf0)  }
0xb0: {  	v6 =	vadd.s32 v8, v6;
	v29 =	vnsel vm7, $0x0, v10;
	v30 =	vadd.s32 v17, v16  }
0xb1: {  	v6 =	vadd.s32 v29, v6;
	v31 =	vnsel vm8, $0x0, v30  }
0xb2: {  	(v2sf) =	vpush v61, $0xF;
	v6 =	vadd.s32 v31, v6  }
0xb3: {  	(v2sf) =	vpush v63, $0xF;
	[tilespmem:$0x10800] =	vst v6  }
0xb4: {  	v6 =	vld [tilespmem:s23+$0x10];
	_ =	sdelay $0x3  }
0xb5: {  	(v2sf) =	vpush v20, $0xF  }
0xb6: {  	vm2 =	veq.s32 v6, $0x0  }
0xb7: {  	vm3 =	veq.s32 v6, $0x1;
	v32 =	vsel vm2, $0x1, v0  }
0xb8: {  	(v2sf) =	vpush v22, $0xF;
	v33 =	vsel vm3, $0x1, v0;
	(xrf0) =	vadd.scan.msk.s32 $0xffff, v32  }
0xb9: {  	(v2sf) =	vpush v24, $0xF;
	(xrf0) =	vadd.scan.msk.s32 $0xffff, v33  }
0xba: {  	(v2sf) =	vpush v7, $0xF  }
0xbb: {  	(v2sf) =	vpush v28, $0xF  }
0xbc: {  	(v2sf) =	vpush v17, $0xF;
	vm1 =	veq.s32 v6, $0x2  }
0xbd: {  	vm14 =	veq.s32 v6, $0x3;
	vm15 =	veq.s32 v6, $0x4;
	v7 =	vsel vm1, $0x1, v0  }
0xbe: {  	s22 =	spop (v2sf);
	vm8 =	veq.s32 v6, $0x7;
	v35 =	vsel vm3, $0xFFFFFFFF, v0;
	v37 =	vsel vm14, $0x1, v0;
	(xrf0) =	vadd.scan.msk.s32 $0xffff, v7;
	v34, _, _ =	vpop (xrf0)  }
0xbf: {  	s24 =	spop (v2sf);
	v38 =	vsel vm15, $0x1, v0;
	v39 =	vsel vm1, $0xFFFFFFFF, v0;
	v9 =	vadd.s32 s2, v35;
	(xrf0) =	vadd.scan.msk.s32 $0xffff, v37;
	v36, _, _ =	vpop (xrf0)  }
0xc0: {  	s25 =	sadd.s32 s20, s24;
	v42 =	vsel vm14, $0xFFFFFFFF, v0;
	v7 =	vsel vm2, $0xFFFFFFFF, v0;
	(xrf0) =	vadd.scan.msk.s32 $0xffff, v38;
	v9 =	vadd.s32 v36, v9  }
0xc1: {  	s8 =	sadd.s32 s8, s22;
	v44 =	vsel vm15, $0xFFFFFFFF, v0;
	v7 =	vadd.s32 v7, v34;
	v9 =	vadd.s32 s25, v9  }
0xc2: {  	v7 =	vadd.s32 s8, v7;
	v9 =	vnsel vm3, $0x0, v9;
	vm3 =	veq.s32 v6, $0x5  }
0xc3: {  	v7 =	vnsel vm2, $0x0, v7;
	vm2 =	veq.s32 v6, $0x6;
	v41 =	vsel vm3, $0x1, v0  }
0xc4: {  	s26 =	spop (v2sf);
	v45 =	vsel vm8, $0x1, v0;
	v11 =	vadd.s32 s3, v39;
	v40, _, _ =	vpop (xrf0);
	v43 =	vsel vm2, $0x1, v0;
	(xrf0) =	vadd.scan.msk.s32 $0xffff, v41  }
0xc5: {  	s10 =	sadd.s32 s19, s26;
	v56 =	vsel vm8, $0xFFFFFFFF, v0;
	v13 =	vadd.s32 s1, v42;
	v11 =	vadd.s32 v40, v11;
	v6, _, _ =	vpop (xrf0);
	(xrf0) =	vadd.scan.msk.s32 $0xffff, v43  }
0xc6: {  	v14 =	vadd.s32 s0, v44;
	v16 =	vadd.s32 s16, v56;
	v11 =	vadd.s32 s10, v11;
	v46, _, _ =	vpop (xrf0);
	(xrf0) =	vadd.scan.msk.s32 $0xffff, v45  }
0xc7: {  	s28 =	spop (v2sf);
	v54 =	vsel vm2, $0xFFFFFFFF, v0;
	v7 =	vadd.s32 v7, v9;
	v11 =	vnsel vm1, $0x0, v11  }
0xc8: {  	s11 =	sadd.s32 s11, s28;
	s29 =	spop (v2sf);
	v52 =	vsel vm3, $0xFFFFFFFF, v0;
	v7 =	vadd.s32 v11, v7;
	v13 =	vadd.s32 v6, v13  }
0xc9: {  	s12 =	sadd.s32 s4, s29;
	v12 =	vadd.s32 s21, v52;
	v47 =	vadd.s32 s11, v13;
	v48 =	vadd.s32 v46, v14  }
0xca: {  	s30 =	spop (v2sf);
	v13 =	vadd.s32 s17, v54;
	v49 =	vnsel vm14, $0x0, v47;
	v50 =	vadd.s32 s12, v48;
	v53, _, _ =	vpop (xrf0)  }
0xcb: {  	s31 =	sadd.s32 s5, s30;
	s5 =	spop (v2sf);
	v7 =	vadd.s32 v49, v7;
	v51 =	vnsel vm15, $0x0, v50;
	v12 =	vadd.s32 v53, v12;
	v55, _, _ =	vpop (xrf0)  }
0xcc: {  	s6 =	sadd.s32 s6, s5;
	s14 =	spop (v2sf);
	v7 =	vadd.s32 v51, v7;
	v12 =	vadd.s32 s31, v12;
	v13 =	vadd.s32 v55, v13;
	v57, _, _ =	vpop (xrf0)  }
0xcd: {  	s7 =	sadd.s32 s7, s14;
	v12 =	vnsel vm3, $0x0, v12;
	v13 =	vadd.s32 s6, v13;
	v16 =	vadd.s32 v57, v16  }
0xce: {  	v7 =	vadd.s32 v12, v7;
	v58 =	vnsel vm2, $0x0, v13;
	v59 =	vadd.s32 s7, v16  }
0xcf: {  	v7 =	vadd.s32 v58, v7;
	v60 =	vnsel vm8, $0x0, v59  }
0xd0: {  	(v2sf) =	vpush v34, $0xF;
	v7 =	vadd.s32 v60, v7  }
0xd1: {  	(v2sf) =	vpush v36, $0xF;
	[tilespmem:$0x10880] =	vst v7  }
0xd2: {  	v7 =	vld [tilespmem:s23+$0x20];
	_ =	sdelay $0x3  }
0xd3: {  	(v2sf) =	vpush v40, $0xF  }
0xd4: {  	vm2 =	veq.s32 v7, $0x0  }
0xd5: {  	(v2sf) =	vpush v6, $0xF;
	vm3 =	veq.s32 v7, $0x1;
	v6 =	vsel vm2, $0x1, v0  }
0xd6: {  	(xrf0) =	vadd.scan.msk.s32 $0xffff, v6;
	v6 =	vsel vm3, $0x1, v0  }
0xd7: {  	(v2sf) =	vpush v46, $0xF;
	(xrf0) =	vadd.scan.msk.s32 $0xffff, v6  }
0xd8: {  	(v2sf) =	vpush v53, $0xF  }
0xd9: {  	(v2sf) =	vpush v55, $0xF  }
0xda: {  	(v2sf) =	vpush v57, $0xF;
	vm1 =	veq.s32 v7, $0x2  }
0xdb: {  	vm9 =	veq.s32 v7, $0x3;
	vm10 =	veq.s32 v7, $0x4;
	v6 =	vsel vm1, $0x1, v0  }
0xdc: {  	s15 =	spop (v2sf);
	vm11 =	veq.s32 v7, $0x7;
	v62 =	vsel vm3, $0xFFFFFFFF, v0;
	v17 =	vsel vm9, $0x1, v0;
	(xrf0) =	vadd.scan.msk.s32 $0xffff, v6;
	v61, _, _ =	vpop (xrf0)  }
0xdd: {  	s18 =	spop (v2sf);
	v18 =	vsel vm10, $0x1, v0;
	v19 =	vsel vm1, $0xFFFFFFFF, v0;
	v9 =	vadd.s32 s2, v62;
	(xrf0) =	vadd.scan.msk.s32 $0xffff, v17;
	v63, _, _ =	vpop (xrf0)  }
0xde: {  	s19 =	sadd.s32 s25, s18;
	v22 =	vsel vm9, $0xFFFFFFFF, v0;
	v6 =	vsel vm2, $0xFFFFFFFF, v0;
	(xrf0) =	vadd.scan.msk.s32 $0xffff, v18;
	v9 =	vadd.s32 v63, v9  }
0xdf: {  	s8 =	sadd.s32 s8, s15;
	v24 =	vsel vm10, $0xFFFFFFFF, v0;
	v6 =	vadd.s32 v6, v61;
	v9 =	vadd.s32 s19, v9  }
0xe0: {  	v6 =	vadd.s32 s8, v6;
	v9 =	vnsel vm3, $0x0, v9;
	vm3 =	veq.s32 v7, $0x5  }
0xe1: {  	v6 =	vnsel vm2, $0x0, v6;
	vm2 =	veq.s32 v7, $0x6;
	v21 =	vsel vm3, $0x1, v0  }
0xe2: {  	s20 =	spop (v2sf);
	v25 =	vsel vm11, $0x1, v0;
	v11 =	vadd.s32 s3, v19;
	v20, _, _ =	vpop (xrf0);
	v23 =	vsel vm2, $0x1, v0;
	(xrf0) =	vadd.scan.msk.s32 $0xffff, v21  }
0xe3: {  	s10 =	sadd.s32 s10, s20;
	v36 =	vsel vm11, $0xFFFFFFFF, v0;
	v13 =	vadd.s32 s1, v22;
	v11 =	vadd.s32 v20, v11;
	v7, _, _ =	vpop (xrf0);
	(xrf0) =	vadd.scan.msk.s32 $0xffff, v23  }
0xe4: {  	s22 =	spop (v2sf);
	v14 =	vadd.s32 s0, v24;
	v16 =	vadd.s32 s16, v36;
	v11 =	vadd.s32 s10, v11;
	v26, _, _ =	vpop (xrf0);
	(xrf0) =	vadd.scan.msk.s32 $0xffff, v25  }
0xe5: {  	s24 =	sadd.s32 s11, s22;
	v34 =	vsel vm2, $0xFFFFFFFF, v0;
	v6 =	vadd.s32 v6, v9;
	v13 =	vadd.s32 v7, v13  }
0xe6: {  	s25 =	spop (v2sf);
	v11 =	vnsel vm1, $0x0, v11;
	v32 =	vsel vm3, $0xFFFFFFFF, v0;
	v27 =	vadd.s32 s24, v13  }
0xe7: {  	s5 =	sadd.s32 s12, s25;
	v6 =	vadd.s32 v11, v6;
	v12 =	vadd.s32 s21, v32;
	v28 =	vadd.s32 v26, v14  }
0xe8: {  	s26 =	spop (v2sf);
	v13 =	vadd.s32 s17, v34;
	v29 =	vnsel vm9, $0x0, v27;
	v30 =	vadd.s32 s5, v28;
	v33, _, _ =	vpop (xrf0)  }
0xe9: {  	s28 =	sadd.s32 s31, s26;
	s29 =	spop (v2sf);
	v6 =	vadd.s32 v29, v6;
	v31 =	vnsel vm10, $0x0, v30;
	v12 =	vadd.s32 v33, v12;
	v35, _, _ =	vpop (xrf0)  }
0xea: {  	s11 =	sadd.s32 s6, s29;
	s30 =	spop (v2sf);
	v6 =	vadd.s32 v31, v6;
	v12 =	vadd.s32 s28, v12;
	v13 =	vadd.s32 v35, v13;
	v37, _, _ =	vpop (xrf0)  }
0xeb: {  	s6 =	sadd.s32 s7, s30;
	v12 =	vnsel vm3, $0x0, v12;
	v13 =	vadd.s32 s11, v13;
	v16 =	vadd.s32 v37, v16  }
0xec: {  	v6 =	vadd.s32 v12, v6;
	v38 =	vnsel vm2, $0x0, v13;
	v39 =	vadd.s32 s6, v16  }
0xed: {  	v6 =	vadd.s32 v38, v6;
	v40 =	vnsel vm11, $0x0, v39  }
0xee: {  	(v2sf) =	vpush v61, $0xF;
	v6 =	vadd.s32 v40, v6  }
0xef: {  	[tilespmem:$0x10900] =	vst v6  }
0xf0: {  	(v2sf) =	vpush v63, $0xF;
	v6 =	vld [tilespmem:s23+$0x30]  }
0xf1: {  	(v2sf) =	vpush v20, $0xF  }
0xf2: {  	(v2sf) =	vpush v7, $0xF;
	_ =	sdelay $0x1  }
0xf3: {  	(v2sf) =	vpush v26, $0xF  }
0xf4: {  	(v2sf) =	vpush v33, $0xF;
	vm1 =	veq.s32 v6, $0x0  }
0xf5: {  	(v2sf) =	vpush v35, $0xF;
	vm5 =	veq.s32 v6, $0x1;
	v7 =	vsel vm1, $0x1, v0  }
0xf6: {  	(v2sf) =	vpush v37, $0xF;
	vm2 =	veq.s32 v6, $0x2;
	(xrf0) =	vadd.scan.msk.s32 $0xffff, v7;
	v7 =	vsel vm5, $0x1, v0  }
0xf7: {  	vm3 =	veq.s32 v6, $0x3;
	vm12 =	veq.s32 v6, $0x4;
	(xrf0) =	vadd.scan.msk.s32 $0xffff, v7;
	v7 =	vsel vm2, $0x1, v0  }
0xf8: {  	vm13 =	veq.s32 v6, $0x5;
	vm14 =	veq.s32 v6, $0x6;
	(xrf0) =	vadd.scan.msk.s32 $0xffff, v7;
	v7 =	vsel vm3, $0x1, v0  }
0xf9: {  	vm15 =	veq.s32 v6, $0x7;
	v42 =	vsel vm12, $0x1, v0;
	v43 =	vsel vm13, $0x1, v0;
	(xrf0) =	vadd.scan.msk.s32 $0xffff, v7  }
0xfa: {  	v44 =	vsel vm5, $0xFFFFFFFF, v0;
	v47 =	vsel vm2, $0xFFFFFFFF, v0;
	v48 =	vsel vm14, $0x1, v0;
	(xrf0) =	vadd.scan.msk.s32 $0xffff, v42  }
0xfb: {  	v50 =	vsel vm3, $0xFFFFFFFF, v0;
	v6 =	vsel vm12, $0xFFFFFFFF, v0;
	v54 =	vsel vm13, $0xFFFFFFFF, v0  }
0xfc: {  	s31 =	spop (v2sf);
	v55 =	vsel vm15, $0x1, v0;
	v58 =	vsel vm14, $0xFFFFFFFF, v0;
	v7 =	vsel vm1, $0xFFFFFFFF, v0;
	v41, _, _ =	vpop (xrf0);
	(xrf0) =	vadd.scan.msk.s32 $0xffff, v43  }
0xfd: {  	s7 =	sadd.s32 s8, s31;
	v62 =	vsel vm15, $0xFFFFFFFF, v0;
	v45 =	vadd.s32 s2, v44;
	v7 =	vadd.s32 v7, v41;
	v46, _, _ =	vpop (xrf0)  }
0xfe: {  	v10 =	vadd.s32 s3, v47;
	v51 =	vadd.s32 s1, v50;
	(xrf0) =	vadd.scan.msk.s32 $0xffff, v48;
	v7 =	vadd.s32 s7, v7;
	s7 =	spop (v2sf);
	v49, _, _ =	vpop (xrf0)  }
0xff: {  	v6 =	vadd.s32 s0, v6;
	v12 =	vadd.s32 s21, v54;
	v8 =	vadd.s32 v46, v45;
	s2 =	sadd.s32 s19, s7;
	s8 =	spop (v2sf);
	v52, _, _ =	vpop (xrf0)  }
0x100: {  	v9 =	vadd.s32 v49, v10;
	v7 =	vnsel vm1, $0x0, v7;
	s3 =	sadd.s32 s10, s8;
	v8 =	vadd.s32 s2, v8;
	s10 =	spop (v2sf);
	v53, _, _ =	vpop (xrf0);
	(xrf0) =	vadd.scan.msk.s32 $0xffff, v55  }
0x101: {  	v10 =	vadd.s32 v52, v51;
	v9 =	vadd.s32 s3, v9;
	s1 =	sadd.s32 s24, s10;
	v8 =	vnsel vm5, $0x0, v8  }
0x102: {  	s13 =	spop (v2sf);
	v6 =	vadd.s32 v53, v6;
	v10 =	vadd.s32 s1, v10;
	v56, _, _ =	vpop (xrf0);
	v7 =	vadd.s32 v7, v8  }
0x103: {  	s14 =	spop (v2sf);
	s15 =	sadd.s32 s5, s13;
	v60 =	vnsel vm2, $0x0, v9;
	v9 =	vadd.s32 s16, v62;
	v57 =	vadd.s32 v56, v12  }
0x104: {  	s0 =	sadd.s32 s28, s14;
	v6 =	vadd.s32 s15, v6;
	v12 =	vadd.s32 s17, v58;
	s17 =	spop (v2sf);
	v59, _, _ =	vpop (xrf0);
	v7 =	vadd.s32 v60, v7  }
0x105: {  	v61 =	vnsel vm3, $0x0, v10;
	v11 =	vadd.s32 s0, v57;
	s0 =	sadd.s32 s11, s17;
	v12 =	vadd.s32 v59, v12  }
0x106: {  	s18 =	spop (v2sf);
	v7 =	vadd.s32 v61, v7;
	v6 =	vnsel vm12, $0x0, v6;
	v12 =	vadd.s32 s0, v12;
	v63, _, _ =	vpop (xrf0)  }
0x107: {  	s0 =	sadd.s32 s6, s18;
	v6 =	vadd.s32 v6, v7;
	v7 =	vnsel vm13, $0x0, v11;
	v8 =	vadd.s32 v63, v9  }
0x108: {  	v6 =	vadd.s32 v7, v6;
	v7 =	vnsel vm14, $0x0, v12;
	v8 =	vadd.s32 s0, v8  }
0x109: {  	v6 =	vadd.s32 v7, v6;
	v7 =	vnsel vm15, $0x0, v8  }
0x10a: {  	s9 =	simm.s32 $0x3;
	v6 =	vadd.s32 v7, v6  }
0x10b: {  	s20 =	simm.s32 $0x10800;
	s19 =	rddreg [dreg:$0xd];
	s8 =	simm.s32 $0x0;
	[tilespmem:$0x10980] =	vst v6  }
0x10c: {  	[hbm4b:s19+s8] =	stream.linear.scatter [tilespmem:s20], [sflag:$0x3], $0x200, $0x38;
	[tilespmem:$0x10A80] =	vst v63  }
0x10d: {  	_ =	swait.ge [sflag:s9], $0x200  }
0x10e: {  	[sflag:s9] =	ssyncset.done $0x0  }
0x10f: {  	s7 =	simm.s32 $0x1;
	[sflag:s9] =	ssyncadd.s32 $0xFFFFFE00  }
0x110: {  	_ =	swait.ge [sflag:s7], $0x4000  }
0x111: {  	[sflag:s7] =	ssyncset.done $0x0  }
0x112: {  	[sflag:s7] =	ssyncadd.s32 $0xFFFFC000  }
0x113: {  	v6 =	vld [tilespmem:$0x10800];
	_ =	sdelay $0x4  }
0x114: {  	v7 =	vshll.u32 v6, $0x3  }
0x115: {  	v6 =	vand.u32 $0x7, v6;
	v7 =	vand.u32 $0xFFFFFFC0, v7  }
0x116: {  	v6 =	vor.u32 v6, v7  }
0x117: {  	v7 =	vperm.xlane v6, v3;
	_ =	sdelay $0x1  }
0x118: {  	v7 =	vadd.s32 v4, v7;
	_ =	sdelay $0x3  }
0x119: {  	s4 =	simm.s32 $0x800;
	s0 =	rddreg [dreg:$0x7]  }
0x11a: {  	[hbm4b:s0+s8] =	stream.indirect_vreg.scatter [tilespmem:s4], [sflag:$0x2], $0x80, v7, vm0, $0xb8;
	[tilespmem:$0x10A80] =	vst v63  }
0x11b: {  	s21 =	simm.s32 $0x1000;
	s1 =	rddreg [dreg:$0xe];
	v6 =	vperm.xlane v6, v5  }
0x11c: {  	[hbm4b:s1+s8] =	stream.indirect_vreg.scatter [tilespmem:s21], [sflag:$0x2], $0x80, v7, vm0, $0xb8;
	[tilespmem:$0x10A80] =	vst v63  }
0x11d: {  	s22 =	simm.s32 $0x1800;
	s2 =	rddreg [dreg:$0xf];
	v6 =	vadd.s32 v4, v6  }
0x11e: {  	[hbm4b:s2+s8] =	stream.indirect_vreg.scatter [tilespmem:s22], [sflag:$0x2], $0x80, v7, vm0, $0xb8;
	[tilespmem:$0x10A80] =	vst v63  }
0x11f: {  	s23 =	simm.s32 $0x2000;
	s3 =	rddreg [dreg:$0x10]  }
0x120: {  	[hbm4b:s3+s8] =	stream.indirect_vreg.scatter [tilespmem:s23], [sflag:$0x2], $0x80, v7, vm0, $0xb8;
	[tilespmem:$0x10A80] =	vst v63  }
0x121: {  	s24 =	simm.s32 $0x2800  }
0x122: {  	[hbm4b:s0+s8] =	stream.indirect_vreg.scatter [tilespmem:s24], [sflag:$0x2], $0x80, v6, vm0, $0xb8;
	[tilespmem:$0x10A80] =	vst v63  }
0x123: {  	s25 =	simm.s32 $0x3000  }
0x124: {  	[hbm4b:s1+s8] =	stream.indirect_vreg.scatter [tilespmem:s25], [sflag:$0x2], $0x80, v6, vm0, $0xb8;
	[tilespmem:$0x10A80] =	vst v63  }
0x125: {  	s26 =	simm.s32 $0x3800  }
0x126: {  	[hbm4b:s2+s8] =	stream.indirect_vreg.scatter [tilespmem:s26], [sflag:$0x2], $0x80, v6, vm0, $0xb8;
	[tilespmem:$0x10A80] =	vst v63  }
0x127: {  	s28 =	simm.s32 $0x4000  }
0x128: {  	[hbm4b:s3+s8] =	stream.indirect_vreg.scatter [tilespmem:s28], [sflag:$0x2], $0x80, v6, vm0, $0xb8;
	[tilespmem:$0x10A80] =	vst v63  }
0x129: {  	_ =	swait.ge [sflag:s7], $0x4000  }
0x12a: {  	[sflag:s7] =	ssyncset.done $0x0  }
0x12b: {  	[sflag:s7] =	ssyncadd.s32 $0xFFFFC000  }
0x12c: {  	v6 =	vld [tilespmem:$0x10880];
	_ =	sdelay $0x4  }
0x12d: {  	v7 =	vshll.u32 v6, $0x3  }
0x12e: {  	v6 =	vand.u32 $0x7, v6;
	v7 =	vand.u32 $0xFFFFFFC0, v7  }
0x12f: {  	v6 =	vor.u32 v6, v7  }
0x130: {  	v7 =	vperm.xlane v6, v3;
	_ =	sdelay $0x1  }
0x131: {  	v7 =	vadd.s32 v4, v7;
	_ =	sdelay $0x3  }
0x132: {  	s5 =	simm.s32 $0x4800  }
0x133: {  	[hbm4b:s0+s8] =	stream.indirect_vreg.scatter [tilespmem:s5], [sflag:$0x2], $0x80, v7, vm0, $0xb8;
	[tilespmem:$0x10A80] =	vst v63  }
0x134: {  	s29 =	simm.s32 $0x5000;
	v6 =	vperm.xlane v6, v5  }
0x135: {  	[hbm4b:s1+s8] =	stream.indirect_vreg.scatter [tilespmem:s29], [sflag:$0x2], $0x80, v7, vm0, $0xb8;
	[tilespmem:$0x10A80] =	vst v63  }
0x136: {  	s30 =	simm.s32 $0x5800;
	v6 =	vadd.s32 v4, v6  }
0x137: {  	[hbm4b:s2+s8] =	stream.indirect_vreg.scatter [tilespmem:s30], [sflag:$0x2], $0x80, v7, vm0, $0xb8;
	[tilespmem:$0x10A80] =	vst v63  }
0x138: {  	s31 =	simm.s32 $0x6000  }
0x139: {  	[hbm4b:s3+s8] =	stream.indirect_vreg.scatter [tilespmem:s31], [sflag:$0x2], $0x80, v7, vm0, $0xb8;
	[tilespmem:$0x10A80] =	vst v63  }
0x13a: {  	s10 =	simm.s32 $0x6800  }
0x13b: {  	[hbm4b:s0+s8] =	stream.indirect_vreg.scatter [tilespmem:s10], [sflag:$0x2], $0x80, v6, vm0, $0xb8;
	[tilespmem:$0x10A80] =	vst v63  }
0x13c: {  	s11 =	simm.s32 $0x7000  }
0x13d: {  	[hbm4b:s1+s8] =	stream.indirect_vreg.scatter [tilespmem:s11], [sflag:$0x2], $0x80, v6, vm0, $0xb8;
	[tilespmem:$0x10A80] =	vst v63  }
0x13e: {  	s12 =	simm.s32 $0x7800  }
0x13f: {  	[hbm4b:s2+s8] =	stream.indirect_vreg.scatter [tilespmem:s12], [sflag:$0x2], $0x80, v6, vm0, $0xb8;
	[tilespmem:$0x10A80] =	vst v63  }
0x140: {  	s13 =	simm.s32 $0x8000  }
0x141: {  	[hbm4b:s3+s8] =	stream.indirect_vreg.scatter [tilespmem:s13], [sflag:$0x2], $0x80, v6, vm0, $0xb8;
	[tilespmem:$0x10A80] =	vst v63  }
0x142: {  	_ =	swait.ge [sflag:s7], $0x4000  }
0x143: {  	[sflag:s7] =	ssyncset.done $0x0  }
0x144: {  	[sflag:s7] =	ssyncadd.s32 $0xFFFFC000  }
0x145: {  	v6 =	vld [tilespmem:$0x10900];
	_ =	sdelay $0x4  }
0x146: {  	v7 =	vshll.u32 v6, $0x3  }
0x147: {  	v6 =	vand.u32 $0x7, v6;
	v7 =	vand.u32 $0xFFFFFFC0, v7  }
0x148: {  	v6 =	vor.u32 v6, v7  }
0x149: {  	v7 =	vperm.xlane v6, v3;
	_ =	sdelay $0x1  }
0x14a: {  	v7 =	vadd.s32 v4, v7;
	_ =	sdelay $0x3  }
0x14b: {  	s6 =	simm.s32 $0x8800  }
0x14c: {  	[hbm4b:s0+s8] =	stream.indirect_vreg.scatter [tilespmem:s6], [sflag:$0x2], $0x80, v7, vm0, $0xb8;
	[tilespmem:$0x10A80] =	vst v63  }
0x14d: {  	s14 =	simm.s32 $0x9000;
	v6 =	vperm.xlane v6, v5  }
0x14e: {  	[hbm4b:s1+s8] =	stream.indirect_vreg.scatter [tilespmem:s14], [sflag:$0x2], $0x80, v7, vm0, $0xb8;
	[tilespmem:$0x10A80] =	vst v63  }
0x14f: {  	s15 =	simm.s32 $0x9800;
	v6 =	vadd.s32 v4, v6  }
0x150: {  	[hbm4b:s2+s8] =	stream.indirect_vreg.scatter [tilespmem:s15], [sflag:$0x2], $0x80, v7, vm0, $0xb8;
	[tilespmem:$0x10A80] =	vst v63  }
0x151: {  	s16 =	simm.s32 $0xA000  }
0x152: {  	[hbm4b:s3+s8] =	stream.indirect_vreg.scatter [tilespmem:s16], [sflag:$0x2], $0x80, v7, vm0, $0xb8;
	[tilespmem:$0x10A80] =	vst v63  }
0x153: {  	s17 =	simm.s32 $0xA800  }
0x154: {  	[hbm4b:s0+s8] =	stream.indirect_vreg.scatter [tilespmem:s17], [sflag:$0x2], $0x80, v6, vm0, $0xb8;
	[tilespmem:$0x10A80] =	vst v63  }
0x155: {  	s18 =	simm.s32 $0xB000  }
0x156: {  	[hbm4b:s1+s8] =	stream.indirect_vreg.scatter [tilespmem:s18], [sflag:$0x2], $0x80, v6, vm0, $0xb8;
	[tilespmem:$0x10A80] =	vst v63  }
0x157: {  	s19 =	simm.s32 $0xB800  }
0x158: {  	[hbm4b:s2+s8] =	stream.indirect_vreg.scatter [tilespmem:s19], [sflag:$0x2], $0x80, v6, vm0, $0xb8;
	[tilespmem:$0x10A80] =	vst v63  }
0x159: {  	s20 =	simm.s32 $0xC000  }
0x15a: {  	[hbm4b:s3+s8] =	stream.indirect_vreg.scatter [tilespmem:s20], [sflag:$0x2], $0x80, v6, vm0, $0xb8;
	[tilespmem:$0x10A80] =	vst v63  }
0x15b: {  	_ =	swait.ge [sflag:s7], $0x4000  }
0x15c: {  	[sflag:s7] =	ssyncset.done $0x0  }
0x15d: {  	[sflag:s7] =	ssyncadd.s32 $0xFFFFC000  }
0x15e: {  	v6 =	vld [tilespmem:$0x10980];
	_ =	sdelay $0x4  }
0x15f: {  	v7 =	vshll.u32 v6, $0x3  }
0x160: {  	v6 =	vand.u32 $0x7, v6;
	v7 =	vand.u32 $0xFFFFFFC0, v7  }
0x161: {  	v6 =	vor.u32 v6, v7  }
0x162: {  	v7 =	vperm.xlane v6, v3;
	_ =	sdelay $0x1  }
0x163: {  	v7 =	vadd.s32 v4, v7;
	_ =	sdelay $0x3  }
0x164: {  	s7 =	simm.s32 $0xC800  }
0x165: {  	[hbm4b:s0+s8] =	stream.indirect_vreg.scatter [tilespmem:s7], [sflag:$0x2], $0x80, v7, vm0, $0xb8;
	[tilespmem:$0x10A80] =	vst v63  }
0x166: {  	s21 =	simm.s32 $0xD000;
	v6 =	vperm.xlane v6, v5  }
0x167: {  	[hbm4b:s1+s8] =	stream.indirect_vreg.scatter [tilespmem:s21], [sflag:$0x2], $0x80, v7, vm0, $0xb8;
	[tilespmem:$0x10A80] =	vst v63  }
0x168: {  	s22 =	simm.s32 $0xD800;
	v6 =	vadd.s32 v4, v6  }
0x169: {  	[hbm4b:s2+s8] =	stream.indirect_vreg.scatter [tilespmem:s22], [sflag:$0x2], $0x80, v7, vm0, $0xb8;
	[tilespmem:$0x10A80] =	vst v63  }
0x16a: {  	s23 =	simm.s32 $0xE000  }
0x16b: {  	[hbm4b:s3+s8] =	stream.indirect_vreg.scatter [tilespmem:s23], [sflag:$0x2], $0x80, v7, vm0, $0xb8;
	[tilespmem:$0x10A80] =	vst v63  }
0x16c: {  	s24 =	simm.s32 $0xE800  }
0x16d: {  	[hbm4b:s0+s8] =	stream.indirect_vreg.scatter [tilespmem:s24], [sflag:$0x2], $0x80, v6, vm0, $0xb8;
	[tilespmem:$0x10A80] =	vst v63  }
0x16e: {  	s25 =	simm.s32 $0xF000  }
0x16f: {  	[hbm4b:s1+s8] =	stream.indirect_vreg.scatter [tilespmem:s25], [sflag:$0x2], $0x80, v6, vm0, $0xb8;
	[tilespmem:$0x10A80] =	vst v63  }
0x170: {  	s26 =	simm.s32 $0xF800  }
0x171: {  	[hbm4b:s2+s8] =	stream.indirect_vreg.scatter [tilespmem:s26], [sflag:$0x2], $0x80, v6, vm0, $0xb8;
	[tilespmem:$0x10A80] =	vst v63  }
0x172: {  	s28 =	simm.s32 $0x10000;
	s29 =	simm.s32 $0x2  }
0x173: {  	[hbm4b:s3+s8] =	stream.indirect_vreg.scatter [tilespmem:s28], [sflag:$0x2], $0x80, v6, vm0, $0xb8;
	[tilespmem:$0x10A80] =	vst v63  }
0x174: {  	_ =	swait.ge [sflag:s29], $0x4000  }
0x175: {  	[sflag:s29] =	ssyncset.done $0x0  }
0x176: {  	[sflag:s29] =	ssyncadd.s32 $0xFFFFC000  }
0x177: {  	_ =	swait.ge [sflag:s29], $0x4000  }
0x178: {  	[sflag:s29] =	ssyncset.done $0x0  }
0x179: {  	[sflag:s29] =	ssyncadd.s32 $0xFFFFC000  }
0x17a: {  	_ =	swait.ge [sflag:s29], $0x4000  }
0x17b: {  	[sflag:s29] =	ssyncset.done $0x0  }
0x17c: {  	[sflag:s29] =	ssyncadd.s32 $0xFFFFC000  }
0x17d: {  	_ =	swait.ge [sflag:s29], $0x4000  }
0x17e: {  	s30 =	rddreg [dreg:$0x12]  }
0x17f: {  	s31 =	rddreg [dreg:$0x11];
	s2 =	sadd.s32 $0x1, s30  }
0x180: {  	p1 =	sne.s32 s2, s31  }
.Ltmp1:
0x181: {  	_ = 	snop;
	(pc) =	sbr.rel @p1 .LBB2_1-.Ltmp1, $3  }
0x182: {  	_ =	sdelay $0x1  }
0x183: {  	[sflag:s29] =	ssyncset.done $0x0  }
0x184: {  	[sflag:s29] =	ssyncadd.s32 $0xFFFFC000  }
0x185: {  	_ =	sfence.sel $0x180000  }
0x186: {  	[bflag:$0x0] =	sbarrier.arrive $0xFFFF  }
0x187: {  	_ =	strace $0x90000047  }
0x188: {  	s0 =	stileid.u32;
	[bflag:$0x2] =	sbarrier.arrive $0xFFFF  }
0x189: {  	p0 =	sne.s32 s0, $0x0;
	s0 =	rddreg [dreg:$0x4]  }
0x18a: {  	s0 =	sadd.s32 @!p0 $0x100000, s0  }
0x18b: {  	[sflag:s0] =	ssyncadd.tile.s32 @!p0 $0x1;
	_ =	shalt  }
.Lfunc_end2:
_tile_overlayer_lowered:
.L_overlay_start_2:
0x18c: {  	(tag) =	ssettag $0x2  }
0x18d: {  	s0 =	rddreg [dreg:$0x0];
	s2 =	stileid.u32  }
0x18e: {  	s1 =	rddreg [dreg:$0x1];
	p0 =	sne.s32 s2, $0x0  }
0x18f: {  	s3 =	rddreg [dreg:$0x2];
	[bflag:$0x3] =	sbarrier.arrive $0xFFFF;
	s2 =	simm.s32 @!p0 $0x1C03  }
0x190: {  	[timem:s3], [sflag:s2] =	dma.local @!p0 [hbm:s0], s1  }
0x191: {  	s0 =	simm.s32 @!p0 $0x3  }
0x192: {  	_ =	swait.ge @!p0 [sflag:s0], s1  }
0x193: {  	s1 =	ssub.s32 @!p0 $0x0, s1;
	[sflag:s0] =	ssyncset.done @!p0 $0x0  }
0x194: {  	[sflag:s0] =	ssyncadd.s32 @!p0 s1  }
0x195: {  	[bflag:$0x3] =	sbarrier.arrive $0xFFFF  }
0x196: {  	_ =	shalt  }

// kernel: kernel.8.cloned.1.call-start
scs
__scs_entry_jumppad:
0x0: {  	(pc) =	sbr.rel $0x88, $3  }
0x1: {  	(tag) =	ssettag $0x0;
	lr =	simm.s32 $0x1  }
0x2: {  	[smem:$0x3F9D] =	sst lr;
	_ =	strace $0xD0000000  }
0x3: {  	_ = 	snop  }
0x4: {  	_ = 	snop  }
0x5: {  	_ = 	snop  }
0x6: {  	_ = 	snop  }
0x7: {  	_ = 	snop  }
__scs_overlays_trampoline_lowered:
0x8: {  	[smem:$0x3FAC] =	sst s0  }
0x9: {  	[smem:$0x3FAD] =	sst s1  }
0xa: {  	[smem:$0x3FAE] =	sst s2  }
0xb: {  	[smem:$0x3FAF] =	sst s3  }
0xc: {  	[smem:$0x3FB0] =	sst s4  }
0xd: {  	[smem:$0x3FB1] =	sst s5  }
0xe: {  	[smem:$0x3FB2] =	sst s6  }
0xf: {  	[smem:$0x3FB3] =	sst s7  }
0x10: {  	[smem:$0x3FB4] =	sst s8  }
0x11: {  	[smem:$0x3FB5] =	sst s9;
	s0 =	simm.s32 @!p0 $0x0  }
0x12: {  	s1 =	sld [smem:$0x3F9B];
	s0 =	simm.s32 @p0 $0x1  }
0x13: {  	[smem:$0x3FB6] =	sst s0;
	s0 =	simm.s32 @!p1 $0x0  }
0x14: {  	s2 =	sld [smem:$0x3F9A];
	s0 =	simm.s32 @p1 $0x1  }
0x15: {  	[smem:$0x3FB7] =	sst s0;
	s0 =	simm.s32 @!p2 $0x0  }
0x16: {  	s3 =	sld [smem:$0x3FDB];
	s0 =	simm.s32 @p2 $0x1  }
0x17: {  	s4 =	simm.s32 $0x1BF5;
	[smem:$0x3FB9] =	sst s0  }
0x18: {  	s0 =	sld [smem:$0x3F9C];
	_ =	swait.ge [sflag:s4], $0x0  }
0x19: {  	s7 =	sld [smem:$0x3F9D]  }
0x1a: {  	s8 =	sadd.s32 $0xFFFFE003, lr  }
0x1b: {  	s9 =	sadd.s32 $0xFFFFFEF7, lr;
	s5 =	simm.s32 $0xFFFFFFFF;
	p2 =	slt.u32 s8, $0xFFFFF086  }
0x1c: {  	p1 =	slt.u32 s9, $0xF7A;
	s5 =	simm.s32 @!p2 $0x0  }
0x1d: {  	s5 =	simm.s32 @p1 $0x1;
	p0 =	seq.s32 s7, s2  }
0x1e: {  	s7 =	smul.u32 @!p0 $0xF7A, s2;
	p2 =	seq.s32 @!p0 s5, $0x0  }
0x1f: {  	s9 =	smul.u32 $0xF7A, s1;
	s8 =	simm.s32 @!p0 $0x1BF5;
	p2 =	por !p2, p0  }
0x20: {  	[sflag:s8] =	ssyncset.s32 @!p0 $0xFFFFF086;
	s6 =	sadd.s32 @!p0 s3, s7;
	s7 =	simm.s32 @!p0 $0x108  }
0x21: {  	s3 =	sadd.s32 s3, s9;
	s6 =	sadd.s32 @!p0 $0x88, s6;
	s7 =	simm.s32 @p2 $0x1082  }
0x22: {  	[simem:s7], [sflag:s8] =	dma.local @!p0 [hbm:s6], $0xF7A  }
0x23: {  	s9 =	sor.u32 $0xD0000000, s2;
	s6 =	simm.s32 $0x108;
	_ =	swait.ge @!p0 [sflag:s8], $0x0  }
0x24: {  	s3 =	sadd.s32 $0x88, s3;
	s6 =	simm.s32 @!p1 $0x1082;
	[sflag:s4] =	ssyncset.s32 $0xFFFFF086  }
0x25: {  	[simem:s6], [sflag:s4] =	dma.local [hbm:s3], $0xF7A  }
0x26: {  	[smem:$0x3F9D] =	sst s1;
	(tag) =	ssettag s2;
	_ =	strace s9  }
0x27: {  	s1 =	sld [smem:$0x3FAD]  }
0x28: {  	s2 =	sld [smem:$0x3FAE]  }
0x29: {  	s4 =	sld [smem:$0x3FB0]  }
0x2a: {  	p0 =	seq.s32 s5, $0x0;
	s5 =	sld [smem:$0x3FB1]  }
0x2b: {  	s6 =	sld [smem:$0x3FB2]  }
0x2c: {  	s7 =	sld [smem:$0x3FB3]  }
0x2d: {  	s3 =	simm.s32 $0x108;
	s8 =	sld [smem:$0x3FB4]  }
0x2e: {  	s3 =	simm.s32 @!p0 $0x1082;
	s9 =	sld [smem:$0x3FB5]  }
0x2f: {  	lr =	sadd.s32 s0, s3;
	s0 =	sld [smem:$0x3FAC]  }
0x30: {  	s3 =	sld [smem:$0x3FAF]  }
0x31: {  	[smem:$0x3FB8] =	sst s10  }
0x32: {  	s10 =	sld [smem:$0x3FB6];
	_ =	sdelay $0x3  }
0x33: {  	p0 =	seq.s32 s10, $0x1;
	s10 =	sld [smem:$0x3FB8];
	_ =	sdelay $0x3  }
0x34: {  	[smem:$0x3FB8] =	sst s10  }
0x35: {  	s10 =	sld [smem:$0x3FB7];
	_ =	sdelay $0x3  }
0x36: {  	p1 =	seq.s32 s10, $0x1;
	s10 =	sld [smem:$0x3FB8];
	_ =	sdelay $0x3  }
0x37: {  	[smem:$0x3FB8] =	sst s10  }
0x38: {  	s10 =	sld [smem:$0x3FB9]  }
0x39: {  	_ = 	snop;
	(pc) =	sbr.ind lr, $3  }
0x3a: {  	_ = 	snop  }
0x3b: {  	_ = 	snop  }
0x3c: {  	p2 =	seq.s32 s10, $0x1;
	s10 =	sld [smem:$0x3FB8]  }
0x3d: {  	_ =	shalt  }
0x3e: {  	_ =	shalt  }
0x3f: {  	_ =	shalt  }
0x40: {  	_ =	shalt  }
0x41: {  	_ =	shalt  }
0x42: {  	_ =	shalt  }
0x43: {  	_ =	shalt  }
0x44: {  	_ =	shalt  }
0x45: {  	_ =	shalt  }
0x46: {  	_ =	shalt  }
0x47: {  	_ =	shalt  }
0x48: {  	_ =	shalt  }
0x49: {  	_ =	shalt  }
0x4a: {  	_ =	shalt  }
0x4b: {  	_ =	shalt  }
0x4c: {  	_ =	shalt  }
0x4d: {  	_ =	shalt  }
0x4e: {  	_ =	shalt  }
0x4f: {  	_ =	shalt  }
0x50: {  	_ =	shalt  }
0x51: {  	_ =	shalt  }
0x52: {  	_ =	shalt  }
0x53: {  	_ =	shalt  }
0x54: {  	_ =	shalt  }
0x55: {  	_ =	shalt  }
0x56: {  	_ =	shalt  }
0x57: {  	_ =	shalt  }
0x58: {  	_ =	shalt  }
0x59: {  	_ =	shalt  }
0x5a: {  	_ =	shalt  }
0x5b: {  	_ =	shalt  }
0x5c: {  	_ =	shalt  }
0x5d: {  	_ =	shalt  }
0x5e: {  	_ =	shalt  }
0x5f: {  	_ =	shalt  }
0x60: {  	_ =	shalt  }
0x61: {  	_ =	shalt  }
0x62: {  	_ =	shalt  }
0x63: {  	_ =	shalt  }
0x64: {  	_ =	shalt  }
0x65: {  	_ =	shalt  }
0x66: {  	_ =	shalt  }
0x67: {  	_ =	shalt  }
0x68: {  	_ =	shalt  }
0x69: {  	_ =	shalt  }
0x6a: {  	_ =	shalt  }
0x6b: {  	_ =	shalt  }
0x6c: {  	_ =	shalt  }
0x6d: {  	_ =	shalt  }
0x6e: {  	_ =	shalt  }
0x6f: {  	_ =	shalt  }
0x70: {  	_ =	shalt  }
0x71: {  	_ =	shalt  }
0x72: {  	_ =	shalt  }
0x73: {  	_ =	shalt  }
0x74: {  	_ =	shalt  }
0x75: {  	_ =	shalt  }
0x76: {  	_ =	shalt  }
0x77: {  	_ =	shalt  }
0x78: {  	_ =	shalt  }
0x79: {  	_ =	shalt  }
0x7a: {  	_ =	shalt  }
0x7b: {  	_ =	shalt  }
0x7c: {  	_ =	shalt  }
0x7d: {  	_ =	shalt  }
0x7e: {  	_ =	shalt  }
0x7f: {  	_ =	shalt  }
0x80: {  	_ =	shalt  }
0x81: {  	_ =	shalt  }
0x82: {  	_ =	shalt  }
0x83: {  	_ =	shalt  }
0x84: {  	_ =	shalt  }
0x85: {  	_ =	shalt  }
0x86: {  	_ =	shalt  }
0x87: {  	_ =	shalt  }
.Lfunc_end0:
.L_simem_size_0:
called_computation.1_lowered:
.L_overlay_start_0:
0x88: {  	s2 =	sld [smem:$0x3FD9]  }
0x89: {  	s3 =	sld [smem:$0x3FFE];
	_ =	sdelay $0x1  }
0x8a: {  	s1 =	srdreg.scid  }
0x8b: {  	s0 =	sand.u32 $0x1, s1  }
0x8c: {  	s17 =	sshll.u32 s0, $0xA;
	s2 =	sadd.s32 s3, s2  }
0x8d: {  	s2 =	sadd.s32 s2, s17  }
0x8e: {  	[smem:$0x3FC4] =	sst s2  }
0x8f: {  	_ = 	snop  }
0x90: {  	s2 =	sld [smem:$0x3FD0];
	(tm) =	ssettm $0x1  }
0x91: {  	s18 =	sld [smem:$0x3FFB];
	_ =	sdelay $0x3  }
0x92: {  	_ =	strace s18  }
0x93: {  	s3 =	sld [smem:$0x3FFC];
	_ =	sdelay $0x3  }
0x94: {  	_ =	strace s3  }
0x95: {  	s3 =	sld [smem:$0x3FFD];
	_ =	sdelay $0x3  }
0x96: {  	_ =	strace s3  }
0x97: {  	_ =	strace $0x8FFFFFFF  }
0x98: {  	s19 =	sld [smem:$0x3FDB];
	_ =	sdelay $0x1  }
0x99: {  	s4 =	simm.s32 $_scs_section_size  }
0x9a: {  	s5 =	simm.s32 $_size__tile_overlayer_lowered;
	s6 =	simm.s32 $_tile_overlayer_lowered  }
0x9b: {  	s22 =	simm.s32 $0x1BFF;
	s21 =	sshll.u32 s6, $0x1;
	s3 =	sadd.s32 s4, s19  }
0x9c: {  	s7 =	simm.s32 $0x0;
	s20 =	sshll.u32 s5, $0x1;
	s5 =	sadd.s32 s21, s3  }
0x9d: {  	[timem:s7], [sflag:s22] =	dma.local [hbm:s5], s20  }
0x9e: {  	_ =	swait.ge [sflag:s22], s20  }
0x9f: {  	s4 =	ssub.s32 $0x0, s20;
	[sflag:s22] =	ssyncset.done $0x0  }
0xa0: {  	[sflag:s22] =	ssyncadd.s32 s4;
	_ =	sdelay $0x1  }
0xa1: {  	s23 =	simm.s32 $0x1B8B  }
0xa2: {  	_ =	swait.ge [sflag:s23], $0x1  }
0xa3: {  	[sflag:s23] =	ssyncset.done $0x0  }
0xa4: {  	s25 =	simm.s32 $0x1B8E;
	s24 =	sld [smem:$0x3FFE];
	[sflag:s23] =	ssyncadd.s32 $0xFFFFFFFF  }
0xa5: {  	s26 =	simm.s32 $execute0_lowered;
	[smem:$0x3FD2] =	sst s25  }
0xa6: {  	s5 =	sshll.u32 s26, $0x1;
	_ =	strace $0x80000049;
	[dreg:$0x1] =	wrdreg $0xFFFFFFFF  }
0xa7: {  	s28 =	simm.s32 $_size_execute0_lowered;
	s3 =	sadd.s32 s3, s5;
	[dreg:$0x0] =	wrdreg $0x0  }
0xa8: {  	s5 =	sshll.u32 s28, $0x1;
	[dreg:$0x2] =	wrdreg s3  }
0xa9: {  	[dreg:$0x3] =	wrdreg s5  }
0xaa: {  	[dreg:$0x4] =	wrdreg $0xC0  }
0xab: {  	_ =	task [dreg:s7], $0x5FFFF  }
0xac: {  	[dreg:$0x1] =	wrdreg $0xFFFFFFFF  }
0xad: {  	[dreg:$0x0] =	wrdreg $0x60  }
0xae: {  	[dreg:$0x2] =	wrdreg s24  }
0xaf: {  	[dreg:$0x3] =	wrdreg s2  }
0xb0: {  	[dreg:$0x4] =	wrdreg $0x9  }
0xb1: {  	_ =	task.clear_ibuf [dreg:s7], $0x5FFFF;
	_ =	strace $0x90000049  }
0xb2: {  	s29 =	simm.s32 $0x9;
	_ =	strace $0x8000004B  }
0xb3: {  	_ =	swait.ge [sflag:s29], $0x1  }
0xb4: {  	[sflag:s29] =	ssyncadd.s32 $0xFFFFFFFF  }
0xb5: {  	_ =	strace $0x9000004B  }
0xb6: {  	_ =	sfence  }
0xb7: {  	s30 =	sld [smem:$0x0];
	_ =	sdelay $0x2  }
0xb8: {  	s31 =	sshll.u32 s1, $0xD;
	s1 =	sshrl.u32 s1, $0x2  }
0xb9: {  	s3 =	sand.u32 $0x4000, s31;
	s1 =	sadd.s32 s1, s30  }
0xba: {  	s0 =	sor.u32 s3, s0;
	s1 =	sshll.u32 s1, $0x11  }
0xbb: {  	s0 =	sor.u32 s1, s0  }
0xbc: {  	s0 =	sadd.s32 $0x8F2B, s0  }
0xbd: {  	[sflag:s0] =	ssyncadd.remote.s32 $0x1  }
0xbe: {  	_ =	sfence.sel $0xFFFF  }
0xbf: {  	[dreg:$0x0] =	wrdreg $0xFFFFFFFF;
	(pc) =	sbr.abs _section_cstart, $3  }
0xc0: {  	[dreg:$0x1] =	wrdreg $0xFFFFFFFF  }
0xc1: {  	_ =	task.clear_ibuf [dreg:s7], $0x2FFFF;
	_ =	strace $0x9FFFFFFF  }
0xc2: {  	(tm) =	ssettm $0x7FFFFFFF  }
0xc3: {  	_ =	shalt  }
tec
execute0_lowered:
.L_overlay_start_1:
0x0: {  	(tag) =	ssettag $0x1  }
0x1: {  	s0 =	rddreg [dreg:$0x0]  }
0x2: {  	s3 =	rddreg [dreg:$0x1];
	s2 =	simm.s32 $0x0  }
0x3: {  	s1 =	srdreg.scid;
	s14 =	simm.s32 $0xA00;
	[smem:$0x7FF] =	sst s2  }
0x4: {  	s15 =	simm.s32 $0x1200;
	_ =	strace $0x8000004A;
	[dreg:$0x7] =	wrdreg s14  }
0x5: {  	s9 =	stileid.u32;
	s16 =	simm.s32 $0x1A00;
	[dreg:$0x8] =	wrdreg s15  }
0x6: {  	s18 =	simm.s32 $0x2200;
	s20 =	simm.s32 $0x2A00;
	[dreg:$0x9] =	wrdreg s16  }
0x7: {  	s21 =	simm.s32 $0x3200;
	s22 =	simm.s32 $0x4A00;
	[dreg:$0xa] =	wrdreg s18  }
0x8: {  	s23 =	simm.s32 $0x5200;
	s6 =	sshll.u32 s9, $0x7;
	[dreg:$0xb] =	wrdreg s20  }
0x9: {  	s7 =	sshll.u32 s9, $0xE;
	s9 =	simm.s32 $0x3A00;
	[dreg:$0xc] =	wrdreg s21  }
0xa: {  	s24 =	simm.s32 $0x5A00;
	s25 =	simm.s32 $0x6200;
	[dreg:$0xd] =	wrdreg s9  }
0xb: {  	s26 =	simm.s32 $0x6A00;
	s28 =	simm.s32 $0xEA00;
	[dreg:$0xe] =	wrdreg s22  }
0xc: {  	s29 =	simm.s32 $0xF200;
	s30 =	simm.s32 $0xFA00;
	[dreg:$0xf] =	wrdreg s23  }
0xd: {  	s31 =	simm.s32 $0x1;
	s5 =	sand.u32 $0x1, s1;
	[dreg:$0x10] =	wrdreg s24  }
0xe: {  	s1 =	sshll.u32 s5, $0x6;
	s8 =	sshll.u32 s5, $0xD;
	[dreg:$0x11] =	wrdreg s25  }
0xf: {  	s5 =	ssub.s32 $0x2, s5;
	s9 =	simm.s32 $0x3;
	[dreg:$0x12] =	wrdreg s26  }
0x10: {  	s14 =	simm.s32 $0x8200;
	s15 =	simm.s32 $0x8A00;
	s16 =	simm.s32 $0x9200  }
0x11: {  	s18 =	simm.s32 $0xA200;
	s20 =	simm.s32 $0xB200;
	s21 =	simm.s32 $0xBA00  }
0x12: {  	s22 =	simm.s32 $0xC200;
	s23 =	simm.s32 $0xCA00;
	s24 =	simm.s32 $0xD200  }
0x13: {  	s25 =	simm.s32 $0xDA00;
	s26 =	simm.s32 $0xE200;
	s4 =	sadd.s32 s1, s0  }
0x14: {  	s10 =	sor.u32 s8, s7;
	s17 =	sshrl.u32 s5, $0x1;
	s7 =	sadd.s32 $0x1500, s0  }
0x15: {  	s4 =	sadd.s32 s6, s4;
	s3 =	sadd.s32 s3, s10;
	s19 =	ssub.s32 s5, s17  }
0x16: {  	s5 =	sadd.s32 $0x1300, s0;
	s6 =	sadd.s32 $0x1400, s0;
	s4 =	sadd.s32 $0x61200, s4  }
0x17: {  	s10 =	simm.s32 $0x200;
	s11 =	sadd.s32 $0x800, s3;
	[dreg:$0x3] =	wrdreg s4  }
0x18: {  	s17 =	simm.s32 $0x9A00;
	s12 =	sadd.s32 $0x1000, s3;
	[dreg:$0x4] =	wrdreg s11  }
0x19: {  	v2 =	vlaneseq.u32;
	s13 =	sadd.s32 $0x1800, s3;
	s8 =	smax.u32 s19, $0x1;
	[dreg:$0x5] =	wrdreg s12  }
0x1a: {  	vm0 =	vmmov $0xffff;
	v1 =	vshrl.u32 v2, $0x3;
	s19 =	simm.s32 $0xAA00;
	[dreg:$0x6] =	wrdreg s13;
	s4 =	sadd.s32 $0x1200, s0  }
0x1b: {  	v0 =	vand.u32 $0x7, v2;
	v2 =	vor.u32 $0x8, v2;
	v1 =	vmul.u32 $0x8, v1;
	s11 =	simm.s32 $0x4200;
	s13 =	simm.s32 $0x7A00;
	s0 =	simm.s32 $0x2  }
.LBB2_1:
0x1c: {  	s1 =	rddreg [dreg:$0x3]  }
0x1d: {  	[tilespmem:s2], [sflag:$0x3] =	stream.linear.gather [hbm4b:s1+s2], $0x200, $0x38;
	[tilespmem:$0x10200] =	vst v63  }
0x1e: {  	_ =	swait.ge [sflag:s9], $0x200  }
0x1f: {  	[sflag:s9] =	ssyncset.done $0x0  }
0x20: {  	[sflag:s9] =	ssyncadd.s32 $0xFFFFFE00  }
0x21: {  	v3 =	vld [tilespmem:$0x0];
	_ =	sdelay $0x4  }
0x22: {  	v4 =	vshll.u32 v3, $0x3  }
0x23: {  	v3 =	vand.u32 $0x7, v3;
	v4 =	vand.u32 $0xFFFFFFC0, v4  }
0x24: {  	v3 =	vor.u32 v3, v4  }
0x25: {  	v4 =	vperm.xlane v3, v0;
	_ =	sdelay $0x1  }
0x26: {  	v4 =	vadd.s32 v1, v4;
	_ =	sdelay $0x4  }
0x27: {  	[tilespmem:s10], [sflag:$0x1] =	stream.indirect_vreg.gather [hbm4b:s4+s2], $0x80, v4, vm0, $0xb8;
	[tilespmem:$0x10200] =	vst v63  }
0x28: {  	s1 =	rddreg [dreg:$0x7];
	v3 =	vperm.xlane v3, v2  }
0x29: {  	[tilespmem:s1], [sflag:$0x1] =	stream.indirect_vreg.gather [hbm4b:s5+s2], $0x80, v4, vm0, $0xb8;
	[tilespmem:$0x10200] =	vst v63  }
0x2a: {  	s12 =	rddreg [dreg:$0x8];
	v3 =	vadd.s32 v1, v3  }
0x2b: {  	[tilespmem:s12], [sflag:$0x1] =	stream.indirect_vreg.gather [hbm4b:s6+s2], $0x80, v4, vm0, $0xb8;
	[tilespmem:$0x10200] =	vst v63  }
0x2c: {  	s1 =	rddreg [dreg:$0x9]  }
0x2d: {  	[tilespmem:s1], [sflag:$0x1] =	stream.indirect_vreg.gather [hbm4b:s7+s2], $0x80, v4, vm0, $0xb8;
	[tilespmem:$0x10200] =	vst v63  }
0x2e: {  	s12 =	rddreg [dreg:$0xa]  }
0x2f: {  	[tilespmem:s12], [sflag:$0x1] =	stream.indirect_vreg.gather [hbm4b:s4+s2], $0x80, v3, vm0, $0xb8;
	[tilespmem:$0x10200] =	vst v63  }
0x30: {  	s1 =	rddreg [dreg:$0xb]  }
0x31: {  	[tilespmem:s1], [sflag:$0x1] =	stream.indirect_vreg.gather [hbm4b:s5+s2], $0x80, v3, vm0, $0xb8;
	[tilespmem:$0x10200] =	vst v63  }
0x32: {  	s12 =	rddreg [dreg:$0xc]  }
0x33: {  	[tilespmem:s12], [sflag:$0x1] =	stream.indirect_vreg.gather [hbm4b:s6+s2], $0x80, v3, vm0, $0xb8;
	[tilespmem:$0x10200] =	vst v63  }
0x34: {  	s1 =	rddreg [dreg:$0xd]  }
0x35: {  	[tilespmem:s1], [sflag:$0x1] =	stream.indirect_vreg.gather [hbm4b:s7+s2], $0x80, v3, vm0, $0xb8;
	[tilespmem:$0x10200] =	vst v63  }
0x36: {  	v3 =	vld [tilespmem:$0x80];
	_ =	sdelay $0x4  }
0x37: {  	v61 =	vshll.u32 v3, $0x3  }
0x38: {  	v3 =	vand.u32 $0x7, v3;
	v4 =	vand.u32 $0xFFFFFFC0, v61  }
0x39: {  	v3 =	vor.u32 v3, v4  }
0x3a: {  	v4 =	vperm.xlane v3, v0;
	_ =	sdelay $0x1  }
0x3b: {  	v4 =	vadd.s32 v1, v4;
	_ =	sdelay $0x4  }
0x3c: {  	[tilespmem:s11], [sflag:$0x1] =	stream.indirect_vreg.gather [hbm4b:s4+s2], $0x80, v4, vm0, $0xb8;
	[tilespmem:$0x10200] =	vst v63  }
0x3d: {  	s1 =	rddreg [dreg:$0xe];
	v3 =	vperm.xlane v3, v2  }
0x3e: {  	[tilespmem:s1], [sflag:$0x1] =	stream.indirect_vreg.gather [hbm4b:s5+s2], $0x80, v4, vm0, $0xb8;
	[tilespmem:$0x10200] =	vst v63  }
0x3f: {  	s12 =	rddreg [dreg:$0xf];
	v3 =	vadd.s32 v1, v3  }
0x40: {  	[tilespmem:s12], [sflag:$0x1] =	stream.indirect_vreg.gather [hbm4b:s6+s2], $0x80, v4, vm0, $0xb8;
	[tilespmem:$0x10200] =	vst v63  }
0x41: {  	s1 =	rddreg [dreg:$0x10]  }
0x42: {  	[tilespmem:s1], [sflag:$0x1] =	stream.indirect_vreg.gather [hbm4b:s7+s2], $0x80, v4, vm0, $0xb8;
	[tilespmem:$0x10200] =	vst v63  }
0x43: {  	s12 =	rddreg [dreg:$0x11]  }
0x44: {  	[tilespmem:s12], [sflag:$0x1] =	stream.indirect_vreg.gather [hbm4b:s4+s2], $0x80, v3, vm0, $0xb8;
	[tilespmem:$0x10200] =	vst v63  }
0x45: {  	s1 =	rddreg [dreg:$0x12]  }
0x46: {  	[tilespmem:s1], [sflag:$0x1] =	stream.indirect_vreg.gather [hbm4b:s5+s2], $0x80, v3, vm0, $0xb8;
	[tilespmem:$0x10200] =	vst v63  }
0x47: {  	s12 =	simm.s32 $0x7200  }
0x48: {  	[tilespmem:s12], [sflag:$0x1] =	stream.indirect_vreg.gather [hbm4b:s6+s2], $0x80, v3, vm0, $0xb8;
	[tilespmem:$0x10200] =	vst v63  }
0x49: {  	_ = 	snop  }
0x4a: {  	[tilespmem:s13], [sflag:$0x1] =	stream.indirect_vreg.gather [hbm4b:s7+s2], $0x80, v3, vm0, $0xb8;
	[tilespmem:$0x10200] =	vst v63  }
0x4b: {  	v3 =	vld [tilespmem:$0x100];
	_ =	sdelay $0x4  }
0x4c: {  	v62 =	vshll.u32 v3, $0x3  }
0x4d: {  	v3 =	vand.u32 $0x7, v3;
	v4 =	vand.u32 $0xFFFFFFC0, v62  }
0x4e: {  	v3 =	vor.u32 v3, v4  }
0x4f: {  	v4 =	vperm.xlane v3, v0;
	_ =	sdelay $0x1  }
0x50: {  	v4 =	vadd.s32 v1, v4;
	_ =	sdelay $0x4  }
0x51: {  	[tilespmem:s14], [sflag:$0x1] =	stream.indirect_vreg.gather [hbm4b:s4+s2], $0x80, v4, vm0, $0xb8;
	[tilespmem:$0x10200] =	vst v63  }
0x52: {  	v3 =	vperm.xlane v3, v2  }
0x53: {  	[tilespmem:s15], [sflag:$0x1] =	stream.indirect_vreg.gather [hbm4b:s5+s2], $0x80, v4, vm0, $0xb8;
	[tilespmem:$0x10200] =	vst v63  }
0x54: {  	v3 =	vadd.s32 v1, v3  }
0x55: {  	[tilespmem:s16], [sflag:$0x1] =	stream.indirect_vreg.gather [hbm4b:s6+s2], $0x80, v4, vm0, $0xb8;
	[tilespmem:$0x10200] =	vst v63  }
0x56: {  	_ = 	snop  }
0x57: {  	[tilespmem:s17], [sflag:$0x1] =	stream.indirect_vreg.gather [hbm4b:s7+s2], $0x80, v4, vm0, $0xb8;
	[tilespmem:$0x10200] =	vst v63  }
0x58: {  	_ = 	snop  }
0x59: {  	[tilespmem:s18], [sflag:$0x1] =	stream.indirect_vreg.gather [hbm4b:s4+s2], $0x80, v3, vm0, $0xb8;
	[tilespmem:$0x10200] =	vst v63  }
0x5a: {  	_ = 	snop  }
0x5b: {  	[tilespmem:s19], [sflag:$0x1] =	stream.indirect_vreg.gather [hbm4b:s5+s2], $0x80, v3, vm0, $0xb8;
	[tilespmem:$0x10200] =	vst v63  }
0x5c: {  	_ = 	snop  }
0x5d: {  	[tilespmem:s20], [sflag:$0x1] =	stream.indirect_vreg.gather [hbm4b:s6+s2], $0x80, v3, vm0, $0xb8;
	[tilespmem:$0x10200] =	vst v63  }
0x5e: {  	_ = 	snop  }
0x5f: {  	[tilespmem:s21], [sflag:$0x1] =	stream.indirect_vreg.gather [hbm4b:s7+s2], $0x80, v3, vm0, $0xb8;
	[tilespmem:$0x10200] =	vst v63  }
0x60: {  	v3 =	vld [tilespmem:$0x180];
	_ =	sdelay $0x4  }
0x61: {  	v63 =	vshll.u32 v3, $0x3  }
0x62: {  	v3 =	vand.u32 $0x7, v3;
	v4 =	vand.u32 $0xFFFFFFC0, v63  }
0x63: {  	v3 =	vor.u32 v3, v4  }
0x64: {  	v4 =	vperm.xlane v3, v0;
	_ =	sdelay $0x1  }
0x65: {  	v4 =	vadd.s32 v1, v4;
	_ =	sdelay $0x4  }
0x66: {  	[tilespmem:s22], [sflag:$0x1] =	stream.indirect_vreg.gather [hbm4b:s4+s2], $0x80, v4, vm0, $0xb8;
	[tilespmem:$0x10200] =	vst v63  }
0x67: {  	v3 =	vperm.xlane v3, v2  }
0x68: {  	[tilespmem:s23], [sflag:$0x1] =	stream.indirect_vreg.gather [hbm4b:s5+s2], $0x80, v4, vm0, $0xb8;
	[tilespmem:$0x10200] =	vst v63  }
0x69: {  	v3 =	vadd.s32 v1, v3  }
0x6a: {  	[tilespmem:s24], [sflag:$0x1] =	stream.indirect_vreg.gather [hbm4b:s6+s2], $0x80, v4, vm0, $0xb8;
	[tilespmem:$0x10200] =	vst v63  }
0x6b: {  	_ = 	snop  }
0x6c: {  	[tilespmem:s25], [sflag:$0x1] =	stream.indirect_vreg.gather [hbm4b:s7+s2], $0x80, v4, vm0, $0xb8;
	[tilespmem:$0x10200] =	vst v63  }
0x6d: {  	_ = 	snop  }
0x6e: {  	[tilespmem:s26], [sflag:$0x1] =	stream.indirect_vreg.gather [hbm4b:s4+s2], $0x80, v3, vm0, $0xb8;
	[tilespmem:$0x10200] =	vst v63  }
0x6f: {  	_ = 	snop  }
0x70: {  	[tilespmem:s28], [sflag:$0x1] =	stream.indirect_vreg.gather [hbm4b:s5+s2], $0x80, v3, vm0, $0xb8;
	[tilespmem:$0x10200] =	vst v63  }
0x71: {  	_ = 	snop  }
0x72: {  	[tilespmem:s29], [sflag:$0x1] =	stream.indirect_vreg.gather [hbm4b:s6+s2], $0x80, v3, vm0, $0xb8;
	[tilespmem:$0x10200] =	vst v63  }
0x73: {  	_ = 	snop  }
0x74: {  	[tilespmem:s30], [sflag:$0x1] =	stream.indirect_vreg.gather [hbm4b:s7+s2], $0x80, v3, vm0, $0xb8;
	[tilespmem:$0x10200] =	vst v63  }
0x75: {  	_ =	swait.ge [sflag:s31], $0x4000  }
0x76: {  	[sflag:s31] =	ssyncset.done $0x0  }
0x77: {  	[sflag:s31] =	ssyncadd.s32 $0xFFFFC000  }
0x78: {  	[hbm4b:s3+s2] =	stream.linear.scatter [tilespmem:s10], [sflag:$0x2], $0x4000, $0x38;
	[tilespmem:$0x10200] =	vst v63  }
0x79: {  	_ =	swait.ge [sflag:s31], $0x4000  }
0x7a: {  	[sflag:s31] =	ssyncset.done $0x0  }
0x7b: {  	s12 =	rddreg [dreg:$0x4];
	[sflag:s31] =	ssyncadd.s32 $0xFFFFC000  }
0x7c: {  	[hbm4b:s12+s2] =	stream.linear.scatter [tilespmem:s11], [sflag:$0x2], $0x4000, $0x38;
	[tilespmem:$0x10200] =	vst v63  }
0x7d: {  	_ =	swait.ge [sflag:s31], $0x4000  }
0x7e: {  	[sflag:s31] =	ssyncset.done $0x0  }
0x7f: {  	s12 =	rddreg [dreg:$0x5];
	[sflag:s31] =	ssyncadd.s32 $0xFFFFC000  }
0x80: {  	[hbm4b:s12+s2] =	stream.linear.scatter [tilespmem:s14], [sflag:$0x2], $0x4000, $0x38;
	[tilespmem:$0x10200] =	vst v63  }
0x81: {  	_ =	swait.ge [sflag:s31], $0x4000  }
0x82: {  	[sflag:s31] =	ssyncset.done $0x0  }
0x83: {  	s12 =	rddreg [dreg:$0x6];
	[sflag:s31] =	ssyncadd.s32 $0xFFFFC000  }
0x84: {  	[hbm4b:s12+s2] =	stream.linear.scatter [tilespmem:s22], [sflag:$0x2], $0x4000, $0x38;
	[tilespmem:$0x10200] =	vst v63  }
0x85: {  	_ =	swait.ge [sflag:s0], $0x4000  }
0x86: {  	[sflag:s0] =	ssyncset.done $0x0  }
0x87: {  	[sflag:s0] =	ssyncadd.s32 $0xFFFFC000  }
0x88: {  	_ =	swait.ge [sflag:s0], $0x4000  }
0x89: {  	[sflag:s0] =	ssyncset.done $0x0  }
0x8a: {  	[sflag:s0] =	ssyncadd.s32 $0xFFFFC000  }
0x8b: {  	p0 =	sne.s32 s8, $0x1;
	_ =	swait.ge [sflag:s0], $0x4000  }
.Ltmp0:
0x8c: {  	[sflag:s0] =	ssyncset.done $0x0;
	(pc) =	sbr.rel @p0 .LBB2_1-.Ltmp0, $4  }
0x8d: {  	[sflag:s0] =	ssyncadd.s32 $0xFFFFC000  }
0x8e: {  	_ =	swait.ge [sflag:s0], $0x4000  }
0x8f: {  	[sflag:s0] =	ssyncset.done $0x0  }
0x90: {  	s8 =	sadd.s32 $0xFFFFFFFF, s8;
	[sflag:s0] =	ssyncadd.s32 $0xFFFFC000  }
0x91: {  	_ =	sfence.sel $0x180000  }
0x92: {  	[bflag:$0x0] =	sbarrier.arrive $0xFFFF  }
0x93: {  	_ =	strace $0x9000004A  }
0x94: {  	s0 =	stileid.u32;
	[bflag:$0x2] =	sbarrier.arrive $0xFFFF  }
0x95: {  	p0 =	sne.s32 s0, $0x0;
	s0 =	rddreg [dreg:$0x2]  }
0x96: {  	s0 =	sadd.s32 @!p0 $0x100000, s0  }
0x97: {  	[sflag:s0] =	ssyncadd.tile.s32 @!p0 $0x1;
	_ =	shalt  }
.Lfunc_end2:
_tile_overlayer_lowered:
.L_overlay_start_2:
0x98: {  	(tag) =	ssettag $0x2  }
0x99: {  	s0 =	rddreg [dreg:$0x0];
	s2 =	stileid.u32  }
0x9a: {  	s1 =	rddreg [dreg:$0x1];
	p0 =	sne.s32 s2, $0x0  }
0x9b: {  	s3 =	rddreg [dreg:$0x2];
	[bflag:$0x3] =	sbarrier.arrive $0xFFFF;
	s2 =	simm.s32 @!p0 $0x1C03  }
0x9c: {  	[timem:s3], [sflag:s2] =	dma.local @!p0 [hbm:s0], s1  }
0x9d: {  	s0 =	simm.s32 @!p0 $0x3  }
0x9e: {  	_ =	swait.ge @!p0 [sflag:s0], s1  }
0x9f: {  	s1 =	ssub.s32 @!p0 $0x0, s1;
	[sflag:s0] =	ssyncset.done @!p0 $0x0  }
0xa0: {  	[sflag:s0] =	ssyncadd.s32 @!p0 s1  }
0xa1: {  	[bflag:$0x3] =	sbarrier.arrive $0xFFFF  }
0xa2: {  	_ =	shalt  }

</sc_bundles>
